<compile_context>
chip_gen: v7x
topology: tpu7x:2x2x1
jax: 0.10.2.dev20260603
libtpu: 0.0.44.dev20260713+nightly
codegen_flags: <defaults>
</compile_context>

<pallas_src>
import jax
import jax.numpy as jnp
from jax import lax
from jax.experimental import pallas as pl
from jax.experimental.pallas import tpu as pltpu

B = 64
EMB = 256
DIM = 1024
K = 8192
F32 = jnp.float32

NBUF = 3


def _row_copies(xf_hbm, xl_hbm, xbuf, sem, r, slot):
    cps = []
    for c in range(8):
        p = 8 * r + c
        cps.append(pltpu.make_async_copy(
            xf_hbm.at[:, p, :], xbuf.at[slot, c], sem.at[slot]))
        cps.append(pltpu.make_async_copy(
            xl_hbm.at[:, p, :], xbuf.at[slot, 8 + c], sem.at[slot]))
    return cps


def _body(xf_hbm, xl_hbm, win_ref, bin_ref, w1_ref, c1b_ref, w2_ref, c2b_ref,
          cb_hbm, rv_ref, wout_hbm, bout_ref, out_ref, p_ref,
          proj_s, xbuf, e_s, cb_s, wout_s, cc_s, sem, wsem):
    r = pl.program_id(0)
    cb_cp = pltpu.make_async_copy(cb_hbm, cb_s, wsem.at[0])
    wout_cp = pltpu.make_async_copy(wout_hbm, wout_s, wsem.at[1])

    @pl.when(r == 0)
    def _prime():
        for cp in _row_copies(xf_hbm, xl_hbm, xbuf, sem, 0, 0):
            cp.start()
        for cp in _row_copies(xf_hbm, xl_hbm, xbuf, sem, 1, 1):
            cp.start()

    @pl.when(r < 6)
    def _prefetch():
        for cp in _row_copies(xf_hbm, xl_hbm, xbuf, sem, r + 2, (r + 2) % NBUF):
            cp.start()

    @pl.when(r == 2)
    def _fetch_cb():
        cb_cp.start()

    @pl.when(r == 5)
    def _fetch_wout():
        wout_cp.start()

    slot = r % NBUF
    for cp in _row_copies(xf_hbm, xl_hbm, xbuf, sem, r, slot):
        cp.wait()

    xrow = xbuf[slot].reshape(16 * B, DIM)
    prow = jnp.dot(xrow, win_ref[...], preferred_element_type=F32) + bin_ref[...]
    for c in range(8):
        gs = (2 * (r % 2) + (c % 2)) * 16 + (r // 2) * 4 + (c // 2)
        proj_s[gs, pl.ds(0, B)] = prow[c * B:(c + 1) * B]
        proj_s[gs, pl.ds(B, B)] = prow[(8 + c) * B:(9 + c) * B]

    @pl.when(r % 2 == 1)
    def _conv_row():
        i = (r - 1) // 2
        z1 = jnp.zeros((1, 2 * B, EMB), F32)

        def shift_j(t):
            return jnp.concatenate([z1, t[0:3]], axis=0)

        acc = c1b_ref[...].astype(F32)
        for kh in range(3):
            for kw in range(3):
                a = 0 if kh == 1 else 1
                b = 0 if kw == 1 else 1
                g = a * 2 + b
                if kh == 0:
                    base = g * 16 + (i - 1) * 4
                    t = jnp.where(i > 0,
                                  proj_s[pl.ds(jnp.maximum(base, 0), 4)], 0.0)
                else:
                    t = proj_s[pl.ds(g * 16 + i * 4, 4)]
                if kw == 0:
                    t = shift_j(t)
                acc = acc + lax.dot_general(
                    t.reshape(4 * 2 * B, EMB), w1_ref[kh * 3 + kw],
                    (((1,), (1,)), ((), ())), preferred_element_type=F32)
        y = jnp.maximum(acc, 0.0)
        y3 = y.reshape(4, 2 * B, EMB)
        part = c2b_ref[...].astype(F32) * 0.25
        for j in range(4):
            part = part + lax.dot_general(
                y3[j], w2_ref[i, j], (((1,), (1,)), ((), ())),
                preferred_element_type=F32)

        @pl.when(r == 1)
        def _init():
            e_s[...] = part

        @pl.when(r > 1)
        def _accum():
            e_s[...] = e_s[...] + part

    @pl.when(r == 6)
    def _codebook_norms():
        cb_cp.wait()
        cb = cb_s[...]
        cc_s[...] = lax.dot_general(jnp.ones((1, EMB), F32), cb * cb,
                                    (((1,), (1,)), ((), ())),
                                    preferred_element_type=F32)

    @pl.when(r == 7)
    def _final():
        e = e_s[...]
        z = e[B:] - e[:B]

        zc = lax.dot_general(z, cb_s[...], (((1,), (1,)), ((), ())),
                             preferred_element_type=F32)
        d = cc_s[...] - 2.0 * zc
        dmin = jnp.min(d, axis=1, keepdims=True)

        zz = jnp.sum(z * z, axis=1, keepdims=True)
        nq = jnp.sqrt(jnp.maximum(dmin + zz, 0.0))
        rv = rv_ref[...]
        nr = jnp.sqrt(jnp.sum(rv * rv, axis=1, keepdims=True))
        q = z + (nq / (nr + 1e-12)) * rv
        wout_cp.wait()
        out = jnp.dot(q, wout_s[...], preferred_element_type=F32) + bout_ref[...]
        out_ref[...] = out.reshape(B, 1, DIM)

        m = (d <= dmin).astype(F32)
        colcnt = lax.dot_general(jnp.ones((1, B), F32), m,
                                 (((1,), (0,)), ((), ())),
                                 preferred_element_type=F32)
        cnt = lax.dot_general(m, colcnt, (((1,), (1,)), ((), ())),
                              preferred_element_type=F32)
        h = -jnp.sum(jnp.log(cnt * (1.0 / B) + 1e-10)) * (1.0 / B)
        p_ref[...] = jnp.exp(h).reshape(1, 1)


def kernel(input_data_first, input_data_last, codebooks, Win, b_in, Wout, b_out, c1w, c1b, c2w, c2b):
    oc = lax.broadcasted_iota(jnp.int32, (9, EMB * EMB), 1)
    tt = lax.broadcasted_iota(jnp.int32, (9, EMB * EMB), 0)
    w1 = jnp.take(c1w.reshape(-1), (oc * 9 + tt).reshape(-1)
                  ).reshape(9, EMB, EMB)
    oc2 = lax.broadcasted_iota(jnp.int32, (16, EMB * EMB), 1)
    tt2 = lax.broadcasted_iota(jnp.int32, (16, EMB * EMB), 0)
    w2 = jnp.take(c2w.reshape(-1), (oc2 * 16 + tt2).reshape(-1)
                  ).reshape(4, 4, EMB, EMB)
    rv = jax.random.normal(jax.random.key(42), (B, EMB), dtype=F32)

    const = lambda shape: pl.BlockSpec(shape, lambda r: (0,) * len(shape))
    out, p = pl.pallas_call(
        _body,
        grid=(8,),
        in_specs=[
            pl.BlockSpec(memory_space=pl.ANY),
            pl.BlockSpec(memory_space=pl.ANY),
            const((DIM, EMB)),
            const((1, EMB)),
            const((9, EMB, EMB)),
            const((1, EMB)),
            const((4, 4, EMB, EMB)),
            const((1, EMB)),
            pl.BlockSpec(memory_space=pl.ANY),
            const((B, EMB)),
            pl.BlockSpec(memory_space=pl.ANY),
            const((1, DIM)),
        ],
        out_specs=[
            const((B, 1, DIM)),
            const((1, 1)),
        ],
        out_shape=[
            jax.ShapeDtypeStruct((B, 1, DIM), F32),
            jax.ShapeDtypeStruct((1, 1), F32),
        ],
        scratch_shapes=[
            pltpu.VMEM((64, 2 * B, EMB), F32),
            pltpu.VMEM((NBUF, 16, B, DIM), F32),
            pltpu.VMEM((2 * B, EMB), F32),
            pltpu.VMEM((K, EMB), F32),
            pltpu.VMEM((EMB, DIM), F32),
            pltpu.VMEM((1, K), F32),
            pltpu.SemaphoreType.DMA((NBUF,)),
            pltpu.SemaphoreType.DMA((2,)),
        ],
    )(input_data_first, input_data_last,
      Win, b_in.reshape(1, EMB), w1, c1b.reshape(1, EMB), w2,
      c2b.reshape(1, EMB), codebooks, rv, Wout, b_out.reshape(1, DIM))

    return out, p.reshape(())

# --- scband reference (transcript-rebuilt; emitter-appended) ---
"""Pipeline reference for scband-nsvq-17763984736624 (READ-ONLY COPY).

The authoritative reference and input builder live on the scoring server;
editing this copy changes nothing except your own understanding.
"""

import jax, jax.numpy as jnp
import numpy as np

IMAGE_SIZE = 256
PATCH = 32
EMB = 256
DIM = 1024
K = 8192
B = 64
GRID = IMAGE_SIZE // PATCH  # 8


def _conv(x, w, b, stride, pad):
    y = jax.lax.conv_general_dilated(
        x, w, window_strides=(stride, stride),
        padding=((pad, pad), (pad, pad)),
        dimension_numbers=('NCHW', 'OIHW', 'NCHW'))
    return y + b.reshape(1, -1, 1, 1)


def _encode(x, Win, b_in, c1w, c1b, c2w, c2b):
    # project_in: [B, 64, DIM] -> [B, 64, EMB]
    x = x @ Win + b_in
    # permute + reshape to [B, EMB, 8, 8]
    x = jnp.transpose(x, (0, 2, 1)).reshape(B, EMB, GRID, GRID)
    # conv1: k3 s2 p1 -> [B, EMB, 4, 4]
    x = _conv(x, c1w, c1b, 2, 1)
    x = jax.nn.relu(x)
    # conv2: k4 s1 p0 -> [B, EMB, 1, 1]
    x = jax.lax.conv_general_dilated(
        x, c2w, window_strides=(1, 1), padding='VALID',
        dimension_numbers=('NCHW', 'OIHW', 'NCHW')) + c2b.reshape(1, -1, 1, 1)
    x = x.reshape(B, EMB, -1)
    x = jnp.transpose(x, (0, 2, 1)).reshape(-1, EMB)
    return x


def setup_inputs(seed: int = 0) -> dict:
    key = jax.random.key(seed)
    ks = jax.random.split(key, 8)
    inp = {}
    inp['input_data_first'] = jax.random.normal(ks[0], (B, GRID * GRID, DIM), dtype=jnp.float32)
    inp['input_data_last'] = jax.random.normal(ks[1], (B, GRID * GRID, DIM), dtype=jnp.float32)
    inp['codebooks'] = jax.random.normal(ks[2], (K, EMB), dtype=jnp.float32)
    inp['Win'] = jax.random.normal(ks[3], (DIM, EMB), dtype=jnp.float32) * (1.0 / np.sqrt(DIM))
    inp['b_in'] = jnp.zeros((EMB,), dtype=jnp.float32)
    inp['Wout'] = jax.random.normal(ks[4], (EMB, DIM), dtype=jnp.float32) * (1.0 / np.sqrt(EMB))
    inp['b_out'] = jnp.zeros((DIM,), dtype=jnp.float32)
    inp['c1w'] = jax.random.normal(ks[5], (EMB, EMB, 3, 3), dtype=jnp.float32) * (1.0 / np.sqrt(EMB * 9))
    inp['c1b'] = jnp.zeros((EMB,), dtype=jnp.float32)
    inp['c2w'] = jax.random.normal(ks[6], (EMB, EMB, 4, 4), dtype=jnp.float32) * (1.0 / np.sqrt(EMB * 16))
    inp['c2b'] = jnp.zeros((EMB,), dtype=jnp.float32)
    return inp


def reference(input_data_first, input_data_last, codebooks, Win, b_in, Wout, b_out, c1w, c1b, c2w, c2b):
    eps = 1e-12
    e1 = _encode(input_data_first, Win, b_in, c1w, c1b, c2w, c2b)
    e2 = _encode(input_data_last, Win, b_in, c1w, c1b, c2w, c2b)
    z = e2 - e1  # [N, EMB], N = B * 1
    # pairwise squared distances to codebook entries
    d = (jnp.sum(z ** 2, axis=1, keepdims=True)
         - 2.0 * (z @ codebooks.T)
         + jnp.sum(codebooks.T ** 2, axis=0, keepdims=True))
    idx = jnp.argmin(d, axis=1)
    hard = codebooks[idx]
    # NSVQ noise substitution trick
    rv = jax.random.normal(jax.random.key(42), z.shape, dtype=jnp.float32)
    nq = jnp.sqrt(jnp.sum((z - hard) ** 2, axis=1, keepdims=True))
    nr = jnp.sqrt(jnp.sum(rv ** 2, axis=1, keepdims=True))
    vq_error = (nq / (nr + eps)) * rv
    quantized = z + vq_error
    # perplexity
    onehot = jax.nn.one_hot(idx, K, dtype=jnp.float32)
    avg = jnp.mean(onehot, axis=0)
    perplexity = jnp.exp(-jnp.sum(avg * jnp.log(avg + 1e-10)))
    # decode
    q = quantized.reshape(B, EMB, -1)
    q = jnp.transpose(q, (0, 2, 1))
    out = q @ Wout + b_out  # [B, 1, DIM]
    return out, perplexity

if __name__ == "__main__":
    import jax
    _d = setup_inputs()
    print(jax.jit(kernel)(*tuple(_d.values())))

</pallas_src>

<mosaic_0001>
module attributes {stable_mosaic.version = 14 : i64} {
  func.func @_body(%arg0: i32, %arg1: memref<64x64x1024xf32, #tpu.memory_space<any>>, %arg2: memref<64x64x1024xf32, #tpu.memory_space<any>>, %arg3: memref<1024x256xf32, #tpu.memory_space<vmem>>, %arg4: memref<1x256xf32, #tpu.memory_space<vmem>>, %arg5: memref<9x256x256xf32, #tpu.memory_space<vmem>>, %arg6: memref<1x256xf32, #tpu.memory_space<vmem>>, %arg7: memref<4x4x256x256xf32, #tpu.memory_space<vmem>>, %arg8: memref<1x256xf32, #tpu.memory_space<vmem>>, %arg9: memref<8192x256xf32, #tpu.memory_space<any>>, %arg10: memref<64x256xf32, #tpu.memory_space<vmem>>, %arg11: memref<256x1024xf32, #tpu.memory_space<any>>, %arg12: memref<1x1024xf32, #tpu.memory_space<vmem>>, %arg13: memref<64x1x1024xf32, #tpu.memory_space<vmem>>, %arg14: memref<1x1xf32, #tpu.memory_space<vmem>>, %arg15: memref<64x128x256xf32, #tpu.memory_space<vmem>>, %arg16: memref<3x16x64x1024xf32, #tpu.memory_space<vmem>>, %arg17: memref<128x256xf32, #tpu.memory_space<vmem>>, %arg18: memref<8192x256xf32, #tpu.memory_space<vmem>>, %arg19: memref<256x1024xf32, #tpu.memory_space<vmem>>, %arg20: memref<1x8192xf32, #tpu.memory_space<vmem>>, %arg21: memref<3x!tpu.dma_semaphore, #tpu.memory_space<semaphore_mem>>, %arg22: memref<2x!tpu.dma_semaphore, #tpu.memory_space<semaphore_mem>>) attributes {dimension_semantics = [#tpu.dimension_semantics<arbitrary>], iteration_bounds = array<i64: 8>, scalar_prefetch = 0 : i64, scratch_operands = 8 : i64, tpu.core_type = #tpu.core_type<tc>, window_params = [{}, {}, {pipeline_mode = #tpu.pipeline_mode<synchronous>, transform_indices = @transform_2, window_bounds = array<i64: 1024, 256>}, {pipeline_mode = #tpu.pipeline_mode<synchronous>, transform_indices = @transform_3, window_bounds = array<i64: 1, 256>}, {pipeline_mode = #tpu.pipeline_mode<synchronous>, transform_indices = @transform_4, window_bounds = array<i64: 9, 256, 256>}, {pipeline_mode = #tpu.pipeline_mode<synchronous>, transform_indices = @transform_5, window_bounds = array<i64: 1, 256>}, {pipeline_mode = #tpu.pipeline_mode<synchronous>, transform_indices = @transform_6, window_bounds = array<i64: 4, 4, 256, 256>}, {pipeline_mode = #tpu.pipeline_mode<synchronous>, transform_indices = @transform_7, window_bounds = array<i64: 1, 256>}, {}, {pipeline_mode = #tpu.pipeline_mode<synchronous>, transform_indices = @transform_9, window_bounds = array<i64: 64, 256>}, {}, {pipeline_mode = #tpu.pipeline_mode<synchronous>, transform_indices = @transform_11, window_bounds = array<i64: 1, 1024>}, {pipeline_mode = #tpu.pipeline_mode<synchronous>, transform_indices = @transform_12, window_bounds = array<i64: 64, 1, 1024>}, {pipeline_mode = #tpu.pipeline_mode<synchronous>, transform_indices = @transform_13, window_bounds = array<i64: 1, 1>}]} {
    %eq3A = arith.constant 0 : i32
    %eq3A_0 = arith.cmpi eq, %arg0, %eq3A : i32
    %convert_element_type3A = arith.extui %eq3A_0 : i1 to i32
    %cond3A = arith.constant 0 : i32
    %cond3A_1 = arith.cmpi ne, %convert_element_type3A, %cond3A : i32
    scf.if %cond3A_1 {
      %dma_start3A = arith.constant 0 : i32
      %dma_start3A_796 = arith.constant 0 : i32
      %dma_start3A_797 = arith.constant 0 : i32
      %dma_start3A_798 = arith.constant 0 : i32
      %dma_start3A_799 = tpu.memref_slice %arg21[%dma_start3A_798] : memref<3x!tpu.dma_semaphore, #tpu.memory_space<semaphore_mem>> -> memref<1x!tpu.dma_semaphore, #tpu.memory_space<semaphore_mem>>
      %dma_start3A_800 = tpu.memref_squeeze %dma_start3A_799 : memref<1x!tpu.dma_semaphore, #tpu.memory_space<semaphore_mem>> -> memref<!tpu.dma_semaphore, #tpu.memory_space<semaphore_mem>>
      %dma_start3A_801 = arith.constant 0 : i32
      %dma_start3A_802 = arith.constant 0 : i32
      %dma_start3A_803 = tpu.memref_slice %arg16[%dma_start3A_796, %dma_start3A_797, %dma_start3A_801, %dma_start3A_802] : memref<3x16x64x1024xf32, #tpu.memory_space<vmem>> -> memref<1x1x64x1024xf32, #tpu.memory_space<vmem>>
      %dma_start3A_804 = tpu.memref_squeeze %dma_start3A_803 : memref<1x1x64x1024xf32, #tpu.memory_space<vmem>> -> memref<64x1024xf32, #tpu.memory_space<vmem>>
      %dma_start3A_805 = arith.constant 0 : i32
      %dma_start3A_806 = arith.constant 0 : i32
      %dma_start3A_807 = tpu.memref_slice %arg1[%dma_start3A_805, %dma_start3A, %dma_start3A_806] : memref<64x64x1024xf32, #tpu.memory_space<any>> -> memref<64x1x1024xf32, #tpu.memory_space<any>>
      %dma_start3A_808 = tpu.memref_squeeze %dma_start3A_807 : memref<64x1x1024xf32, #tpu.memory_space<any>> -> memref<64x1024xf32, #tpu.memory_space<any>>
      tpu.enqueue_dma source(%dma_start3A_808 : memref<64x1024xf32, #tpu.memory_space<any>>) target(%dma_start3A_804 : memref<64x1024xf32, #tpu.memory_space<vmem>>) target_semaphore(%dma_start3A_800 : memref<!tpu.dma_semaphore, #tpu.memory_space<semaphore_mem>>)
      %dma_start3A_809 = arith.constant 0 : i32
      %dma_start3A_810 = arith.constant 0 : i32
      %dma_start3A_811 = arith.constant 8 : i32
      %dma_start3A_812 = arith.constant 0 : i32
      %dma_start3A_813 = tpu.memref_slice %arg21[%dma_start3A_812] : memref<3x!tpu.dma_semaphore, #tpu.memory_space<semaphore_mem>> -> memref<1x!tpu.dma_semaphore, #tpu.memory_space<semaphore_mem>>
      %dma_start3A_814 = tpu.memref_squeeze %dma_start3A_813 : memref<1x!tpu.dma_semaphore, #tpu.memory_space<semaphore_mem>> -> memref<!tpu.dma_semaphore, #tpu.memory_space<semaphore_mem>>
      %dma_start3A_815 = arith.constant 0 : i32
      %dma_start3A_816 = arith.constant 0 : i32
      %dma_start3A_817 = tpu.memref_slice %arg16[%dma_start3A_810, %dma_start3A_811, %dma_start3A_815, %dma_start3A_816] : memref<3x16x64x1024xf32, #tpu.memory_space<vmem>> -> memref<1x1x64x1024xf32, #tpu.memory_space<vmem>>
      %dma_start3A_818 = tpu.memref_squeeze %dma_start3A_817 : memref<1x1x64x1024xf32, #tpu.memory_space<vmem>> -> memref<64x1024xf32, #tpu.memory_space<vmem>>
      %dma_start3A_819 = arith.constant 0 : i32
      %dma_start3A_820 = arith.constant 0 : i32
      %dma_start3A_821 = tpu.memref_slice %arg2[%dma_start3A_819, %dma_start3A_809, %dma_start3A_820] : memref<64x64x1024xf32, #tpu.memory_space<any>> -> memref<64x1x1024xf32, #tpu.memory_space<any>>
      %dma_start3A_822 = tpu.memref_squeeze %dma_start3A_821 : memref<64x1x1024xf32, #tpu.memory_space<any>> -> memref<64x1024xf32, #tpu.memory_space<any>>
      tpu.enqueue_dma source(%dma_start3A_822 : memref<64x1024xf32, #tpu.memory_space<any>>) target(%dma_start3A_818 : memref<64x1024xf32, #tpu.memory_space<vmem>>) target_semaphore(%dma_start3A_814 : memref<!tpu.dma_semaphore, #tpu.memory_space<semaphore_mem>>)
      %dma_start3A_823 = arith.constant 1 : i32
      %dma_start3A_824 = arith.constant 0 : i32
      %dma_start3A_825 = arith.constant 1 : i32
      %dma_start3A_826 = arith.constant 0 : i32
      %dma_start3A_827 = tpu.memref_slice %arg21[%dma_start3A_826] : memref<3x!tpu.dma_semaphore, #tpu.memory_space<semaphore_mem>> -> memref<1x!tpu.dma_semaphore, #tpu.memory_space<semaphore_mem>>
      %dma_start3A_828 = tpu.memref_squeeze %dma_start3A_827 : memref<1x!tpu.dma_semaphore, #tpu.memory_space<semaphore_mem>> -> memref<!tpu.dma_semaphore, #tpu.memory_space<semaphore_mem>>
      %dma_start3A_829 = arith.constant 0 : i32
      %dma_start3A_830 = arith.constant 0 : i32
      %dma_start3A_831 = tpu.memref_slice %arg16[%dma_start3A_824, %dma_start3A_825, %dma_start3A_829, %dma_start3A_830] : memref<3x16x64x1024xf32, #tpu.memory_space<vmem>> -> memref<1x1x64x1024xf32, #tpu.memory_space<vmem>>
      %dma_start3A_832 = tpu.memref_squeeze %dma_start3A_831 : memref<1x1x64x1024xf32, #tpu.memory_space<vmem>> -> memref<64x1024xf32, #tpu.memory_space<vmem>>
      %dma_start3A_833 = arith.constant 0 : i32
      %dma_start3A_834 = arith.constant 0 : i32
      %dma_start3A_835 = tpu.memref_slice %arg1[%dma_start3A_833, %dma_start3A_823, %dma_start3A_834] : memref<64x64x1024xf32, #tpu.memory_space<any>> -> memref<64x1x1024xf32, #tpu.memory_space<any>>
      %dma_start3A_836 = tpu.memref_squeeze %dma_start3A_835 : memref<64x1x1024xf32, #tpu.memory_space<any>> -> memref<64x1024xf32, #tpu.memory_space<any>>
      tpu.enqueue_dma source(%dma_start3A_836 : memref<64x1024xf32, #tpu.memory_space<any>>) target(%dma_start3A_832 : memref<64x1024xf32, #tpu.memory_space<vmem>>) target_semaphore(%dma_start3A_828 : memref<!tpu.dma_semaphore, #tpu.memory_space<semaphore_mem>>)
      %dma_start3A_837 = arith.constant 1 : i32
      %dma_start3A_838 = arith.constant 0 : i32
      %dma_start3A_839 = arith.constant 9 : i32
      %dma_start3A_840 = arith.constant 0 : i32
      %dma_start3A_841 = tpu.memref_slice %arg21[%dma_start3A_840] : memref<3x!tpu.dma_semaphore, #tpu.memory_space<semaphore_mem>> -> memref<1x!tpu.dma_semaphore, #tpu.memory_space<semaphore_mem>>
      %dma_start3A_842 = tpu.memref_squeeze %dma_start3A_841 : memref<1x!tpu.dma_semaphore, #tpu.memory_space<semaphore_mem>> -> memref<!tpu.dma_semaphore, #tpu.memory_space<semaphore_mem>>
      %dma_start3A_843 = arith.constant 0 : i32
      %dma_start3A_844 = arith.constant 0 : i32
      %dma_start3A_845 = tpu.memref_slice %arg16[%dma_start3A_838, %dma_start3A_839, %dma_start3A_843, %dma_start3A_844] : memref<3x16x64x1024xf32, #tpu.memory_space<vmem>> -> memref<1x1x64x1024xf32, #tpu.memory_space<vmem>>
      %dma_start3A_846 = tpu.memref_squeeze %dma_start3A_845 : memref<1x1x64x1024xf32, #tpu.memory_space<vmem>> -> memref<64x1024xf32, #tpu.memory_space<vmem>>
      %dma_start3A_847 = arith.constant 0 : i32
      %dma_start3A_848 = arith.constant 0 : i32
      %dma_start3A_849 = tpu.memref_slice %arg2[%dma_start3A_847, %dma_start3A_837, %dma_start3A_848] : memref<64x64x1024xf32, #tpu.memory_space<any>> -> memref<64x1x1024xf32, #tpu.memory_space<any>>
      %dma_start3A_850 = tpu.memref_squeeze %dma_start3A_849 : memref<64x1x1024xf32, #tpu.memory_space<any>> -> memref<64x1024xf32, #tpu.memory_space<any>>
      tpu.enqueue_dma source(%dma_start3A_850 : memref<64x1024xf32, #tpu.memory_space<any>>) target(%dma_start3A_846 : memref<64x1024xf32, #tpu.memory_space<vmem>>) target_semaphore(%dma_start3A_842 : memref<!tpu.dma_semaphore, #tpu.memory_space<semaphore_mem>>)
      %dma_start3A_851 = arith.constant 2 : i32
      %dma_start3A_852 = arith.constant 0 : i32
      %dma_start3A_853 = arith.constant 2 : i32
      %dma_start3A_854 = arith.constant 0 : i32
      %dma_start3A_855 = tpu.memref_slice %arg21[%dma_start3A_854] : memref<3x!tpu.dma_semaphore, #tpu.memory_space<semaphore_mem>> -> memref<1x!tpu.dma_semaphore, #tpu.memory_space<semaphore_mem>>
      %dma_start3A_856 = tpu.memref_squeeze %dma_start3A_855 : memref<1x!tpu.dma_semaphore, #tpu.memory_space<semaphore_mem>> -> memref<!tpu.dma_semaphore, #tpu.memory_space<semaphore_mem>>
      %dma_start3A_857 = arith.constant 0 : i32
      %dma_start3A_858 = arith.constant 0 : i32
      %dma_start3A_859 = tpu.memref_slice %arg16[%dma_start3A_852, %dma_start3A_853, %dma_start3A_857, %dma_start3A_858] : memref<3x16x64x1024xf32, #tpu.memory_space<vmem>> -> memref<1x1x64x1024xf32, #tpu.memory_space<vmem>>
      %dma_start3A_860 = tpu.memref_squeeze %dma_start3A_859 : memref<1x1x64x1024xf32, #tpu.memory_space<vmem>> -> memref<64x1024xf32, #tpu.memory_space<vmem>>
      %dma_start3A_861 = arith.constant 0 : i32
      %dma_start3A_862 = arith.constant 0 : i32
      %dma_start3A_863 = tpu.memref_slice %arg1[%dma_start3A_861, %dma_start3A_851, %dma_start3A_862] : memref<64x64x1024xf32, #tpu.memory_space<any>> -> memref<64x1x1024xf32, #tpu.memory_space<any>>
      %dma_start3A_864 = tpu.memref_squeeze %dma_start3A_863 : memref<64x1x1024xf32, #tpu.memory_space<any>> -> memref<64x1024xf32, #tpu.memory_space<any>>
      tpu.enqueue_dma source(%dma_start3A_864 : memref<64x1024xf32, #tpu.memory_space<any>>) target(%dma_start3A_860 : memref<64x1024xf32, #tpu.memory_space<vmem>>) target_semaphore(%dma_start3A_856 : memref<!tpu.dma_semaphore, #tpu.memory_space<semaphore_mem>>)
      %dma_start3A_865 = arith.constant 2 : i32
      %dma_start3A_866 = arith.constant 0 : i32
      %dma_start3A_867 = arith.constant 10 : i32
      %dma_start3A_868 = arith.constant 0 : i32
      %dma_start3A_869 = tpu.memref_slice %arg21[%dma_start3A_868] : memref<3x!tpu.dma_semaphore, #tpu.memory_space<semaphore_mem>> -> memref<1x!tpu.dma_semaphore, #tpu.memory_space<semaphore_mem>>
      %dma_start3A_870 = tpu.memref_squeeze %dma_start3A_869 : memref<1x!tpu.dma_semaphore, #tpu.memory_space<semaphore_mem>> -> memref<!tpu.dma_semaphore, #tpu.memory_space<semaphore_mem>>
      %dma_start3A_871 = arith.constant 0 : i32
      %dma_start3A_872 = arith.constant 0 : i32
      %dma_start3A_873 = tpu.memref_slice %arg16[%dma_start3A_866, %dma_start3A_867, %dma_start3A_871, %dma_start3A_872] : memref<3x16x64x1024xf32, #tpu.memory_space<vmem>> -> memref<1x1x64x1024xf32, #tpu.memory_space<vmem>>
      %dma_start3A_874 = tpu.memref_squeeze %dma_start3A_873 : memref<1x1x64x1024xf32, #tpu.memory_space<vmem>> -> memref<64x1024xf32, #tpu.memory_space<vmem>>
      %dma_start3A_875 = arith.constant 0 : i32
      %dma_start3A_876 = arith.constant 0 : i32
      %dma_start3A_877 = tpu.memref_slice %arg2[%dma_start3A_875, %dma_start3A_865, %dma_start3A_876] : memref<64x64x1024xf32, #tpu.memory_space<any>> -> memref<64x1x1024xf32, #tpu.memory_space<any>>
      %dma_start3A_878 = tpu.memref_squeeze %dma_start3A_877 : memref<64x1x1024xf32, #tpu.memory_space<any>> -> memref<64x1024xf32, #tpu.memory_space<any>>
      tpu.enqueue_dma source(%dma_start3A_878 : memref<64x1024xf32, #tpu.memory_space<any>>) target(%dma_start3A_874 : memref<64x1024xf32, #tpu.memory_space<vmem>>) target_semaphore(%dma_start3A_870 : memref<!tpu.dma_semaphore, #tpu.memory_space<semaphore_mem>>)
      %dma_start3A_879 = arith.constant 3 : i32
      %dma_start3A_880 = arith.constant 0 : i32
      %dma_start3A_881 = arith.constant 3 : i32
      %dma_start3A_882 = arith.constant 0 : i32
      %dma_start3A_883 = tpu.memref_slice %arg21[%dma_start3A_882] : memref<3x!tpu.dma_semaphore, #tpu.memory_space<semaphore_mem>> -> memref<1x!tpu.dma_semaphore, #tpu.memory_space<semaphore_mem>>
      %dma_start3A_884 = tpu.memref_squeeze %dma_start3A_883 : memref<1x!tpu.dma_semaphore, #tpu.memory_space<semaphore_mem>> -> memref<!tpu.dma_semaphore, #tpu.memory_space<semaphore_mem>>
      %dma_start3A_885 = arith.constant 0 : i32
      %dma_start3A_886 = arith.constant 0 : i32
      %dma_start3A_887 = tpu.memref_slice %arg16[%dma_start3A_880, %dma_start3A_881, %dma_start3A_885, %dma_start3A_886] : memref<3x16x64x1024xf32, #tpu.memory_space<vmem>> -> memref<1x1x64x1024xf32, #tpu.memory_space<vmem>>
      %dma_start3A_888 = tpu.memref_squeeze %dma_start3A_887 : memref<1x1x64x1024xf32, #tpu.memory_space<vmem>> -> memref<64x1024xf32, #tpu.memory_space<vmem>>
      %dma_start3A_889 = arith.constant 0 : i32
      %dma_start3A_890 = arith.constant 0 : i32
      %dma_start3A_891 = tpu.memref_slice %arg1[%dma_start3A_889, %dma_start3A_879, %dma_start3A_890] : memref<64x64x1024xf32, #tpu.memory_space<any>> -> memref<64x1x1024xf32, #tpu.memory_space<any>>
      %dma_start3A_892 = tpu.memref_squeeze %dma_start3A_891 : memref<64x1x1024xf32, #tpu.memory_space<any>> -> memref<64x1024xf32, #tpu.memory_space<any>>
      tpu.enqueue_dma source(%dma_start3A_892 : memref<64x1024xf32, #tpu.memory_space<any>>) target(%dma_start3A_888 : memref<64x1024xf32, #tpu.memory_space<vmem>>) target_semaphore(%dma_start3A_884 : memref<!tpu.dma_semaphore, #tpu.memory_space<semaphore_mem>>)
      %dma_start3A_893 = arith.constant 3 : i32
      %dma_start3A_894 = arith.constant 0 : i32
      %dma_start3A_895 = arith.constant 11 : i32
      %dma_start3A_896 = arith.constant 0 : i32
      %dma_start3A_897 = tpu.memref_slice %arg21[%dma_start3A_896] : memref<3x!tpu.dma_semaphore, #tpu.memory_space<semaphore_mem>> -> memref<1x!tpu.dma_semaphore, #tpu.memory_space<semaphore_mem>>
      %dma_start3A_898 = tpu.memref_squeeze %dma_start3A_897 : memref<1x!tpu.dma_semaphore, #tpu.memory_space<semaphore_mem>> -> memref<!tpu.dma_semaphore, #tpu.memory_space<semaphore_mem>>
      %dma_start3A_899 = arith.constant 0 : i32
      %dma_start3A_900 = arith.constant 0 : i32
      %dma_start3A_901 = tpu.memref_slice %arg16[%dma_start3A_894, %dma_start3A_895, %dma_start3A_899, %dma_start3A_900] : memref<3x16x64x1024xf32, #tpu.memory_space<vmem>> -> memref<1x1x64x1024xf32, #tpu.memory_space<vmem>>
      %dma_start3A_902 = tpu.memref_squeeze %dma_start3A_901 : memref<1x1x64x1024xf32, #tpu.memory_space<vmem>> -> memref<64x1024xf32, #tpu.memory_space<vmem>>
      %dma_start3A_903 = arith.constant 0 : i32
      %dma_start3A_904 = arith.constant 0 : i32
      %dma_start3A_905 = tpu.memref_slice %arg2[%dma_start3A_903, %dma_start3A_893, %dma_start3A_904] : memref<64x64x1024xf32, #tpu.memory_space<any>> -> memref<64x1x1024xf32, #tpu.memory_space<any>>
      %dma_start3A_906 = tpu.memref_squeeze %dma_start3A_905 : memref<64x1x1024xf32, #tpu.memory_space<any>> -> memref<64x1024xf32, #tpu.memory_space<any>>
      tpu.enqueue_dma source(%dma_start3A_906 : memref<64x1024xf32, #tpu.memory_space<any>>) target(%dma_start3A_902 : memref<64x1024xf32, #tpu.memory_space<vmem>>) target_semaphore(%dma_start3A_898 : memref<!tpu.dma_semaphore, #tpu.memory_space<semaphore_mem>>)
      %dma_start3A_907 = arith.constant 4 : i32
      %dma_start3A_908 = arith.constant 0 : i32
      %dma_start3A_909 = arith.constant 4 : i32
      %dma_start3A_910 = arith.constant 0 : i32
      %dma_start3A_911 = tpu.memref_slice %arg21[%dma_start3A_910] : memref<3x!tpu.dma_semaphore, #tpu.memory_space<semaphore_mem>> -> memref<1x!tpu.dma_semaphore, #tpu.memory_space<semaphore_mem>>
      %dma_start3A_912 = tpu.memref_squeeze %dma_start3A_911 : memref<1x!tpu.dma_semaphore, #tpu.memory_space<semaphore_mem>> -> memref<!tpu.dma_semaphore, #tpu.memory_space<semaphore_mem>>
      %dma_start3A_913 = arith.constant 0 : i32
      %dma_start3A_914 = arith.constant 0 : i32
      %dma_start3A_915 = tpu.memref_slice %arg16[%dma_start3A_908, %dma_start3A_909, %dma_start3A_913, %dma_start3A_914] : memref<3x16x64x1024xf32, #tpu.memory_space<vmem>> -> memref<1x1x64x1024xf32, #tpu.memory_space<vmem>>
      %dma_start3A_916 = tpu.memref_squeeze %dma_start3A_915 : memref<1x1x64x1024xf32, #tpu.memory_space<vmem>> -> memref<64x1024xf32, #tpu.memory_space<vmem>>
      %dma_start3A_917 = arith.constant 0 : i32
      %dma_start3A_918 = arith.constant 0 : i32
      %dma_start3A_919 = tpu.memref_slice %arg1[%dma_start3A_917, %dma_start3A_907, %dma_start3A_918] : memref<64x64x1024xf32, #tpu.memory_space<any>> -> memref<64x1x1024xf32, #tpu.memory_space<any>>
      %dma_start3A_920 = tpu.memref_squeeze %dma_start3A_919 : memref<64x1x1024xf32, #tpu.memory_space<any>> -> memref<64x1024xf32, #tpu.memory_space<any>>
      tpu.enqueue_dma source(%dma_start3A_920 : memref<64x1024xf32, #tpu.memory_space<any>>) target(%dma_start3A_916 : memref<64x1024xf32, #tpu.memory_space<vmem>>) target_semaphore(%dma_start3A_912 : memref<!tpu.dma_semaphore, #tpu.memory_space<semaphore_mem>>)
      %dma_start3A_921 = arith.constant 4 : i32
      %dma_start3A_922 = arith.constant 0 : i32
      %dma_start3A_923 = arith.constant 12 : i32
      %dma_start3A_924 = arith.constant 0 : i32
      %dma_start3A_925 = tpu.memref_slice %arg21[%dma_start3A_924] : memref<3x!tpu.dma_semaphore, #tpu.memory_space<semaphore_mem>> -> memref<1x!tpu.dma_semaphore, #tpu.memory_space<semaphore_mem>>
      %dma_start3A_926 = tpu.memref_squeeze %dma_start3A_925 : memref<1x!tpu.dma_semaphore, #tpu.memory_space<semaphore_mem>> -> memref<!tpu.dma_semaphore, #tpu.memory_space<semaphore_mem>>
      %dma_start3A_927 = arith.constant 0 : i32
      %dma_start3A_928 = arith.constant 0 : i32
      %dma_start3A_929 = tpu.memref_slice %arg16[%dma_start3A_922, %dma_start3A_923, %dma_start3A_927, %dma_start3A_928] : memref<3x16x64x1024xf32, #tpu.memory_space<vmem>> -> memref<1x1x64x1024xf32, #tpu.memory_space<vmem>>
      %dma_start3A_930 = tpu.memref_squeeze %dma_start3A_929 : memref<1x1x64x1024xf32, #tpu.memory_space<vmem>> -> memref<64x1024xf32, #tpu.memory_space<vmem>>
      %dma_start3A_931 = arith.constant 0 : i32
      %dma_start3A_932 = arith.constant 0 : i32
      %dma_start3A_933 = tpu.memref_slice %arg2[%dma_start3A_931, %dma_start3A_921, %dma_start3A_932] : memref<64x64x1024xf32, #tpu.memory_space<any>> -> memref<64x1x1024xf32, #tpu.memory_space<any>>
      %dma_start3A_934 = tpu.memref_squeeze %dma_start3A_933 : memref<64x1x1024xf32, #tpu.memory_space<any>> -> memref<64x1024xf32, #tpu.memory_space<any>>
      tpu.enqueue_dma source(%dma_start3A_934 : memref<64x1024xf32, #tpu.memory_space<any>>) target(%dma_start3A_930 : memref<64x1024xf32, #tpu.memory_space<vmem>>) target_semaphore(%dma_start3A_926 : memref<!tpu.dma_semaphore, #tpu.memory_space<semaphore_mem>>)
      %dma_start3A_935 = arith.constant 5 : i32
      %dma_start3A_936 = arith.constant 0 : i32
      %dma_start3A_937 = arith.constant 5 : i32
      %dma_start3A_938 = arith.constant 0 : i32
      %dma_start3A_939 = tpu.memref_slice %arg21[%dma_start3A_938] : memref<3x!tpu.dma_semaphore, #tpu.memory_space<semaphore_mem>> -> memref<1x!tpu.dma_semaphore, #tpu.memory_space<semaphore_mem>>
      %dma_start3A_940 = tpu.memref_squeeze %dma_start3A_939 : memref<1x!tpu.dma_semaphore, #tpu.memory_space<semaphore_mem>> -> memref<!tpu.dma_semaphore, #tpu.memory_space<semaphore_mem>>
      %dma_start3A_941 = arith.constant 0 : i32
      %dma_start3A_942 = arith.constant 0 : i32
      %dma_start3A_943 = tpu.memref_slice %arg16[%dma_start3A_936, %dma_start3A_937, %dma_start3A_941, %dma_start3A_942] : memref<3x16x64x1024xf32, #tpu.memory_space<vmem>> -> memref<1x1x64x1024xf32, #tpu.memory_space<vmem>>
      %dma_start3A_944 = tpu.memref_squeeze %dma_start3A_943 : memref<1x1x64x1024xf32, #tpu.memory_space<vmem>> -> memref<64x1024xf32, #tpu.memory_space<vmem>>
      %dma_start3A_945 = arith.constant 0 : i32
      %dma_start3A_946 = arith.constant 0 : i32
      %dma_start3A_947 = tpu.memref_slice %arg1[%dma_start3A_945, %dma_start3A_935, %dma_start3A_946] : memref<64x64x1024xf32, #tpu.memory_space<any>> -> memref<64x1x1024xf32, #tpu.memory_space<any>>
      %dma_start3A_948 = tpu.memref_squeeze %dma_start3A_947 : memref<64x1x1024xf32, #tpu.memory_space<any>> -> memref<64x1024xf32, #tpu.memory_space<any>>
      tpu.enqueue_dma source(%dma_start3A_948 : memref<64x1024xf32, #tpu.memory_space<any>>) target(%dma_start3A_944 : memref<64x1024xf32, #tpu.memory_space<vmem>>) target_semaphore(%dma_start3A_940 : memref<!tpu.dma_semaphore, #tpu.memory_space<semaphore_mem>>)
      %dma_start3A_949 = arith.constant 5 : i32
      %dma_start3A_950 = arith.constant 0 : i32
      %dma_start3A_951 = arith.constant 13 : i32
      %dma_start3A_952 = arith.constant 0 : i32
      %dma_start3A_953 = tpu.memref_slice %arg21[%dma_start3A_952] : memref<3x!tpu.dma_semaphore, #tpu.memory_space<semaphore_mem>> -> memref<1x!tpu.dma_semaphore, #tpu.memory_space<semaphore_mem>>
      %dma_start3A_954 = tpu.memref_squeeze %dma_start3A_953 : memref<1x!tpu.dma_semaphore, #tpu.memory_space<semaphore_mem>> -> memref<!tpu.dma_semaphore, #tpu.memory_space<semaphore_mem>>
      %dma_start3A_955 = arith.constant 0 : i32
      %dma_start3A_956 = arith.constant 0 : i32
      %dma_start3A_957 = tpu.memref_slice %arg16[%dma_start3A_950, %dma_start3A_951, %dma_start3A_955, %dma_start3A_956] : memref<3x16x64x1024xf32, #tpu.memory_space<vmem>> -> memref<1x1x64x1024xf32, #tpu.memory_space<vmem>>
      %dma_start3A_958 = tpu.memref_squeeze %dma_start3A_957 : memref<1x1x64x1024xf32, #tpu.memory_space<vmem>> -> memref<64x1024xf32, #tpu.memory_space<vmem>>
      %dma_start3A_959 = arith.constant 0 : i32
      %dma_start3A_960 = arith.constant 0 : i32
      %dma_start3A_961 = tpu.memref_slice %arg2[%dma_start3A_959, %dma_start3A_949, %dma_start3A_960] : memref<64x64x1024xf32, #tpu.memory_space<any>> -> memref<64x1x1024xf32, #tpu.memory_space<any>>
      %dma_start3A_962 = tpu.memref_squeeze %dma_start3A_961 : memref<64x1x1024xf32, #tpu.memory_space<any>> -> memref<64x1024xf32, #tpu.memory_space<any>>
      tpu.enqueue_dma source(%dma_start3A_962 : memref<64x1024xf32, #tpu.memory_space<any>>) target(%dma_start3A_958 : memref<64x1024xf32, #tpu.memory_space<vmem>>) target_semaphore(%dma_start3A_954 : memref<!tpu.dma_semaphore, #tpu.memory_space<semaphore_mem>>)
      %dma_start3A_963 = arith.constant 6 : i32
      %dma_start3A_964 = arith.constant 0 : i32
      %dma_start3A_965 = arith.constant 6 : i32
      %dma_start3A_966 = arith.constant 0 : i32
      %dma_start3A_967 = tpu.memref_slice %arg21[%dma_start3A_966] : memref<3x!tpu.dma_semaphore, #tpu.memory_space<semaphore_mem>> -> memref<1x!tpu.dma_semaphore, #tpu.memory_space<semaphore_mem>>
      %dma_start3A_968 = tpu.memref_squeeze %dma_start3A_967 : memref<1x!tpu.dma_semaphore, #tpu.memory_space<semaphore_mem>> -> memref<!tpu.dma_semaphore, #tpu.memory_space<semaphore_mem>>
      %dma_start3A_969 = arith.constant 0 : i32
      %dma_start3A_970 = arith.constant 0 : i32
      %dma_start3A_971 = tpu.memref_slice %arg16[%dma_start3A_964, %dma_start3A_965, %dma_start3A_969, %dma_start3A_970] : memref<3x16x64x1024xf32, #tpu.memory_space<vmem>> -> memref<1x1x64x1024xf32, #tpu.memory_space<vmem>>
      %dma_start3A_972 = tpu.memref_squeeze %dma_start3A_971 : memref<1x1x64x1024xf32, #tpu.memory_space<vmem>> -> memref<64x1024xf32, #tpu.memory_space<vmem>>
      %dma_start3A_973 = arith.constant 0 : i32
      %dma_start3A_974 = arith.constant 0 : i32
      %dma_start3A_975 = tpu.memref_slice %arg1[%dma_start3A_973, %dma_start3A_963, %dma_start3A_974] : memref<64x64x1024xf32, #tpu.memory_space<any>> -> memref<64x1x1024xf32, #tpu.memory_space<any>>
      %dma_start3A_976 = tpu.memref_squeeze %dma_start3A_975 : memref<64x1x1024xf32, #tpu.memory_space<any>> -> memref<64x1024xf32, #tpu.memory_space<any>>
      tpu.enqueue_dma source(%dma_start3A_976 : memref<64x1024xf32, #tpu.memory_space<any>>) target(%dma_start3A_972 : memref<64x1024xf32, #tpu.memory_space<vmem>>) target_semaphore(%dma_start3A_968 : memref<!tpu.dma_semaphore, #tpu.memory_space<semaphore_mem>>)
      %dma_start3A_977 = arith.constant 6 : i32
      %dma_start3A_978 = arith.constant 0 : i32
      %dma_start3A_979 = arith.constant 14 : i32
      %dma_start3A_980 = arith.constant 0 : i32
      %dma_start3A_981 = tpu.memref_slice %arg21[%dma_start3A_980] : memref<3x!tpu.dma_semaphore, #tpu.memory_space<semaphore_mem>> -> memref<1x!tpu.dma_semaphore, #tpu.memory_space<semaphore_mem>>
      %dma_start3A_982 = tpu.memref_squeeze %dma_start3A_981 : memref<1x!tpu.dma_semaphore, #tpu.memory_space<semaphore_mem>> -> memref<!tpu.dma_semaphore, #tpu.memory_space<semaphore_mem>>
      %dma_start3A_983 = arith.constant 0 : i32
      %dma_start3A_984 = arith.constant 0 : i32
      %dma_start3A_985 = tpu.memref_slice %arg16[%dma_start3A_978, %dma_start3A_979, %dma_start3A_983, %dma_start3A_984] : memref<3x16x64x1024xf32, #tpu.memory_space<vmem>> -> memref<1x1x64x1024xf32, #tpu.memory_space<vmem>>
      %dma_start3A_986 = tpu.memref_squeeze %dma_start3A_985 : memref<1x1x64x1024xf32, #tpu.memory_space<vmem>> -> memref<64x1024xf32, #tpu.memory_space<vmem>>
      %dma_start3A_987 = arith.constant 0 : i32
      %dma_start3A_988 = arith.constant 0 : i32
      %dma_start3A_989 = tpu.memref_slice %arg2[%dma_start3A_987, %dma_start3A_977, %dma_start3A_988] : memref<64x64x1024xf32, #tpu.memory_space<any>> -> memref<64x1x1024xf32, #tpu.memory_space<any>>
      %dma_start3A_990 = tpu.memref_squeeze %dma_start3A_989 : memref<64x1x1024xf32, #tpu.memory_space<any>> -> memref<64x1024xf32, #tpu.memory_space<any>>
      tpu.enqueue_dma source(%dma_start3A_990 : memref<64x1024xf32, #tpu.memory_space<any>>) target(%dma_start3A_986 : memref<64x1024xf32, #tpu.memory_space<vmem>>) target_semaphore(%dma_start3A_982 : memref<!tpu.dma_semaphore, #tpu.memory_space<semaphore_mem>>)
      %dma_start3A_991 = arith.constant 7 : i32
      %dma_start3A_992 = arith.constant 0 : i32
      %dma_start3A_993 = arith.constant 7 : i32
      %dma_start3A_994 = arith.constant 0 : i32
      %dma_start3A_995 = tpu.memref_slice %arg21[%dma_start3A_994] : memref<3x!tpu.dma_semaphore, #tpu.memory_space<semaphore_mem>> -> memref<1x!tpu.dma_semaphore, #tpu.memory_space<semaphore_mem>>
      %dma_start3A_996 = tpu.memref_squeeze %dma_start3A_995 : memref<1x!tpu.dma_semaphore, #tpu.memory_space<semaphore_mem>> -> memref<!tpu.dma_semaphore, #tpu.memory_space<semaphore_mem>>
      %dma_start3A_997 = arith.constant 0 : i32
      %dma_start3A_998 = arith.constant 0 : i32
      %dma_start3A_999 = tpu.memref_slice %arg16[%dma_start3A_992, %dma_start3A_993, %dma_start3A_997, %dma_start3A_998] : memref<3x16x64x1024xf32, #tpu.memory_space<vmem>> -> memref<1x1x64x1024xf32, #tpu.memory_space<vmem>>
      %dma_start3A_1000 = tpu.memref_squeeze %dma_start3A_999 : memref<1x1x64x1024xf32, #tpu.memory_space<vmem>> -> memref<64x1024xf32, #tpu.memory_space<vmem>>
      %dma_start3A_1001 = arith.constant 0 : i32
      %dma_start3A_1002 = arith.constant 0 : i32
      %dma_start3A_1003 = tpu.memref_slice %arg1[%dma_start3A_1001, %dma_start3A_991, %dma_start3A_1002] : memref<64x64x1024xf32, #tpu.memory_space<any>> -> memref<64x1x1024xf32, #tpu.memory_space<any>>
      %dma_start3A_1004 = tpu.memref_squeeze %dma_start3A_1003 : memref<64x1x1024xf32, #tpu.memory_space<any>> -> memref<64x1024xf32, #tpu.memory_space<any>>
      tpu.enqueue_dma source(%dma_start3A_1004 : memref<64x1024xf32, #tpu.memory_space<any>>) target(%dma_start3A_1000 : memref<64x1024xf32, #tpu.memory_space<vmem>>) target_semaphore(%dma_start3A_996 : memref<!tpu.dma_semaphore, #tpu.memory_space<semaphore_mem>>)
      %dma_start3A_1005 = arith.constant 7 : i32
      %dma_start3A_1006 = arith.constant 0 : i32
      %dma_start3A_1007 = arith.constant 15 : i32
      %dma_start3A_1008 = arith.constant 0 : i32
      %dma_start3A_1009 = tpu.memref_slice %arg21[%dma_start3A_1008] : memref<3x!tpu.dma_semaphore, #tpu.memory_space<semaphore_mem>> -> memref<1x!tpu.dma_semaphore, #tpu.memory_space<semaphore_mem>>
      %dma_start3A_1010 = tpu.memref_squeeze %dma_start3A_1009 : memref<1x!tpu.dma_semaphore, #tpu.memory_space<semaphore_mem>> -> memref<!tpu.dma_semaphore, #tpu.memory_space<semaphore_mem>>
      %dma_start3A_1011 = arith.constant 0 : i32
      %dma_start3A_1012 = arith.constant 0 : i32
      %dma_start3A_1013 = tpu.memref_slice %arg16[%dma_start3A_1006, %dma_start3A_1007, %dma_start3A_1011, %dma_start3A_1012] : memref<3x16x64x1024xf32, #tpu.memory_space<vmem>> -> memref<1x1x64x1024xf32, #tpu.memory_space<vmem>>
      %dma_start3A_1014 = tpu.memref_squeeze %dma_start3A_1013 : memref<1x1x64x1024xf32, #tpu.memory_space<vmem>> -> memref<64x1024xf32, #tpu.memory_space<vmem>>
      %dma_start3A_1015 = arith.constant 0 : i32
      %dma_start3A_1016 = arith.constant 0 : i32
      %dma_start3A_1017 = tpu.memref_slice %arg2[%dma_start3A_1015, %dma_start3A_1005, %dma_start3A_1016] : memref<64x64x1024xf32, #tpu.memory_space<any>> -> memref<64x1x1024xf32, #tpu.memory_space<any>>
      %dma_start3A_1018 = tpu.memref_squeeze %dma_start3A_1017 : memref<64x1x1024xf32, #tpu.memory_space<any>> -> memref<64x1024xf32, #tpu.memory_space<any>>
      tpu.enqueue_dma source(%dma_start3A_1018 : memref<64x1024xf32, #tpu.memory_space<any>>) target(%dma_start3A_1014 : memref<64x1024xf32, #tpu.memory_space<vmem>>) target_semaphore(%dma_start3A_1010 : memref<!tpu.dma_semaphore, #tpu.memory_space<semaphore_mem>>)
      %dma_start3A_1019 = arith.constant 8 : i32
      %dma_start3A_1020 = arith.constant 1 : i32
      %dma_start3A_1021 = arith.constant 0 : i32
      %dma_start3A_1022 = arith.constant 1 : i32
      %dma_start3A_1023 = tpu.memref_slice %arg21[%dma_start3A_1022] : memref<3x!tpu.dma_semaphore, #tpu.memory_space<semaphore_mem>> -> memref<1x!tpu.dma_semaphore, #tpu.memory_space<semaphore_mem>>
      %dma_start3A_1024 = tpu.memref_squeeze %dma_start3A_1023 : memref<1x!tpu.dma_semaphore, #tpu.memory_space<semaphore_mem>> -> memref<!tpu.dma_semaphore, #tpu.memory_space<semaphore_mem>>
      %dma_start3A_1025 = arith.constant 0 : i32
      %dma_start3A_1026 = arith.constant 0 : i32
      %dma_start3A_1027 = tpu.memref_slice %arg16[%dma_start3A_1020, %dma_start3A_1021, %dma_start3A_1025, %dma_start3A_1026] : memref<3x16x64x1024xf32, #tpu.memory_space<vmem>> -> memref<1x1x64x1024xf32, #tpu.memory_space<vmem>>
      %dma_start3A_1028 = tpu.memref_squeeze %dma_start3A_1027 : memref<1x1x64x1024xf32, #tpu.memory_space<vmem>> -> memref<64x1024xf32, #tpu.memory_space<vmem>>
      %dma_start3A_1029 = arith.constant 0 : i32
      %dma_start3A_1030 = arith.constant 0 : i32
      %dma_start3A_1031 = tpu.memref_slice %arg1[%dma_start3A_1029, %dma_start3A_1019, %dma_start3A_1030] : memref<64x64x1024xf32, #tpu.memory_space<any>> -> memref<64x1x1024xf32, #tpu.memory_space<any>>
      %dma_start3A_1032 = tpu.memref_squeeze %dma_start3A_1031 : memref<64x1x1024xf32, #tpu.memory_space<any>> -> memref<64x1024xf32, #tpu.memory_space<any>>
      tpu.enqueue_dma source(%dma_start3A_1032 : memref<64x1024xf32, #tpu.memory_space<any>>) target(%dma_start3A_1028 : memref<64x1024xf32, #tpu.memory_space<vmem>>) target_semaphore(%dma_start3A_1024 : memref<!tpu.dma_semaphore, #tpu.memory_space<semaphore_mem>>)
      %dma_start3A_1033 = arith.constant 8 : i32
      %dma_start3A_1034 = arith.constant 1 : i32
      %dma_start3A_1035 = arith.constant 8 : i32
      %dma_start3A_1036 = arith.constant 1 : i32
      %dma_start3A_1037 = tpu.memref_slice %arg21[%dma_start3A_1036] : memref<3x!tpu.dma_semaphore, #tpu.memory_space<semaphore_mem>> -> memref<1x!tpu.dma_semaphore, #tpu.memory_space<semaphore_mem>>
      %dma_start3A_1038 = tpu.memref_squeeze %dma_start3A_1037 : memref<1x!tpu.dma_semaphore, #tpu.memory_space<semaphore_mem>> -> memref<!tpu.dma_semaphore, #tpu.memory_space<semaphore_mem>>
      %dma_start3A_1039 = arith.constant 0 : i32
      %dma_start3A_1040 = arith.constant 0 : i32
      %dma_start3A_1041 = tpu.memref_slice %arg16[%dma_start3A_1034, %dma_start3A_1035, %dma_start3A_1039, %dma_start3A_1040] : memref<3x16x64x1024xf32, #tpu.memory_space<vmem>> -> memref<1x1x64x1024xf32, #tpu.memory_space<vmem>>
      %dma_start3A_1042 = tpu.memref_squeeze %dma_start3A_1041 : memref<1x1x64x1024xf32, #tpu.memory_space<vmem>> -> memref<64x1024xf32, #tpu.memory_space<vmem>>
      %dma_start3A_1043 = arith.constant 0 : i32
      %dma_start3A_1044 = arith.constant 0 : i32
      %dma_start3A_1045 = tpu.memref_slice %arg2[%dma_start3A_1043, %dma_start3A_1033, %dma_start3A_1044] : memref<64x64x1024xf32, #tpu.memory_space<any>> -> memref<64x1x1024xf32, #tpu.memory_space<any>>
      %dma_start3A_1046 = tpu.memref_squeeze %dma_start3A_1045 : memref<64x1x1024xf32, #tpu.memory_space<any>> -> memref<64x1024xf32, #tpu.memory_space<any>>
      tpu.enqueue_dma source(%dma_start3A_1046 : memref<64x1024xf32, #tpu.memory_space<any>>) target(%dma_start3A_1042 : memref<64x1024xf32, #tpu.memory_space<vmem>>) target_semaphore(%dma_start3A_1038 : memref<!tpu.dma_semaphore, #tpu.memory_space<semaphore_mem>>)
      %dma_start3A_1047 = arith.constant 9 : i32
      %dma_start3A_1048 = arith.constant 1 : i32
      %dma_start3A_1049 = arith.constant 1 : i32
      %dma_start3A_1050 = arith.constant 1 : i32
      %dma_start3A_1051 = tpu.memref_slice %arg21[%dma_start3A_1050] : memref<3x!tpu.dma_semaphore, #tpu.memory_space<semaphore_mem>> -> memref<1x!tpu.dma_semaphore, #tpu.memory_space<semaphore_mem>>
      %dma_start3A_1052 = tpu.memref_squeeze %dma_start3A_1051 : memref<1x!tpu.dma_semaphore, #tpu.memory_space<semaphore_mem>> -> memref<!tpu.dma_semaphore, #tpu.memory_space<semaphore_mem>>
      %dma_start3A_1053 = arith.constant 0 : i32
      %dma_start3A_1054 = arith.constant 0 : i32
      %dma_start3A_1055 = tpu.memref_slice %arg16[%dma_start3A_1048, %dma_start3A_1049, %dma_start3A_1053, %dma_start3A_1054] : memref<3x16x64x1024xf32, #tpu.memory_space<vmem>> -> memref<1x1x64x1024xf32, #tpu.memory_space<vmem>>
      %dma_start3A_1056 = tpu.memref_squeeze %dma_start3A_1055 : memref<1x1x64x1024xf32, #tpu.memory_space<vmem>> -> memref<64x1024xf32, #tpu.memory_space<vmem>>
      %dma_start3A_1057 = arith.constant 0 : i32
      %dma_start3A_1058 = arith.constant 0 : i32
      %dma_start3A_1059 = tpu.memref_slice %arg1[%dma_start3A_1057, %dma_start3A_1047, %dma_start3A_1058] : memref<64x64x1024xf32, #tpu.memory_space<any>> -> memref<64x1x1024xf32, #tpu.memory_space<any>>
      %dma_start3A_1060 = tpu.memref_squeeze %dma_start3A_1059 : memref<64x1x1024xf32, #tpu.memory_space<any>> -> memref<64x1024xf32, #tpu.memory_space<any>>
      tpu.enqueue_dma source(%dma_start3A_1060 : memref<64x1024xf32, #tpu.memory_space<any>>) target(%dma_start3A_1056 : memref<64x1024xf32, #tpu.memory_space<vmem>>) target_semaphore(%dma_start3A_1052 : memref<!tpu.dma_semaphore, #tpu.memory_space<semaphore_mem>>)
      %dma_start3A_1061 = arith.constant 9 : i32
      %dma_start3A_1062 = arith.constant 1 : i32
      %dma_start3A_1063 = arith.constant 9 : i32
      %dma_start3A_1064 = arith.constant 1 : i32
      %dma_start3A_1065 = tpu.memref_slice %arg21[%dma_start3A_1064] : memref<3x!tpu.dma_semaphore, #tpu.memory_space<semaphore_mem>> -> memref<1x!tpu.dma_semaphore, #tpu.memory_space<semaphore_mem>>
      %dma_start3A_1066 = tpu.memref_squeeze %dma_start3A_1065 : memref<1x!tpu.dma_semaphore, #tpu.memory_space<semaphore_mem>> -> memref<!tpu.dma_semaphore, #tpu.memory_space<semaphore_mem>>
      %dma_start3A_1067 = arith.constant 0 : i32
      %dma_start3A_1068 = arith.constant 0 : i32
      %dma_start3A_1069 = tpu.memref_slice %arg16[%dma_start3A_1062, %dma_start3A_1063, %dma_start3A_1067, %dma_start3A_1068] : memref<3x16x64x1024xf32, #tpu.memory_space<vmem>> -> memref<1x1x64x1024xf32, #tpu.memory_space<vmem>>
      %dma_start3A_1070 = tpu.memref_squeeze %dma_start3A_1069 : memref<1x1x64x1024xf32, #tpu.memory_space<vmem>> -> memref<64x1024xf32, #tpu.memory_space<vmem>>
      %dma_start3A_1071 = arith.constant 0 : i32
      %dma_start3A_1072 = arith.constant 0 : i32
      %dma_start3A_1073 = tpu.memref_slice %arg2[%dma_start3A_1071, %dma_start3A_1061, %dma_start3A_1072] : memref<64x64x1024xf32, #tpu.memory_space<any>> -> memref<64x1x1024xf32, #tpu.memory_space<any>>
      %dma_start3A_1074 = tpu.memref_squeeze %dma_start3A_1073 : memref<64x1x1024xf32, #tpu.memory_space<any>> -> memref<64x1024xf32, #tpu.memory_space<any>>
      tpu.enqueue_dma source(%dma_start3A_1074 : memref<64x1024xf32, #tpu.memory_space<any>>) target(%dma_start3A_1070 : memref<64x1024xf32, #tpu.memory_space<vmem>>) target_semaphore(%dma_start3A_1066 : memref<!tpu.dma_semaphore, #tpu.memory_space<semaphore_mem>>)
      %dma_start3A_1075 = arith.constant 10 : i32
      %dma_start3A_1076 = arith.constant 1 : i32
      %dma_start3A_1077 = arith.constant 2 : i32
      %dma_start3A_1078 = arith.constant 1 : i32
      %dma_start3A_1079 = tpu.memref_slice %arg21[%dma_start3A_1078] : memref<3x!tpu.dma_semaphore, #tpu.memory_space<semaphore_mem>> -> memref<1x!tpu.dma_semaphore, #tpu.memory_space<semaphore_mem>>
      %dma_start3A_1080 = tpu.memref_squeeze %dma_start3A_1079 : memref<1x!tpu.dma_semaphore, #tpu.memory_space<semaphore_mem>> -> memref<!tpu.dma_semaphore, #tpu.memory_space<semaphore_mem>>
      %dma_start3A_1081 = arith.constant 0 : i32
      %dma_start3A_1082 = arith.constant 0 : i32
      %dma_start3A_1083 = tpu.memref_slice %arg16[%dma_start3A_1076, %dma_start3A_1077, %dma_start3A_1081, %dma_start3A_1082] : memref<3x16x64x1024xf32, #tpu.memory_space<vmem>> -> memref<1x1x64x1024xf32, #tpu.memory_space<vmem>>
      %dma_start3A_1084 = tpu.memref_squeeze %dma_start3A_1083 : memref<1x1x64x1024xf32, #tpu.memory_space<vmem>> -> memref<64x1024xf32, #tpu.memory_space<vmem>>
      %dma_start3A_1085 = arith.constant 0 : i32
      %dma_start3A_1086 = arith.constant 0 : i32
      %dma_start3A_1087 = tpu.memref_slice %arg1[%dma_start3A_1085, %dma_start3A_1075, %dma_start3A_1086] : memref<64x64x1024xf32, #tpu.memory_space<any>> -> memref<64x1x1024xf32, #tpu.memory_space<any>>
      %dma_start3A_1088 = tpu.memref_squeeze %dma_start3A_1087 : memref<64x1x1024xf32, #tpu.memory_space<any>> -> memref<64x1024xf32, #tpu.memory_space<any>>
      tpu.enqueue_dma source(%dma_start3A_1088 : memref<64x1024xf32, #tpu.memory_space<any>>) target(%dma_start3A_1084 : memref<64x1024xf32, #tpu.memory_space<vmem>>) target_semaphore(%dma_start3A_1080 : memref<!tpu.dma_semaphore, #tpu.memory_space<semaphore_mem>>)
      %dma_start3A_1089 = arith.constant 10 : i32
      %dma_start3A_1090 = arith.constant 1 : i32
      %dma_start3A_1091 = arith.constant 10 : i32
      %dma_start3A_1092 = arith.constant 1 : i32
      %dma_start3A_1093 = tpu.memref_slice %arg21[%dma_start3A_1092] : memref<3x!tpu.dma_semaphore, #tpu.memory_space<semaphore_mem>> -> memref<1x!tpu.dma_semaphore, #tpu.memory_space<semaphore_mem>>
      %dma_start3A_1094 = tpu.memref_squeeze %dma_start3A_1093 : memref<1x!tpu.dma_semaphore, #tpu.memory_space<semaphore_mem>> -> memref<!tpu.dma_semaphore, #tpu.memory_space<semaphore_mem>>
      %dma_start3A_1095 = arith.constant 0 : i32
      %dma_start3A_1096 = arith.constant 0 : i32
      %dma_start3A_1097 = tpu.memref_slice %arg16[%dma_start3A_1090, %dma_start3A_1091, %dma_start3A_1095, %dma_start3A_1096] : memref<3x16x64x1024xf32, #tpu.memory_space<vmem>> -> memref<1x1x64x1024xf32, #tpu.memory_space<vmem>>
      %dma_start3A_1098 = tpu.memref_squeeze %dma_start3A_1097 : memref<1x1x64x1024xf32, #tpu.memory_space<vmem>> -> memref<64x1024xf32, #tpu.memory_space<vmem>>
      %dma_start3A_1099 = arith.constant 0 : i32
      %dma_start3A_1100 = arith.constant 0 : i32
      %dma_start3A_1101 = tpu.memref_slice %arg2[%dma_start3A_1099, %dma_start3A_1089, %dma_start3A_1100] : memref<64x64x1024xf32, #tpu.memory_space<any>> -> memref<64x1x1024xf32, #tpu.memory_space<any>>
      %dma_start3A_1102 = tpu.memref_squeeze %dma_start3A_1101 : memref<64x1x1024xf32, #tpu.memory_space<any>> -> memref<64x1024xf32, #tpu.memory_space<any>>
      tpu.enqueue_dma source(%dma_start3A_1102 : memref<64x1024xf32, #tpu.memory_space<any>>) target(%dma_start3A_1098 : memref<64x1024xf32, #tpu.memory_space<vmem>>) target_semaphore(%dma_start3A_1094 : memref<!tpu.dma_semaphore, #tpu.memory_space<semaphore_mem>>)
      %dma_start3A_1103 = arith.constant 11 : i32
      %dma_start3A_1104 = arith.constant 1 : i32
      %dma_start3A_1105 = arith.constant 3 : i32
      %dma_start3A_1106 = arith.constant 1 : i32
      %dma_start3A_1107 = tpu.memref_slice %arg21[%dma_start3A_1106] : memref<3x!tpu.dma_semaphore, #tpu.memory_space<semaphore_mem>> -> memref<1x!tpu.dma_semaphore, #tpu.memory_space<semaphore_mem>>
      %dma_start3A_1108 = tpu.memref_squeeze %dma_start3A_1107 : memref<1x!tpu.dma_semaphore, #tpu.memory_space<semaphore_mem>> -> memref<!tpu.dma_semaphore, #tpu.memory_space<semaphore_mem>>
      %dma_start3A_1109 = arith.constant 0 : i32
      %dma_start3A_1110 = arith.constant 0 : i32
      %dma_start3A_1111 = tpu.memref_slice %arg16[%dma_start3A_1104, %dma_start3A_1105, %dma_start3A_1109, %dma_start3A_1110] : memref<3x16x64x1024xf32, #tpu.memory_space<vmem>> -> memref<1x1x64x1024xf32, #tpu.memory_space<vmem>>
      %dma_start3A_1112 = tpu.memref_squeeze %dma_start3A_1111 : memref<1x1x64x1024xf32, #tpu.memory_space<vmem>> -> memref<64x1024xf32, #tpu.memory_space<vmem>>
      %dma_start3A_1113 = arith.constant 0 : i32
      %dma_start3A_1114 = arith.constant 0 : i32
      %dma_start3A_1115 = tpu.memref_slice %arg1[%dma_start3A_1113, %dma_start3A_1103, %dma_start3A_1114] : memref<64x64x1024xf32, #tpu.memory_space<any>> -> memref<64x1x1024xf32, #tpu.memory_space<any>>
      %dma_start3A_1116 = tpu.memref_squeeze %dma_start3A_1115 : memref<64x1x1024xf32, #tpu.memory_space<any>> -> memref<64x1024xf32, #tpu.memory_space<any>>
      tpu.enqueue_dma source(%dma_start3A_1116 : memref<64x1024xf32, #tpu.memory_space<any>>) target(%dma_start3A_1112 : memref<64x1024xf32, #tpu.memory_space<vmem>>) target_semaphore(%dma_start3A_1108 : memref<!tpu.dma_semaphore, #tpu.memory_space<semaphore_mem>>)
      %dma_start3A_1117 = arith.constant 11 : i32
      %dma_start3A_1118 = arith.constant 1 : i32
      %dma_start3A_1119 = arith.constant 11 : i32
      %dma_start3A_1120 = arith.constant 1 : i32
      %dma_start3A_1121 = tpu.memref_slice %arg21[%dma_start3A_1120] : memref<3x!tpu.dma_semaphore, #tpu.memory_space<semaphore_mem>> -> memref<1x!tpu.dma_semaphore, #tpu.memory_space<semaphore_mem>>
      %dma_start3A_1122 = tpu.memref_squeeze %dma_start3A_1121 : memref<1x!tpu.dma_semaphore, #tpu.memory_space<semaphore_mem>> -> memref<!tpu.dma_semaphore, #tpu.memory_space<semaphore_mem>>
      %dma_start3A_1123 = arith.constant 0 : i32
      %dma_start3A_1124 = arith.constant 0 : i32
      %dma_start3A_1125 = tpu.memref_slice %arg16[%dma_start3A_1118, %dma_start3A_1119, %dma_start3A_1123, %dma_start3A_1124] : memref<3x16x64x1024xf32, #tpu.memory_space<vmem>> -> memref<1x1x64x1024xf32, #tpu.memory_space<vmem>>
      %dma_start3A_1126 = tpu.memref_squeeze %dma_start3A_1125 : memref<1x1x64x1024xf32, #tpu.memory_space<vmem>> -> memref<64x1024xf32, #tpu.memory_space<vmem>>
      %dma_start3A_1127 = arith.constant 0 : i32
      %dma_start3A_1128 = arith.constant 0 : i32
      %dma_start3A_1129 = tpu.memref_slice %arg2[%dma_start3A_1127, %dma_start3A_1117, %dma_start3A_1128] : memref<64x64x1024xf32, #tpu.memory_space<any>> -> memref<64x1x1024xf32, #tpu.memory_space<any>>
      %dma_start3A_1130 = tpu.memref_squeeze %dma_start3A_1129 : memref<64x1x1024xf32, #tpu.memory_space<any>> -> memref<64x1024xf32, #tpu.memory_space<any>>
      tpu.enqueue_dma source(%dma_start3A_1130 : memref<64x1024xf32, #tpu.memory_space<any>>) target(%dma_start3A_1126 : memref<64x1024xf32, #tpu.memory_space<vmem>>) target_semaphore(%dma_start3A_1122 : memref<!tpu.dma_semaphore, #tpu.memory_space<semaphore_mem>>)
      %dma_start3A_1131 = arith.constant 12 : i32
      %dma_start3A_1132 = arith.constant 1 : i32
      %dma_start3A_1133 = arith.constant 4 : i32
      %dma_start3A_1134 = arith.constant 1 : i32
      %dma_start3A_1135 = tpu.memref_slice %arg21[%dma_start3A_1134] : memref<3x!tpu.dma_semaphore, #tpu.memory_space<semaphore_mem>> -> memref<1x!tpu.dma_semaphore, #tpu.memory_space<semaphore_mem>>
      %dma_start3A_1136 = tpu.memref_squeeze %dma_start3A_1135 : memref<1x!tpu.dma_semaphore, #tpu.memory_space<semaphore_mem>> -> memref<!tpu.dma_semaphore, #tpu.memory_space<semaphore_mem>>
      %dma_start3A_1137 = arith.constant 0 : i32
      %dma_start3A_1138 = arith.constant 0 : i32
      %dma_start3A_1139 = tpu.memref_slice %arg16[%dma_start3A_1132, %dma_start3A_1133, %dma_start3A_1137, %dma_start3A_1138] : memref<3x16x64x1024xf32, #tpu.memory_space<vmem>> -> memref<1x1x64x1024xf32, #tpu.memory_space<vmem>>
      %dma_start3A_1140 = tpu.memref_squeeze %dma_start3A_1139 : memref<1x1x64x1024xf32, #tpu.memory_space<vmem>> -> memref<64x1024xf32, #tpu.memory_space<vmem>>
      %dma_start3A_1141 = arith.constant 0 : i32
      %dma_start3A_1142 = arith.constant 0 : i32
      %dma_start3A_1143 = tpu.memref_slice %arg1[%dma_start3A_1141, %dma_start3A_1131, %dma_start3A_1142] : memref<64x64x1024xf32, #tpu.memory_space<any>> -> memref<64x1x1024xf32, #tpu.memory_space<any>>
      %dma_start3A_1144 = tpu.memref_squeeze %dma_start3A_1143 : memref<64x1x1024xf32, #tpu.memory_space<any>> -> memref<64x1024xf32, #tpu.memory_space<any>>
      tpu.enqueue_dma source(%dma_start3A_1144 : memref<64x1024xf32, #tpu.memory_space<any>>) target(%dma_start3A_1140 : memref<64x1024xf32, #tpu.memory_space<vmem>>) target_semaphore(%dma_start3A_1136 : memref<!tpu.dma_semaphore, #tpu.memory_space<semaphore_mem>>)
      %dma_start3A_1145 = arith.constant 12 : i32
      %dma_start3A_1146 = arith.constant 1 : i32
      %dma_start3A_1147 = arith.constant 12 : i32
      %dma_start3A_1148 = arith.constant 1 : i32
      %dma_start3A_1149 = tpu.memref_slice %arg21[%dma_start3A_1148] : memref<3x!tpu.dma_semaphore, #tpu.memory_space<semaphore_mem>> -> memref<1x!tpu.dma_semaphore, #tpu.memory_space<semaphore_mem>>
      %dma_start3A_1150 = tpu.memref_squeeze %dma_start3A_1149 : memref<1x!tpu.dma_semaphore, #tpu.memory_space<semaphore_mem>> -> memref<!tpu.dma_semaphore, #tpu.memory_space<semaphore_mem>>
      %dma_start3A_1151 = arith.constant 0 : i32
      %dma_start3A_1152 = arith.constant 0 : i32
      %dma_start3A_1153 = tpu.memref_slice %arg16[%dma_start3A_1146, %dma_start3A_1147, %dma_start3A_1151, %dma_start3A_1152] : memref<3x16x64x1024xf32, #tpu.memory_space<vmem>> -> memref<1x1x64x1024xf32, #tpu.memory_space<vmem>>
      %dma_start3A_1154 = tpu.memref_squeeze %dma_start3A_1153 : memref<1x1x64x1024xf32, #tpu.memory_space<vmem>> -> memref<64x1024xf32, #tpu.memory_space<vmem>>
      %dma_start3A_1155 = arith.constant 0 : i32
      %dma_start3A_1156 = arith.constant 0 : i32
      %dma_start3A_1157 = tpu.memref_slice %arg2[%dma_start3A_1155, %dma_start3A_1145, %dma_start3A_1156] : memref<64x64x1024xf32, #tpu.memory_space<any>> -> memref<64x1x1024xf32, #tpu.memory_space<any>>
      %dma_start3A_1158 = tpu.memref_squeeze %dma_start3A_1157 : memref<64x1x1024xf32, #tpu.memory_space<any>> -> memref<64x1024xf32, #tpu.memory_space<any>>
      tpu.enqueue_dma source(%dma_start3A_1158 : memref<64x1024xf32, #tpu.memory_space<any>>) target(%dma_start3A_1154 : memref<64x1024xf32, #tpu.memory_space<vmem>>) target_semaphore(%dma_start3A_1150 : memref<!tpu.dma_semaphore, #tpu.memory_space<semaphore_mem>>)
      %dma_start3A_1159 = arith.constant 13 : i32
      %dma_start3A_1160 = arith.constant 1 : i32
      %dma_start3A_1161 = arith.constant 5 : i32
      %dma_start3A_1162 = arith.constant 1 : i32
      %dma_start3A_1163 = tpu.memref_slice %arg21[%dma_start3A_1162] : memref<3x!tpu.dma_semaphore, #tpu.memory_space<semaphore_mem>> -> memref<1x!tpu.dma_semaphore, #tpu.memory_space<semaphore_mem>>
      %dma_start3A_1164 = tpu.memref_squeeze %dma_start3A_1163 : memref<1x!tpu.dma_semaphore, #tpu.memory_space<semaphore_mem>> -> memref<!tpu.dma_semaphore, #tpu.memory_space<semaphore_mem>>
      %dma_start3A_1165 = arith.constant 0 : i32
      %dma_start3A_1166 = arith.constant 0 : i32
      %dma_start3A_1167 = tpu.memref_slice %arg16[%dma_start3A_1160, %dma_start3A_1161, %dma_start3A_1165, %dma_start3A_1166] : memref<3x16x64x1024xf32, #tpu.memory_space<vmem>> -> memref<1x1x64x1024xf32, #tpu.memory_space<vmem>>
      %dma_start3A_1168 = tpu.memref_squeeze %dma_start3A_1167 : memref<1x1x64x1024xf32, #tpu.memory_space<vmem>> -> memref<64x1024xf32, #tpu.memory_space<vmem>>
      %dma_start3A_1169 = arith.constant 0 : i32
      %dma_start3A_1170 = arith.constant 0 : i32
      %dma_start3A_1171 = tpu.memref_slice %arg1[%dma_start3A_1169, %dma_start3A_1159, %dma_start3A_1170] : memref<64x64x1024xf32, #tpu.memory_space<any>> -> memref<64x1x1024xf32, #tpu.memory_space<any>>
      %dma_start3A_1172 = tpu.memref_squeeze %dma_start3A_1171 : memref<64x1x1024xf32, #tpu.memory_space<any>> -> memref<64x1024xf32, #tpu.memory_space<any>>
      tpu.enqueue_dma source(%dma_start3A_1172 : memref<64x1024xf32, #tpu.memory_space<any>>) target(%dma_start3A_1168 : memref<64x1024xf32, #tpu.memory_space<vmem>>) target_semaphore(%dma_start3A_1164 : memref<!tpu.dma_semaphore, #tpu.memory_space<semaphore_mem>>)
      %dma_start3A_1173 = arith.constant 13 : i32
      %dma_start3A_1174 = arith.constant 1 : i32
      %dma_start3A_1175 = arith.constant 13 : i32
      %dma_start3A_1176 = arith.constant 1 : i32
      %dma_start3A_1177 = tpu.memref_slice %arg21[%dma_start3A_1176] : memref<3x!tpu.dma_semaphore, #tpu.memory_space<semaphore_mem>> -> memref<1x!tpu.dma_semaphore, #tpu.memory_space<semaphore_mem>>
      %dma_start3A_1178 = tpu.memref_squeeze %dma_start3A_1177 : memref<1x!tpu.dma_semaphore, #tpu.memory_space<semaphore_mem>> -> memref<!tpu.dma_semaphore, #tpu.memory_space<semaphore_mem>>
      %dma_start3A_1179 = arith.constant 0 : i32
      %dma_start3A_1180 = arith.constant 0 : i32
      %dma_start3A_1181 = tpu.memref_slice %arg16[%dma_start3A_1174, %dma_start3A_1175, %dma_start3A_1179, %dma_start3A_1180] : memref<3x16x64x1024xf32, #tpu.memory_space<vmem>> -> memref<1x1x64x1024xf32, #tpu.memory_space<vmem>>
      %dma_start3A_1182 = tpu.memref_squeeze %dma_start3A_1181 : memref<1x1x64x1024xf32, #tpu.memory_space<vmem>> -> memref<64x1024xf32, #tpu.memory_space<vmem>>
      %dma_start3A_1183 = arith.constant 0 : i32
      %dma_start3A_1184 = arith.constant 0 : i32
      %dma_start3A_1185 = tpu.memref_slice %arg2[%dma_start3A_1183, %dma_start3A_1173, %dma_start3A_1184] : memref<64x64x1024xf32, #tpu.memory_space<any>> -> memref<64x1x1024xf32, #tpu.memory_space<any>>
      %dma_start3A_1186 = tpu.memref_squeeze %dma_start3A_1185 : memref<64x1x1024xf32, #tpu.memory_space<any>> -> memref<64x1024xf32, #tpu.memory_space<any>>
      tpu.enqueue_dma source(%dma_start3A_1186 : memref<64x1024xf32, #tpu.memory_space<any>>) target(%dma_start3A_1182 : memref<64x1024xf32, #tpu.memory_space<vmem>>) target_semaphore(%dma_start3A_1178 : memref<!tpu.dma_semaphore, #tpu.memory_space<semaphore_mem>>)
      %dma_start3A_1187 = arith.constant 14 : i32
      %dma_start3A_1188 = arith.constant 1 : i32
      %dma_start3A_1189 = arith.constant 6 : i32
      %dma_start3A_1190 = arith.constant 1 : i32
      %dma_start3A_1191 = tpu.memref_slice %arg21[%dma_start3A_1190] : memref<3x!tpu.dma_semaphore, #tpu.memory_space<semaphore_mem>> -> memref<1x!tpu.dma_semaphore, #tpu.memory_space<semaphore_mem>>
      %dma_start3A_1192 = tpu.memref_squeeze %dma_start3A_1191 : memref<1x!tpu.dma_semaphore, #tpu.memory_space<semaphore_mem>> -> memref<!tpu.dma_semaphore, #tpu.memory_space<semaphore_mem>>
      %dma_start3A_1193 = arith.constant 0 : i32
      %dma_start3A_1194 = arith.constant 0 : i32
      %dma_start3A_1195 = tpu.memref_slice %arg16[%dma_start3A_1188, %dma_start3A_1189, %dma_start3A_1193, %dma_start3A_1194] : memref<3x16x64x1024xf32, #tpu.memory_space<vmem>> -> memref<1x1x64x1024xf32, #tpu.memory_space<vmem>>
      %dma_start3A_1196 = tpu.memref_squeeze %dma_start3A_1195 : memref<1x1x64x1024xf32, #tpu.memory_space<vmem>> -> memref<64x1024xf32, #tpu.memory_space<vmem>>
      %dma_start3A_1197 = arith.constant 0 : i32
      %dma_start3A_1198 = arith.constant 0 : i32
      %dma_start3A_1199 = tpu.memref_slice %arg1[%dma_start3A_1197, %dma_start3A_1187, %dma_start3A_1198] : memref<64x64x1024xf32, #tpu.memory_space<any>> -> memref<64x1x1024xf32, #tpu.memory_space<any>>
      %dma_start3A_1200 = tpu.memref_squeeze %dma_start3A_1199 : memref<64x1x1024xf32, #tpu.memory_space<any>> -> memref<64x1024xf32, #tpu.memory_space<any>>
      tpu.enqueue_dma source(%dma_start3A_1200 : memref<64x1024xf32, #tpu.memory_space<any>>) target(%dma_start3A_1196 : memref<64x1024xf32, #tpu.memory_space<vmem>>) target_semaphore(%dma_start3A_1192 : memref<!tpu.dma_semaphore, #tpu.memory_space<semaphore_mem>>)
      %dma_start3A_1201 = arith.constant 14 : i32
      %dma_start3A_1202 = arith.constant 1 : i32
      %dma_start3A_1203 = arith.constant 14 : i32
      %dma_start3A_1204 = arith.constant 1 : i32
      %dma_start3A_1205 = tpu.memref_slice %arg21[%dma_start3A_1204] : memref<3x!tpu.dma_semaphore, #tpu.memory_space<semaphore_mem>> -> memref<1x!tpu.dma_semaphore, #tpu.memory_space<semaphore_mem>>
      %dma_start3A_1206 = tpu.memref_squeeze %dma_start3A_1205 : memref<1x!tpu.dma_semaphore, #tpu.memory_space<semaphore_mem>> -> memref<!tpu.dma_semaphore, #tpu.memory_space<semaphore_mem>>
      %dma_start3A_1207 = arith.constant 0 : i32
      %dma_start3A_1208 = arith.constant 0 : i32
      %dma_start3A_1209 = tpu.memref_slice %arg16[%dma_start3A_1202, %dma_start3A_1203, %dma_start3A_1207, %dma_start3A_1208] : memref<3x16x64x1024xf32, #tpu.memory_space<vmem>> -> memref<1x1x64x1024xf32, #tpu.memory_space<vmem>>
      %dma_start3A_1210 = tpu.memref_squeeze %dma_start3A_1209 : memref<1x1x64x1024xf32, #tpu.memory_space<vmem>> -> memref<64x1024xf32, #tpu.memory_space<vmem>>
      %dma_start3A_1211 = arith.constant 0 : i32
      %dma_start3A_1212 = arith.constant 0 : i32
      %dma_start3A_1213 = tpu.memref_slice %arg2[%dma_start3A_1211, %dma_start3A_1201, %dma_start3A_1212] : memref<64x64x1024xf32, #tpu.memory_space<any>> -> memref<64x1x1024xf32, #tpu.memory_space<any>>
      %dma_start3A_1214 = tpu.memref_squeeze %dma_start3A_1213 : memref<64x1x1024xf32, #tpu.memory_space<any>> -> memref<64x1024xf32, #tpu.memory_space<any>>
      tpu.enqueue_dma source(%dma_start3A_1214 : memref<64x1024xf32, #tpu.memory_space<any>>) target(%dma_start3A_1210 : memref<64x1024xf32, #tpu.memory_space<vmem>>) target_semaphore(%dma_start3A_1206 : memref<!tpu.dma_semaphore, #tpu.memory_space<semaphore_mem>>)
      %dma_start3A_1215 = arith.constant 15 : i32
      %dma_start3A_1216 = arith.constant 1 : i32
      %dma_start3A_1217 = arith.constant 7 : i32
      %dma_start3A_1218 = arith.constant 1 : i32
      %dma_start3A_1219 = tpu.memref_slice %arg21[%dma_start3A_1218] : memref<3x!tpu.dma_semaphore, #tpu.memory_space<semaphore_mem>> -> memref<1x!tpu.dma_semaphore, #tpu.memory_space<semaphore_mem>>
      %dma_start3A_1220 = tpu.memref_squeeze %dma_start3A_1219 : memref<1x!tpu.dma_semaphore, #tpu.memory_space<semaphore_mem>> -> memref<!tpu.dma_semaphore, #tpu.memory_space<semaphore_mem>>
      %dma_start3A_1221 = arith.constant 0 : i32
      %dma_start3A_1222 = arith.constant 0 : i32
      %dma_start3A_1223 = tpu.memref_slice %arg16[%dma_start3A_1216, %dma_start3A_1217, %dma_start3A_1221, %dma_start3A_1222] : memref<3x16x64x1024xf32, #tpu.memory_space<vmem>> -> memref<1x1x64x1024xf32, #tpu.memory_space<vmem>>
      %dma_start3A_1224 = tpu.memref_squeeze %dma_start3A_1223 : memref<1x1x64x1024xf32, #tpu.memory_space<vmem>> -> memref<64x1024xf32, #tpu.memory_space<vmem>>
      %dma_start3A_1225 = arith.constant 0 : i32
      %dma_start3A_1226 = arith.constant 0 : i32
      %dma_start3A_1227 = tpu.memref_slice %arg1[%dma_start3A_1225, %dma_start3A_1215, %dma_start3A_1226] : memref<64x64x1024xf32, #tpu.memory_space<any>> -> memref<64x1x1024xf32, #tpu.memory_space<any>>
      %dma_start3A_1228 = tpu.memref_squeeze %dma_start3A_1227 : memref<64x1x1024xf32, #tpu.memory_space<any>> -> memref<64x1024xf32, #tpu.memory_space<any>>
      tpu.enqueue_dma source(%dma_start3A_1228 : memref<64x1024xf32, #tpu.memory_space<any>>) target(%dma_start3A_1224 : memref<64x1024xf32, #tpu.memory_space<vmem>>) target_semaphore(%dma_start3A_1220 : memref<!tpu.dma_semaphore, #tpu.memory_space<semaphore_mem>>)
      %dma_start3A_1229 = arith.constant 15 : i32
      %dma_start3A_1230 = arith.constant 1 : i32
      %dma_start3A_1231 = arith.constant 15 : i32
      %dma_start3A_1232 = arith.constant 1 : i32
      %dma_start3A_1233 = tpu.memref_slice %arg21[%dma_start3A_1232] : memref<3x!tpu.dma_semaphore, #tpu.memory_space<semaphore_mem>> -> memref<1x!tpu.dma_semaphore, #tpu.memory_space<semaphore_mem>>
      %dma_start3A_1234 = tpu.memref_squeeze %dma_start3A_1233 : memref<1x!tpu.dma_semaphore, #tpu.memory_space<semaphore_mem>> -> memref<!tpu.dma_semaphore, #tpu.memory_space<semaphore_mem>>
      %dma_start3A_1235 = arith.constant 0 : i32
      %dma_start3A_1236 = arith.constant 0 : i32
      %dma_start3A_1237 = tpu.memref_slice %arg16[%dma_start3A_1230, %dma_start3A_1231, %dma_start3A_1235, %dma_start3A_1236] : memref<3x16x64x1024xf32, #tpu.memory_space<vmem>> -> memref<1x1x64x1024xf32, #tpu.memory_space<vmem>>
      %dma_start3A_1238 = tpu.memref_squeeze %dma_start3A_1237 : memref<1x1x64x1024xf32, #tpu.memory_space<vmem>> -> memref<64x1024xf32, #tpu.memory_space<vmem>>
      %dma_start3A_1239 = arith.constant 0 : i32
      %dma_start3A_1240 = arith.constant 0 : i32
      %dma_start3A_1241 = tpu.memref_slice %arg2[%dma_start3A_1239, %dma_start3A_1229, %dma_start3A_1240] : memref<64x64x1024xf32, #tpu.memory_space<any>> -> memref<64x1x1024xf32, #tpu.memory_space<any>>
      %dma_start3A_1242 = tpu.memref_squeeze %dma_start3A_1241 : memref<64x1x1024xf32, #tpu.memory_space<any>> -> memref<64x1024xf32, #tpu.memory_space<any>>
      tpu.enqueue_dma source(%dma_start3A_1242 : memref<64x1024xf32, #tpu.memory_space<any>>) target(%dma_start3A_1238 : memref<64x1024xf32, #tpu.memory_space<vmem>>) target_semaphore(%dma_start3A_1234 : memref<!tpu.dma_semaphore, #tpu.memory_space<semaphore_mem>>)
    } else {
    }
    %lt3A = arith.constant 6 : i32
    %lt3A_2 = arith.cmpi slt, %arg0, %lt3A : i32
    %convert_element_type3A_3 = arith.extui %lt3A_2 : i1 to i32
    %cond3A_4 = arith.constant 0 : i32
    %cond3A_5 = arith.cmpi ne, %convert_element_type3A_3, %cond3A_4 : i32
    scf.if %cond3A_5 {
      %add3A_796 = arith.constant 2 : i32
      %add3A_797 = arith.addi %arg0, %add3A_796 : i32
      %add3A_798 = arith.constant 2 : i32
      %add3A_799 = arith.addi %arg0, %add3A_798 : i32
      %jit3A_800 = arith.constant 3 : i32
      %eq3A_801 = arith.constant 0 : i32
      %eq3A_802 = arith.cmpi eq, %jit3A_800, %eq3A_801 : i32
      %jit3A_803 = arith.constant 1 : i32
      %select_n3A_804 = arith.select %eq3A_802, %jit3A_803, %jit3A_800 : i32
      %rem3A_805 = arith.remsi %add3A_799, %select_n3A_804 : i32
      %ne3A_806 = arith.constant 0 : i32
      %ne3A_807 = arith.cmpi ne, %rem3A_805, %ne3A_806 : i32
      %lt3A_808 = arith.constant 0 : i32
      %lt3A_809 = arith.cmpi slt, %rem3A_805, %lt3A_808 : i32
      %lt3A_810 = arith.constant 0 : i32
      %lt3A_811 = arith.cmpi slt, %select_n3A_804, %lt3A_810 : i32
      %ne3A_812 = arith.xori %lt3A_809, %lt3A_811 : i1
      %and3A_813 = arith.andi %ne3A_812, %ne3A_807 : i1
      %add3A_814 = arith.addi %rem3A_805, %select_n3A_804 : i32
      %select_n3A_815 = arith.select %and3A_813, %add3A_814, %rem3A_805 : i32
      %mul3A_816 = arith.constant 8 : i32
      %mul3A_817 = arith.muli %mul3A_816, %add3A_797 : i32
      %add3A_818 = arith.constant 0 : i32
      %add3A_819 = arith.addi %mul3A_817, %add3A_818 : i32
      %mul3A_820 = arith.constant 8 : i32
      %mul3A_821 = arith.muli %mul3A_820, %add3A_797 : i32
      %add3A_822 = arith.constant 1 : i32
      %add3A_823 = arith.addi %mul3A_821, %add3A_822 : i32
      %mul3A_824 = arith.constant 8 : i32
      %mul3A_825 = arith.muli %mul3A_824, %add3A_797 : i32
      %add3A_826 = arith.constant 2 : i32
      %add3A_827 = arith.addi %mul3A_825, %add3A_826 : i32
      %mul3A_828 = arith.constant 8 : i32
      %mul3A_829 = arith.muli %mul3A_828, %add3A_797 : i32
      %add3A_830 = arith.constant 3 : i32
      %add3A_831 = arith.addi %mul3A_829, %add3A_830 : i32
      %mul3A_832 = arith.constant 8 : i32
      %mul3A_833 = arith.muli %mul3A_832, %add3A_797 : i32
      %add3A_834 = arith.constant 4 : i32
      %add3A_835 = arith.addi %mul3A_833, %add3A_834 : i32
      %mul3A_836 = arith.constant 8 : i32
      %mul3A_837 = arith.muli %mul3A_836, %add3A_797 : i32
      %add3A_838 = arith.constant 5 : i32
      %add3A_839 = arith.addi %mul3A_837, %add3A_838 : i32
      %mul3A_840 = arith.constant 8 : i32
      %mul3A_841 = arith.muli %mul3A_840, %add3A_797 : i32
      %add3A_842 = arith.constant 6 : i32
      %add3A_843 = arith.addi %mul3A_841, %add3A_842 : i32
      %mul3A_844 = arith.constant 8 : i32
      %mul3A_845 = arith.muli %mul3A_844, %add3A_797 : i32
      %add3A_846 = arith.constant 7 : i32
      %add3A_847 = arith.addi %mul3A_845, %add3A_846 : i32
      %dma_start3A = arith.constant 0 : i32
      %dma_start3A_848 = tpu.memref_slice %arg21[%select_n3A_815] : memref<3x!tpu.dma_semaphore, #tpu.memory_space<semaphore_mem>> -> memref<1x!tpu.dma_semaphore, #tpu.memory_space<semaphore_mem>>
      %dma_start3A_849 = tpu.memref_squeeze %dma_start3A_848 : memref<1x!tpu.dma_semaphore, #tpu.memory_space<semaphore_mem>> -> memref<!tpu.dma_semaphore, #tpu.memory_space<semaphore_mem>>
      %dma_start3A_850 = arith.constant 0 : i32
      %dma_start3A_851 = arith.constant 0 : i32
      %dma_start3A_852 = tpu.memref_slice %arg16[%select_n3A_815, %dma_start3A, %dma_start3A_850, %dma_start3A_851] : memref<3x16x64x1024xf32, #tpu.memory_space<vmem>> -> memref<1x1x64x1024xf32, #tpu.memory_space<vmem>>
      %dma_start3A_853 = tpu.memref_squeeze %dma_start3A_852 : memref<1x1x64x1024xf32, #tpu.memory_space<vmem>> -> memref<64x1024xf32, #tpu.memory_space<vmem>>
      %dma_start3A_854 = arith.constant 0 : i32
      %dma_start3A_855 = arith.constant 0 : i32
      %dma_start3A_856 = tpu.memref_slice %arg1[%dma_start3A_854, %add3A_819, %dma_start3A_855] : memref<64x64x1024xf32, #tpu.memory_space<any>> -> memref<64x1x1024xf32, #tpu.memory_space<any>>
      %dma_start3A_857 = tpu.memref_squeeze %dma_start3A_856 : memref<64x1x1024xf32, #tpu.memory_space<any>> -> memref<64x1024xf32, #tpu.memory_space<any>>
      tpu.enqueue_dma source(%dma_start3A_857 : memref<64x1024xf32, #tpu.memory_space<any>>) target(%dma_start3A_853 : memref<64x1024xf32, #tpu.memory_space<vmem>>) target_semaphore(%dma_start3A_849 : memref<!tpu.dma_semaphore, #tpu.memory_space<semaphore_mem>>)
      %dma_start3A_858 = arith.constant 8 : i32
      %dma_start3A_859 = tpu.memref_slice %arg21[%select_n3A_815] : memref<3x!tpu.dma_semaphore, #tpu.memory_space<semaphore_mem>> -> memref<1x!tpu.dma_semaphore, #tpu.memory_space<semaphore_mem>>
      %dma_start3A_860 = tpu.memref_squeeze %dma_start3A_859 : memref<1x!tpu.dma_semaphore, #tpu.memory_space<semaphore_mem>> -> memref<!tpu.dma_semaphore, #tpu.memory_space<semaphore_mem>>
      %dma_start3A_861 = arith.constant 0 : i32
      %dma_start3A_862 = arith.constant 0 : i32
      %dma_start3A_863 = tpu.memref_slice %arg16[%select_n3A_815, %dma_start3A_858, %dma_start3A_861, %dma_start3A_862] : memref<3x16x64x1024xf32, #tpu.memory_space<vmem>> -> memref<1x1x64x1024xf32, #tpu.memory_space<vmem>>
      %dma_start3A_864 = tpu.memref_squeeze %dma_start3A_863 : memref<1x1x64x1024xf32, #tpu.memory_space<vmem>> -> memref<64x1024xf32, #tpu.memory_space<vmem>>
      %dma_start3A_865 = arith.constant 0 : i32
      %dma_start3A_866 = arith.constant 0 : i32
      %dma_start3A_867 = tpu.memref_slice %arg2[%dma_start3A_865, %add3A_819, %dma_start3A_866] : memref<64x64x1024xf32, #tpu.memory_space<any>> -> memref<64x1x1024xf32, #tpu.memory_space<any>>
      %dma_start3A_868 = tpu.memref_squeeze %dma_start3A_867 : memref<64x1x1024xf32, #tpu.memory_space<any>> -> memref<64x1024xf32, #tpu.memory_space<any>>
      tpu.enqueue_dma source(%dma_start3A_868 : memref<64x1024xf32, #tpu.memory_space<any>>) target(%dma_start3A_864 : memref<64x1024xf32, #tpu.memory_space<vmem>>) target_semaphore(%dma_start3A_860 : memref<!tpu.dma_semaphore, #tpu.memory_space<semaphore_mem>>)
      %dma_start3A_869 = arith.constant 1 : i32
      %dma_start3A_870 = tpu.memref_slice %arg21[%select_n3A_815] : memref<3x!tpu.dma_semaphore, #tpu.memory_space<semaphore_mem>> -> memref<1x!tpu.dma_semaphore, #tpu.memory_space<semaphore_mem>>
      %dma_start3A_871 = tpu.memref_squeeze %dma_start3A_870 : memref<1x!tpu.dma_semaphore, #tpu.memory_space<semaphore_mem>> -> memref<!tpu.dma_semaphore, #tpu.memory_space<semaphore_mem>>
      %dma_start3A_872 = arith.constant 0 : i32
      %dma_start3A_873 = arith.constant 0 : i32
      %dma_start3A_874 = tpu.memref_slice %arg16[%select_n3A_815, %dma_start3A_869, %dma_start3A_872, %dma_start3A_873] : memref<3x16x64x1024xf32, #tpu.memory_space<vmem>> -> memref<1x1x64x1024xf32, #tpu.memory_space<vmem>>
      %dma_start3A_875 = tpu.memref_squeeze %dma_start3A_874 : memref<1x1x64x1024xf32, #tpu.memory_space<vmem>> -> memref<64x1024xf32, #tpu.memory_space<vmem>>
      %dma_start3A_876 = arith.constant 0 : i32
      %dma_start3A_877 = arith.constant 0 : i32
      %dma_start3A_878 = tpu.memref_slice %arg1[%dma_start3A_876, %add3A_823, %dma_start3A_877] : memref<64x64x1024xf32, #tpu.memory_space<any>> -> memref<64x1x1024xf32, #tpu.memory_space<any>>
      %dma_start3A_879 = tpu.memref_squeeze %dma_start3A_878 : memref<64x1x1024xf32, #tpu.memory_space<any>> -> memref<64x1024xf32, #tpu.memory_space<any>>
      tpu.enqueue_dma source(%dma_start3A_879 : memref<64x1024xf32, #tpu.memory_space<any>>) target(%dma_start3A_875 : memref<64x1024xf32, #tpu.memory_space<vmem>>) target_semaphore(%dma_start3A_871 : memref<!tpu.dma_semaphore, #tpu.memory_space<semaphore_mem>>)
      %dma_start3A_880 = arith.constant 9 : i32
      %dma_start3A_881 = tpu.memref_slice %arg21[%select_n3A_815] : memref<3x!tpu.dma_semaphore, #tpu.memory_space<semaphore_mem>> -> memref<1x!tpu.dma_semaphore, #tpu.memory_space<semaphore_mem>>
      %dma_start3A_882 = tpu.memref_squeeze %dma_start3A_881 : memref<1x!tpu.dma_semaphore, #tpu.memory_space<semaphore_mem>> -> memref<!tpu.dma_semaphore, #tpu.memory_space<semaphore_mem>>
      %dma_start3A_883 = arith.constant 0 : i32
      %dma_start3A_884 = arith.constant 0 : i32
      %dma_start3A_885 = tpu.memref_slice %arg16[%select_n3A_815, %dma_start3A_880, %dma_start3A_883, %dma_start3A_884] : memref<3x16x64x1024xf32, #tpu.memory_space<vmem>> -> memref<1x1x64x1024xf32, #tpu.memory_space<vmem>>
      %dma_start3A_886 = tpu.memref_squeeze %dma_start3A_885 : memref<1x1x64x1024xf32, #tpu.memory_space<vmem>> -> memref<64x1024xf32, #tpu.memory_space<vmem>>
      %dma_start3A_887 = arith.constant 0 : i32
      %dma_start3A_888 = arith.constant 0 : i32
      %dma_start3A_889 = tpu.memref_slice %arg2[%dma_start3A_887, %add3A_823, %dma_start3A_888] : memref<64x64x1024xf32, #tpu.memory_space<any>> -> memref<64x1x1024xf32, #tpu.memory_space<any>>
      %dma_start3A_890 = tpu.memref_squeeze %dma_start3A_889 : memref<64x1x1024xf32, #tpu.memory_space<any>> -> memref<64x1024xf32, #tpu.memory_space<any>>
      tpu.enqueue_dma source(%dma_start3A_890 : memref<64x1024xf32, #tpu.memory_space<any>>) target(%dma_start3A_886 : memref<64x1024xf32, #tpu.memory_space<vmem>>) target_semaphore(%dma_start3A_882 : memref<!tpu.dma_semaphore, #tpu.memory_space<semaphore_mem>>)
      %dma_start3A_891 = arith.constant 2 : i32
      %dma_start3A_892 = tpu.memref_slice %arg21[%select_n3A_815] : memref<3x!tpu.dma_semaphore, #tpu.memory_space<semaphore_mem>> -> memref<1x!tpu.dma_semaphore, #tpu.memory_space<semaphore_mem>>
      %dma_start3A_893 = tpu.memref_squeeze %dma_start3A_892 : memref<1x!tpu.dma_semaphore, #tpu.memory_space<semaphore_mem>> -> memref<!tpu.dma_semaphore, #tpu.memory_space<semaphore_mem>>
      %dma_start3A_894 = arith.constant 0 : i32
      %dma_start3A_895 = arith.constant 0 : i32
      %dma_start3A_896 = tpu.memref_slice %arg16[%select_n3A_815, %dma_start3A_891, %dma_start3A_894, %dma_start3A_895] : memref<3x16x64x1024xf32, #tpu.memory_space<vmem>> -> memref<1x1x64x1024xf32, #tpu.memory_space<vmem>>
      %dma_start3A_897 = tpu.memref_squeeze %dma_start3A_896 : memref<1x1x64x1024xf32, #tpu.memory_space<vmem>> -> memref<64x1024xf32, #tpu.memory_space<vmem>>
      %dma_start3A_898 = arith.constant 0 : i32
      %dma_start3A_899 = arith.constant 0 : i32
      %dma_start3A_900 = tpu.memref_slice %arg1[%dma_start3A_898, %add3A_827, %dma_start3A_899] : memref<64x64x1024xf32, #tpu.memory_space<any>> -> memref<64x1x1024xf32, #tpu.memory_space<any>>
      %dma_start3A_901 = tpu.memref_squeeze %dma_start3A_900 : memref<64x1x1024xf32, #tpu.memory_space<any>> -> memref<64x1024xf32, #tpu.memory_space<any>>
      tpu.enqueue_dma source(%dma_start3A_901 : memref<64x1024xf32, #tpu.memory_space<any>>) target(%dma_start3A_897 : memref<64x1024xf32, #tpu.memory_space<vmem>>) target_semaphore(%dma_start3A_893 : memref<!tpu.dma_semaphore, #tpu.memory_space<semaphore_mem>>)
      %dma_start3A_902 = arith.constant 10 : i32
      %dma_start3A_903 = tpu.memref_slice %arg21[%select_n3A_815] : memref<3x!tpu.dma_semaphore, #tpu.memory_space<semaphore_mem>> -> memref<1x!tpu.dma_semaphore, #tpu.memory_space<semaphore_mem>>
      %dma_start3A_904 = tpu.memref_squeeze %dma_start3A_903 : memref<1x!tpu.dma_semaphore, #tpu.memory_space<semaphore_mem>> -> memref<!tpu.dma_semaphore, #tpu.memory_space<semaphore_mem>>
      %dma_start3A_905 = arith.constant 0 : i32
      %dma_start3A_906 = arith.constant 0 : i32
      %dma_start3A_907 = tpu.memref_slice %arg16[%select_n3A_815, %dma_start3A_902, %dma_start3A_905, %dma_start3A_906] : memref<3x16x64x1024xf32, #tpu.memory_space<vmem>> -> memref<1x1x64x1024xf32, #tpu.memory_space<vmem>>
      %dma_start3A_908 = tpu.memref_squeeze %dma_start3A_907 : memref<1x1x64x1024xf32, #tpu.memory_space<vmem>> -> memref<64x1024xf32, #tpu.memory_space<vmem>>
      %dma_start3A_909 = arith.constant 0 : i32
      %dma_start3A_910 = arith.constant 0 : i32
      %dma_start3A_911 = tpu.memref_slice %arg2[%dma_start3A_909, %add3A_827, %dma_start3A_910] : memref<64x64x1024xf32, #tpu.memory_space<any>> -> memref<64x1x1024xf32, #tpu.memory_space<any>>
      %dma_start3A_912 = tpu.memref_squeeze %dma_start3A_911 : memref<64x1x1024xf32, #tpu.memory_space<any>> -> memref<64x1024xf32, #tpu.memory_space<any>>
      tpu.enqueue_dma source(%dma_start3A_912 : memref<64x1024xf32, #tpu.memory_space<any>>) target(%dma_start3A_908 : memref<64x1024xf32, #tpu.memory_space<vmem>>) target_semaphore(%dma_start3A_904 : memref<!tpu.dma_semaphore, #tpu.memory_space<semaphore_mem>>)
      %dma_start3A_913 = arith.constant 3 : i32
      %dma_start3A_914 = tpu.memref_slice %arg21[%select_n3A_815] : memref<3x!tpu.dma_semaphore, #tpu.memory_space<semaphore_mem>> -> memref<1x!tpu.dma_semaphore, #tpu.memory_space<semaphore_mem>>
      %dma_start3A_915 = tpu.memref_squeeze %dma_start3A_914 : memref<1x!tpu.dma_semaphore, #tpu.memory_space<semaphore_mem>> -> memref<!tpu.dma_semaphore, #tpu.memory_space<semaphore_mem>>
      %dma_start3A_916 = arith.constant 0 : i32
      %dma_start3A_917 = arith.constant 0 : i32
      %dma_start3A_918 = tpu.memref_slice %arg16[%select_n3A_815, %dma_start3A_913, %dma_start3A_916, %dma_start3A_917] : memref<3x16x64x1024xf32, #tpu.memory_space<vmem>> -> memref<1x1x64x1024xf32, #tpu.memory_space<vmem>>
      %dma_start3A_919 = tpu.memref_squeeze %dma_start3A_918 : memref<1x1x64x1024xf32, #tpu.memory_space<vmem>> -> memref<64x1024xf32, #tpu.memory_space<vmem>>
      %dma_start3A_920 = arith.constant 0 : i32
      %dma_start3A_921 = arith.constant 0 : i32
      %dma_start3A_922 = tpu.memref_slice %arg1[%dma_start3A_920, %add3A_831, %dma_start3A_921] : memref<64x64x1024xf32, #tpu.memory_space<any>> -> memref<64x1x1024xf32, #tpu.memory_space<any>>
      %dma_start3A_923 = tpu.memref_squeeze %dma_start3A_922 : memref<64x1x1024xf32, #tpu.memory_space<any>> -> memref<64x1024xf32, #tpu.memory_space<any>>
      tpu.enqueue_dma source(%dma_start3A_923 : memref<64x1024xf32, #tpu.memory_space<any>>) target(%dma_start3A_919 : memref<64x1024xf32, #tpu.memory_space<vmem>>) target_semaphore(%dma_start3A_915 : memref<!tpu.dma_semaphore, #tpu.memory_space<semaphore_mem>>)
      %dma_start3A_924 = arith.constant 11 : i32
      %dma_start3A_925 = tpu.memref_slice %arg21[%select_n3A_815] : memref<3x!tpu.dma_semaphore, #tpu.memory_space<semaphore_mem>> -> memref<1x!tpu.dma_semaphore, #tpu.memory_space<semaphore_mem>>
      %dma_start3A_926 = tpu.memref_squeeze %dma_start3A_925 : memref<1x!tpu.dma_semaphore, #tpu.memory_space<semaphore_mem>> -> memref<!tpu.dma_semaphore, #tpu.memory_space<semaphore_mem>>
      %dma_start3A_927 = arith.constant 0 : i32
      %dma_start3A_928 = arith.constant 0 : i32
      %dma_start3A_929 = tpu.memref_slice %arg16[%select_n3A_815, %dma_start3A_924, %dma_start3A_927, %dma_start3A_928] : memref<3x16x64x1024xf32, #tpu.memory_space<vmem>> -> memref<1x1x64x1024xf32, #tpu.memory_space<vmem>>
      %dma_start3A_930 = tpu.memref_squeeze %dma_start3A_929 : memref<1x1x64x1024xf32, #tpu.memory_space<vmem>> -> memref<64x1024xf32, #tpu.memory_space<vmem>>
      %dma_start3A_931 = arith.constant 0 : i32
      %dma_start3A_932 = arith.constant 0 : i32
      %dma_start3A_933 = tpu.memref_slice %arg2[%dma_start3A_931, %add3A_831, %dma_start3A_932] : memref<64x64x1024xf32, #tpu.memory_space<any>> -> memref<64x1x1024xf32, #tpu.memory_space<any>>
      %dma_start3A_934 = tpu.memref_squeeze %dma_start3A_933 : memref<64x1x1024xf32, #tpu.memory_space<any>> -> memref<64x1024xf32, #tpu.memory_space<any>>
      tpu.enqueue_dma source(%dma_start3A_934 : memref<64x1024xf32, #tpu.memory_space<any>>) target(%dma_start3A_930 : memref<64x1024xf32, #tpu.memory_space<vmem>>) target_semaphore(%dma_start3A_926 : memref<!tpu.dma_semaphore, #tpu.memory_space<semaphore_mem>>)
      %dma_start3A_935 = arith.constant 4 : i32
      %dma_start3A_936 = tpu.memref_slice %arg21[%select_n3A_815] : memref<3x!tpu.dma_semaphore, #tpu.memory_space<semaphore_mem>> -> memref<1x!tpu.dma_semaphore, #tpu.memory_space<semaphore_mem>>
      %dma_start3A_937 = tpu.memref_squeeze %dma_start3A_936 : memref<1x!tpu.dma_semaphore, #tpu.memory_space<semaphore_mem>> -> memref<!tpu.dma_semaphore, #tpu.memory_space<semaphore_mem>>
      %dma_start3A_938 = arith.constant 0 : i32
      %dma_start3A_939 = arith.constant 0 : i32
      %dma_start3A_940 = tpu.memref_slice %arg16[%select_n3A_815, %dma_start3A_935, %dma_start3A_938, %dma_start3A_939] : memref<3x16x64x1024xf32, #tpu.memory_space<vmem>> -> memref<1x1x64x1024xf32, #tpu.memory_space<vmem>>
      %dma_start3A_941 = tpu.memref_squeeze %dma_start3A_940 : memref<1x1x64x1024xf32, #tpu.memory_space<vmem>> -> memref<64x1024xf32, #tpu.memory_space<vmem>>
      %dma_start3A_942 = arith.constant 0 : i32
      %dma_start3A_943 = arith.constant 0 : i32
      %dma_start3A_944 = tpu.memref_slice %arg1[%dma_start3A_942, %add3A_835, %dma_start3A_943] : memref<64x64x1024xf32, #tpu.memory_space<any>> -> memref<64x1x1024xf32, #tpu.memory_space<any>>
      %dma_start3A_945 = tpu.memref_squeeze %dma_start3A_944 : memref<64x1x1024xf32, #tpu.memory_space<any>> -> memref<64x1024xf32, #tpu.memory_space<any>>
      tpu.enqueue_dma source(%dma_start3A_945 : memref<64x1024xf32, #tpu.memory_space<any>>) target(%dma_start3A_941 : memref<64x1024xf32, #tpu.memory_space<vmem>>) target_semaphore(%dma_start3A_937 : memref<!tpu.dma_semaphore, #tpu.memory_space<semaphore_mem>>)
      %dma_start3A_946 = arith.constant 12 : i32
      %dma_start3A_947 = tpu.memref_slice %arg21[%select_n3A_815] : memref<3x!tpu.dma_semaphore, #tpu.memory_space<semaphore_mem>> -> memref<1x!tpu.dma_semaphore, #tpu.memory_space<semaphore_mem>>
      %dma_start3A_948 = tpu.memref_squeeze %dma_start3A_947 : memref<1x!tpu.dma_semaphore, #tpu.memory_space<semaphore_mem>> -> memref<!tpu.dma_semaphore, #tpu.memory_space<semaphore_mem>>
      %dma_start3A_949 = arith.constant 0 : i32
      %dma_start3A_950 = arith.constant 0 : i32
      %dma_start3A_951 = tpu.memref_slice %arg16[%select_n3A_815, %dma_start3A_946, %dma_start3A_949, %dma_start3A_950] : memref<3x16x64x1024xf32, #tpu.memory_space<vmem>> -> memref<1x1x64x1024xf32, #tpu.memory_space<vmem>>
      %dma_start3A_952 = tpu.memref_squeeze %dma_start3A_951 : memref<1x1x64x1024xf32, #tpu.memory_space<vmem>> -> memref<64x1024xf32, #tpu.memory_space<vmem>>
      %dma_start3A_953 = arith.constant 0 : i32
      %dma_start3A_954 = arith.constant 0 : i32
      %dma_start3A_955 = tpu.memref_slice %arg2[%dma_start3A_953, %add3A_835, %dma_start3A_954] : memref<64x64x1024xf32, #tpu.memory_space<any>> -> memref<64x1x1024xf32, #tpu.memory_space<any>>
      %dma_start3A_956 = tpu.memref_squeeze %dma_start3A_955 : memref<64x1x1024xf32, #tpu.memory_space<any>> -> memref<64x1024xf32, #tpu.memory_space<any>>
      tpu.enqueue_dma source(%dma_start3A_956 : memref<64x1024xf32, #tpu.memory_space<any>>) target(%dma_start3A_952 : memref<64x1024xf32, #tpu.memory_space<vmem>>) target_semaphore(%dma_start3A_948 : memref<!tpu.dma_semaphore, #tpu.memory_space<semaphore_mem>>)
      %dma_start3A_957 = arith.constant 5 : i32
      %dma_start3A_958 = tpu.memref_slice %arg21[%select_n3A_815] : memref<3x!tpu.dma_semaphore, #tpu.memory_space<semaphore_mem>> -> memref<1x!tpu.dma_semaphore, #tpu.memory_space<semaphore_mem>>
      %dma_start3A_959 = tpu.memref_squeeze %dma_start3A_958 : memref<1x!tpu.dma_semaphore, #tpu.memory_space<semaphore_mem>> -> memref<!tpu.dma_semaphore, #tpu.memory_space<semaphore_mem>>
      %dma_start3A_960 = arith.constant 0 : i32
      %dma_start3A_961 = arith.constant 0 : i32
      %dma_start3A_962 = tpu.memref_slice %arg16[%select_n3A_815, %dma_start3A_957, %dma_start3A_960, %dma_start3A_961] : memref<3x16x64x1024xf32, #tpu.memory_space<vmem>> -> memref<1x1x64x1024xf32, #tpu.memory_space<vmem>>
      %dma_start3A_963 = tpu.memref_squeeze %dma_start3A_962 : memref<1x1x64x1024xf32, #tpu.memory_space<vmem>> -> memref<64x1024xf32, #tpu.memory_space<vmem>>
      %dma_start3A_964 = arith.constant 0 : i32
      %dma_start3A_965 = arith.constant 0 : i32
      %dma_start3A_966 = tpu.memref_slice %arg1[%dma_start3A_964, %add3A_839, %dma_start3A_965] : memref<64x64x1024xf32, #tpu.memory_space<any>> -> memref<64x1x1024xf32, #tpu.memory_space<any>>
      %dma_start3A_967 = tpu.memref_squeeze %dma_start3A_966 : memref<64x1x1024xf32, #tpu.memory_space<any>> -> memref<64x1024xf32, #tpu.memory_space<any>>
      tpu.enqueue_dma source(%dma_start3A_967 : memref<64x1024xf32, #tpu.memory_space<any>>) target(%dma_start3A_963 : memref<64x1024xf32, #tpu.memory_space<vmem>>) target_semaphore(%dma_start3A_959 : memref<!tpu.dma_semaphore, #tpu.memory_space<semaphore_mem>>)
      %dma_start3A_968 = arith.constant 13 : i32
      %dma_start3A_969 = tpu.memref_slice %arg21[%select_n3A_815] : memref<3x!tpu.dma_semaphore, #tpu.memory_space<semaphore_mem>> -> memref<1x!tpu.dma_semaphore, #tpu.memory_space<semaphore_mem>>
      %dma_start3A_970 = tpu.memref_squeeze %dma_start3A_969 : memref<1x!tpu.dma_semaphore, #tpu.memory_space<semaphore_mem>> -> memref<!tpu.dma_semaphore, #tpu.memory_space<semaphore_mem>>
      %dma_start3A_971 = arith.constant 0 : i32
      %dma_start3A_972 = arith.constant 0 : i32
      %dma_start3A_973 = tpu.memref_slice %arg16[%select_n3A_815, %dma_start3A_968, %dma_start3A_971, %dma_start3A_972] : memref<3x16x64x1024xf32, #tpu.memory_space<vmem>> -> memref<1x1x64x1024xf32, #tpu.memory_space<vmem>>
      %dma_start3A_974 = tpu.memref_squeeze %dma_start3A_973 : memref<1x1x64x1024xf32, #tpu.memory_space<vmem>> -> memref<64x1024xf32, #tpu.memory_space<vmem>>
      %dma_start3A_975 = arith.constant 0 : i32
      %dma_start3A_976 = arith.constant 0 : i32
      %dma_start3A_977 = tpu.memref_slice %arg2[%dma_start3A_975, %add3A_839, %dma_start3A_976] : memref<64x64x1024xf32, #tpu.memory_space<any>> -> memref<64x1x1024xf32, #tpu.memory_space<any>>
      %dma_start3A_978 = tpu.memref_squeeze %dma_start3A_977 : memref<64x1x1024xf32, #tpu.memory_space<any>> -> memref<64x1024xf32, #tpu.memory_space<any>>
      tpu.enqueue_dma source(%dma_start3A_978 : memref<64x1024xf32, #tpu.memory_space<any>>) target(%dma_start3A_974 : memref<64x1024xf32, #tpu.memory_space<vmem>>) target_semaphore(%dma_start3A_970 : memref<!tpu.dma_semaphore, #tpu.memory_space<semaphore_mem>>)
      %dma_start3A_979 = arith.constant 6 : i32
      %dma_start3A_980 = tpu.memref_slice %arg21[%select_n3A_815] : memref<3x!tpu.dma_semaphore, #tpu.memory_space<semaphore_mem>> -> memref<1x!tpu.dma_semaphore, #tpu.memory_space<semaphore_mem>>
      %dma_start3A_981 = tpu.memref_squeeze %dma_start3A_980 : memref<1x!tpu.dma_semaphore, #tpu.memory_space<semaphore_mem>> -> memref<!tpu.dma_semaphore, #tpu.memory_space<semaphore_mem>>
      %dma_start3A_982 = arith.constant 0 : i32
      %dma_start3A_983 = arith.constant 0 : i32
      %dma_start3A_984 = tpu.memref_slice %arg16[%select_n3A_815, %dma_start3A_979, %dma_start3A_982, %dma_start3A_983] : memref<3x16x64x1024xf32, #tpu.memory_space<vmem>> -> memref<1x1x64x1024xf32, #tpu.memory_space<vmem>>
      %dma_start3A_985 = tpu.memref_squeeze %dma_start3A_984 : memref<1x1x64x1024xf32, #tpu.memory_space<vmem>> -> memref<64x1024xf32, #tpu.memory_space<vmem>>
      %dma_start3A_986 = arith.constant 0 : i32
      %dma_start3A_987 = arith.constant 0 : i32
      %dma_start3A_988 = tpu.memref_slice %arg1[%dma_start3A_986, %add3A_843, %dma_start3A_987] : memref<64x64x1024xf32, #tpu.memory_space<any>> -> memref<64x1x1024xf32, #tpu.memory_space<any>>
      %dma_start3A_989 = tpu.memref_squeeze %dma_start3A_988 : memref<64x1x1024xf32, #tpu.memory_space<any>> -> memref<64x1024xf32, #tpu.memory_space<any>>
      tpu.enqueue_dma source(%dma_start3A_989 : memref<64x1024xf32, #tpu.memory_space<any>>) target(%dma_start3A_985 : memref<64x1024xf32, #tpu.memory_space<vmem>>) target_semaphore(%dma_start3A_981 : memref<!tpu.dma_semaphore, #tpu.memory_space<semaphore_mem>>)
      %dma_start3A_990 = arith.constant 14 : i32
      %dma_start3A_991 = tpu.memref_slice %arg21[%select_n3A_815] : memref<3x!tpu.dma_semaphore, #tpu.memory_space<semaphore_mem>> -> memref<1x!tpu.dma_semaphore, #tpu.memory_space<semaphore_mem>>
      %dma_start3A_992 = tpu.memref_squeeze %dma_start3A_991 : memref<1x!tpu.dma_semaphore, #tpu.memory_space<semaphore_mem>> -> memref<!tpu.dma_semaphore, #tpu.memory_space<semaphore_mem>>
      %dma_start3A_993 = arith.constant 0 : i32
      %dma_start3A_994 = arith.constant 0 : i32
      %dma_start3A_995 = tpu.memref_slice %arg16[%select_n3A_815, %dma_start3A_990, %dma_start3A_993, %dma_start3A_994] : memref<3x16x64x1024xf32, #tpu.memory_space<vmem>> -> memref<1x1x64x1024xf32, #tpu.memory_space<vmem>>
      %dma_start3A_996 = tpu.memref_squeeze %dma_start3A_995 : memref<1x1x64x1024xf32, #tpu.memory_space<vmem>> -> memref<64x1024xf32, #tpu.memory_space<vmem>>
      %dma_start3A_997 = arith.constant 0 : i32
      %dma_start3A_998 = arith.constant 0 : i32
      %dma_start3A_999 = tpu.memref_slice %arg2[%dma_start3A_997, %add3A_843, %dma_start3A_998] : memref<64x64x1024xf32, #tpu.memory_space<any>> -> memref<64x1x1024xf32, #tpu.memory_space<any>>
      %dma_start3A_1000 = tpu.memref_squeeze %dma_start3A_999 : memref<64x1x1024xf32, #tpu.memory_space<any>> -> memref<64x1024xf32, #tpu.memory_space<any>>
      tpu.enqueue_dma source(%dma_start3A_1000 : memref<64x1024xf32, #tpu.memory_space<any>>) target(%dma_start3A_996 : memref<64x1024xf32, #tpu.memory_space<vmem>>) target_semaphore(%dma_start3A_992 : memref<!tpu.dma_semaphore, #tpu.memory_space<semaphore_mem>>)
      %dma_start3A_1001 = arith.constant 7 : i32
      %dma_start3A_1002 = tpu.memref_slice %arg21[%select_n3A_815] : memref<3x!tpu.dma_semaphore, #tpu.memory_space<semaphore_mem>> -> memref<1x!tpu.dma_semaphore, #tpu.memory_space<semaphore_mem>>
      %dma_start3A_1003 = tpu.memref_squeeze %dma_start3A_1002 : memref<1x!tpu.dma_semaphore, #tpu.memory_space<semaphore_mem>> -> memref<!tpu.dma_semaphore, #tpu.memory_space<semaphore_mem>>
      %dma_start3A_1004 = arith.constant 0 : i32
      %dma_start3A_1005 = arith.constant 0 : i32
      %dma_start3A_1006 = tpu.memref_slice %arg16[%select_n3A_815, %dma_start3A_1001, %dma_start3A_1004, %dma_start3A_1005] : memref<3x16x64x1024xf32, #tpu.memory_space<vmem>> -> memref<1x1x64x1024xf32, #tpu.memory_space<vmem>>
      %dma_start3A_1007 = tpu.memref_squeeze %dma_start3A_1006 : memref<1x1x64x1024xf32, #tpu.memory_space<vmem>> -> memref<64x1024xf32, #tpu.memory_space<vmem>>
      %dma_start3A_1008 = arith.constant 0 : i32
      %dma_start3A_1009 = arith.constant 0 : i32
      %dma_start3A_1010 = tpu.memref_slice %arg1[%dma_start3A_1008, %add3A_847, %dma_start3A_1009] : memref<64x64x1024xf32, #tpu.memory_space<any>> -> memref<64x1x1024xf32, #tpu.memory_space<any>>
      %dma_start3A_1011 = tpu.memref_squeeze %dma_start3A_1010 : memref<64x1x1024xf32, #tpu.memory_space<any>> -> memref<64x1024xf32, #tpu.memory_space<any>>
      tpu.enqueue_dma source(%dma_start3A_1011 : memref<64x1024xf32, #tpu.memory_space<any>>) target(%dma_start3A_1007 : memref<64x1024xf32, #tpu.memory_space<vmem>>) target_semaphore(%dma_start3A_1003 : memref<!tpu.dma_semaphore, #tpu.memory_space<semaphore_mem>>)
      %dma_start3A_1012 = arith.constant 15 : i32
      %dma_start3A_1013 = tpu.memref_slice %arg21[%select_n3A_815] : memref<3x!tpu.dma_semaphore, #tpu.memory_space<semaphore_mem>> -> memref<1x!tpu.dma_semaphore, #tpu.memory_space<semaphore_mem>>
      %dma_start3A_1014 = tpu.memref_squeeze %dma_start3A_1013 : memref<1x!tpu.dma_semaphore, #tpu.memory_space<semaphore_mem>> -> memref<!tpu.dma_semaphore, #tpu.memory_space<semaphore_mem>>
      %dma_start3A_1015 = arith.constant 0 : i32
      %dma_start3A_1016 = arith.constant 0 : i32
      %dma_start3A_1017 = tpu.memref_slice %arg16[%select_n3A_815, %dma_start3A_1012, %dma_start3A_1015, %dma_start3A_1016] : memref<3x16x64x1024xf32, #tpu.memory_space<vmem>> -> memref<1x1x64x1024xf32, #tpu.memory_space<vmem>>
      %dma_start3A_1018 = tpu.memref_squeeze %dma_start3A_1017 : memref<1x1x64x1024xf32, #tpu.memory_space<vmem>> -> memref<64x1024xf32, #tpu.memory_space<vmem>>
      %dma_start3A_1019 = arith.constant 0 : i32
      %dma_start3A_1020 = arith.constant 0 : i32
      %dma_start3A_1021 = tpu.memref_slice %arg2[%dma_start3A_1019, %add3A_847, %dma_start3A_1020] : memref<64x64x1024xf32, #tpu.memory_space<any>> -> memref<64x1x1024xf32, #tpu.memory_space<any>>
      %dma_start3A_1022 = tpu.memref_squeeze %dma_start3A_1021 : memref<64x1x1024xf32, #tpu.memory_space<any>> -> memref<64x1024xf32, #tpu.memory_space<any>>
      tpu.enqueue_dma source(%dma_start3A_1022 : memref<64x1024xf32, #tpu.memory_space<any>>) target(%dma_start3A_1018 : memref<64x1024xf32, #tpu.memory_space<vmem>>) target_semaphore(%dma_start3A_1014 : memref<!tpu.dma_semaphore, #tpu.memory_space<semaphore_mem>>)
    } else {
    }
    %eq3A_6 = arith.constant 2 : i32
    %eq3A_7 = arith.cmpi eq, %arg0, %eq3A_6 : i32
    %convert_element_type3A_8 = arith.extui %eq3A_7 : i1 to i32
    %cond3A_9 = arith.constant 0 : i32
    %cond3A_10 = arith.constant 0 : i32
    %cond3A_11 = arith.cmpi ne, %convert_element_type3A_8, %cond3A_10 : i32
    scf.if %cond3A_11 {
      %dma_start3A = tpu.memref_slice %arg22[%cond3A_9] : memref<2x!tpu.dma_semaphore, #tpu.memory_space<semaphore_mem>> -> memref<1x!tpu.dma_semaphore, #tpu.memory_space<semaphore_mem>>
      %dma_start3A_796 = tpu.memref_squeeze %dma_start3A : memref<1x!tpu.dma_semaphore, #tpu.memory_space<semaphore_mem>> -> memref<!tpu.dma_semaphore, #tpu.memory_space<semaphore_mem>>
      tpu.enqueue_dma source(%arg9 : memref<8192x256xf32, #tpu.memory_space<any>>) target(%arg18 : memref<8192x256xf32, #tpu.memory_space<vmem>>) target_semaphore(%dma_start3A_796 : memref<!tpu.dma_semaphore, #tpu.memory_space<semaphore_mem>>)
    } else {
    }
    %eq3A_12 = arith.constant 5 : i32
    %eq3A_13 = arith.cmpi eq, %arg0, %eq3A_12 : i32
    %convert_element_type3A_14 = arith.extui %eq3A_13 : i1 to i32
    %cond3A_15 = arith.constant 1 : i32
    %cond3A_16 = arith.constant 0 : i32
    %cond3A_17 = arith.cmpi ne, %convert_element_type3A_14, %cond3A_16 : i32
    scf.if %cond3A_17 {
      %dma_start3A = tpu.memref_slice %arg22[%cond3A_15] : memref<2x!tpu.dma_semaphore, #tpu.memory_space<semaphore_mem>> -> memref<1x!tpu.dma_semaphore, #tpu.memory_space<semaphore_mem>>
      %dma_start3A_796 = tpu.memref_squeeze %dma_start3A : memref<1x!tpu.dma_semaphore, #tpu.memory_space<semaphore_mem>> -> memref<!tpu.dma_semaphore, #tpu.memory_space<semaphore_mem>>
      tpu.enqueue_dma source(%arg11 : memref<256x1024xf32, #tpu.memory_space<any>>) target(%arg19 : memref<256x1024xf32, #tpu.memory_space<vmem>>) target_semaphore(%dma_start3A_796 : memref<!tpu.dma_semaphore, #tpu.memory_space<semaphore_mem>>)
    } else {
    }
    %jit3A = arith.constant 3 : i32
    %eq3A_18 = arith.constant 0 : i32
    %eq3A_19 = arith.cmpi eq, %jit3A, %eq3A_18 : i32
    %jit3A_20 = arith.constant 1 : i32
    %select_n3A = arith.select %eq3A_19, %jit3A_20, %jit3A : i32
    %rem3A = arith.remsi %arg0, %select_n3A : i32
    %ne3A = arith.constant 0 : i32
    %ne3A_21 = arith.cmpi ne, %rem3A, %ne3A : i32
    %lt3A_22 = arith.constant 0 : i32
    %lt3A_23 = arith.cmpi slt, %rem3A, %lt3A_22 : i32
    %lt3A_24 = arith.constant 0 : i32
    %lt3A_25 = arith.cmpi slt, %select_n3A, %lt3A_24 : i32
    %ne3A_26 = arith.xori %lt3A_23, %lt3A_25 : i1
    %and3A = arith.andi %ne3A_26, %ne3A_21 : i1
    %add3A = arith.addi %rem3A, %select_n3A : i32
    %select_n3A_27 = arith.select %and3A, %add3A, %rem3A : i32
    %mul3A = arith.constant 8 : i32
    %mul3A_28 = arith.muli %mul3A, %arg0 : i32
    %add3A_29 = arith.constant 0 : i32
    %add3A_30 = arith.addi %mul3A_28, %add3A_29 : i32
    %mul3A_31 = arith.constant 8 : i32
    %mul3A_32 = arith.muli %mul3A_31, %arg0 : i32
    %add3A_33 = arith.constant 1 : i32
    %add3A_34 = arith.addi %mul3A_32, %add3A_33 : i32
    %mul3A_35 = arith.constant 8 : i32
    %mul3A_36 = arith.muli %mul3A_35, %arg0 : i32
    %add3A_37 = arith.constant 2 : i32
    %add3A_38 = arith.addi %mul3A_36, %add3A_37 : i32
    %mul3A_39 = arith.constant 8 : i32
    %mul3A_40 = arith.muli %mul3A_39, %arg0 : i32
    %add3A_41 = arith.constant 3 : i32
    %add3A_42 = arith.addi %mul3A_40, %add3A_41 : i32
    %mul3A_43 = arith.constant 8 : i32
    %mul3A_44 = arith.muli %mul3A_43, %arg0 : i32
    %add3A_45 = arith.constant 4 : i32
    %add3A_46 = arith.addi %mul3A_44, %add3A_45 : i32
    %mul3A_47 = arith.constant 8 : i32
    %mul3A_48 = arith.muli %mul3A_47, %arg0 : i32
    %add3A_49 = arith.constant 5 : i32
    %add3A_50 = arith.addi %mul3A_48, %add3A_49 : i32
    %mul3A_51 = arith.constant 8 : i32
    %mul3A_52 = arith.muli %mul3A_51, %arg0 : i32
    %add3A_53 = arith.constant 6 : i32
    %add3A_54 = arith.addi %mul3A_52, %add3A_53 : i32
    %mul3A_55 = arith.constant 8 : i32
    %mul3A_56 = arith.muli %mul3A_55, %arg0 : i32
    %add3A_57 = arith.constant 7 : i32
    %add3A_58 = arith.addi %mul3A_56, %add3A_57 : i32
    %dma_wait3A = arith.constant 0 : i32
    %dma_wait3A_59 = tpu.memref_slice %arg21[%select_n3A_27] : memref<3x!tpu.dma_semaphore, #tpu.memory_space<semaphore_mem>> -> memref<1x!tpu.dma_semaphore, #tpu.memory_space<semaphore_mem>>
    %dma_wait3A_60 = tpu.memref_squeeze %dma_wait3A_59 : memref<1x!tpu.dma_semaphore, #tpu.memory_space<semaphore_mem>> -> memref<!tpu.dma_semaphore, #tpu.memory_space<semaphore_mem>>
    %dma_wait3A_61 = arith.constant 0 : i32
    %dma_wait3A_62 = arith.constant 0 : i32
    %dma_wait3A_63 = tpu.memref_slice %arg16[%select_n3A_27, %dma_wait3A, %dma_wait3A_61, %dma_wait3A_62] : memref<3x16x64x1024xf32, #tpu.memory_space<vmem>> -> memref<1x1x64x1024xf32, #tpu.memory_space<vmem>>
    %dma_wait3A_64 = tpu.memref_squeeze %dma_wait3A_63 : memref<1x1x64x1024xf32, #tpu.memory_space<vmem>> -> memref<64x1024xf32, #tpu.memory_space<vmem>>
    %dma_wait3A_65 = arith.constant 0 : i32
    %dma_wait3A_66 = arith.constant 0 : i32
    %dma_wait3A_67 = tpu.memref_slice %arg1[%dma_wait3A_65, %add3A_30, %dma_wait3A_66] : memref<64x64x1024xf32, #tpu.memory_space<any>> -> memref<64x1x1024xf32, #tpu.memory_space<any>>
    %dma_wait3A_68 = tpu.memref_squeeze %dma_wait3A_67 : memref<64x1x1024xf32, #tpu.memory_space<any>> -> memref<64x1024xf32, #tpu.memory_space<any>>
    tpu.wait_dma2 semaphore(%dma_wait3A_60 : memref<!tpu.dma_semaphore, #tpu.memory_space<semaphore_mem>>) src(%dma_wait3A_68 : memref<64x1024xf32, #tpu.memory_space<any>>) dst(%dma_wait3A_64 : memref<64x1024xf32, #tpu.memory_space<vmem>>)
    %dma_wait3A_69 = arith.constant 8 : i32
    %dma_wait3A_70 = tpu.memref_slice %arg21[%select_n3A_27] : memref<3x!tpu.dma_semaphore, #tpu.memory_space<semaphore_mem>> -> memref<1x!tpu.dma_semaphore, #tpu.memory_space<semaphore_mem>>
    %dma_wait3A_71 = tpu.memref_squeeze %dma_wait3A_70 : memref<1x!tpu.dma_semaphore, #tpu.memory_space<semaphore_mem>> -> memref<!tpu.dma_semaphore, #tpu.memory_space<semaphore_mem>>
    %dma_wait3A_72 = arith.constant 0 : i32
    %dma_wait3A_73 = arith.constant 0 : i32
    %dma_wait3A_74 = tpu.memref_slice %arg16[%select_n3A_27, %dma_wait3A_69, %dma_wait3A_72, %dma_wait3A_73] : memref<3x16x64x1024xf32, #tpu.memory_space<vmem>> -> memref<1x1x64x1024xf32, #tpu.memory_space<vmem>>
    %dma_wait3A_75 = tpu.memref_squeeze %dma_wait3A_74 : memref<1x1x64x1024xf32, #tpu.memory_space<vmem>> -> memref<64x1024xf32, #tpu.memory_space<vmem>>
    %dma_wait3A_76 = arith.constant 0 : i32
    %dma_wait3A_77 = arith.constant 0 : i32
    %dma_wait3A_78 = tpu.memref_slice %arg2[%dma_wait3A_76, %add3A_30, %dma_wait3A_77] : memref<64x64x1024xf32, #tpu.memory_space<any>> -> memref<64x1x1024xf32, #tpu.memory_space<any>>
    %dma_wait3A_79 = tpu.memref_squeeze %dma_wait3A_78 : memref<64x1x1024xf32, #tpu.memory_space<any>> -> memref<64x1024xf32, #tpu.memory_space<any>>
    tpu.wait_dma2 semaphore(%dma_wait3A_71 : memref<!tpu.dma_semaphore, #tpu.memory_space<semaphore_mem>>) src(%dma_wait3A_79 : memref<64x1024xf32, #tpu.memory_space<any>>) dst(%dma_wait3A_75 : memref<64x1024xf32, #tpu.memory_space<vmem>>)
    %dma_wait3A_80 = arith.constant 1 : i32
    %dma_wait3A_81 = tpu.memref_slice %arg21[%select_n3A_27] : memref<3x!tpu.dma_semaphore, #tpu.memory_space<semaphore_mem>> -> memref<1x!tpu.dma_semaphore, #tpu.memory_space<semaphore_mem>>
    %dma_wait3A_82 = tpu.memref_squeeze %dma_wait3A_81 : memref<1x!tpu.dma_semaphore, #tpu.memory_space<semaphore_mem>> -> memref<!tpu.dma_semaphore, #tpu.memory_space<semaphore_mem>>
    %dma_wait3A_83 = arith.constant 0 : i32
    %dma_wait3A_84 = arith.constant 0 : i32
    %dma_wait3A_85 = tpu.memref_slice %arg16[%select_n3A_27, %dma_wait3A_80, %dma_wait3A_83, %dma_wait3A_84] : memref<3x16x64x1024xf32, #tpu.memory_space<vmem>> -> memref<1x1x64x1024xf32, #tpu.memory_space<vmem>>
    %dma_wait3A_86 = tpu.memref_squeeze %dma_wait3A_85 : memref<1x1x64x1024xf32, #tpu.memory_space<vmem>> -> memref<64x1024xf32, #tpu.memory_space<vmem>>
    %dma_wait3A_87 = arith.constant 0 : i32
    %dma_wait3A_88 = arith.constant 0 : i32
    %dma_wait3A_89 = tpu.memref_slice %arg1[%dma_wait3A_87, %add3A_34, %dma_wait3A_88] : memref<64x64x1024xf32, #tpu.memory_space<any>> -> memref<64x1x1024xf32, #tpu.memory_space<any>>
    %dma_wait3A_90 = tpu.memref_squeeze %dma_wait3A_89 : memref<64x1x1024xf32, #tpu.memory_space<any>> -> memref<64x1024xf32, #tpu.memory_space<any>>
    tpu.wait_dma2 semaphore(%dma_wait3A_82 : memref<!tpu.dma_semaphore, #tpu.memory_space<semaphore_mem>>) src(%dma_wait3A_90 : memref<64x1024xf32, #tpu.memory_space<any>>) dst(%dma_wait3A_86 : memref<64x1024xf32, #tpu.memory_space<vmem>>)
    %dma_wait3A_91 = arith.constant 9 : i32
    %dma_wait3A_92 = tpu.memref_slice %arg21[%select_n3A_27] : memref<3x!tpu.dma_semaphore, #tpu.memory_space<semaphore_mem>> -> memref<1x!tpu.dma_semaphore, #tpu.memory_space<semaphore_mem>>
    %dma_wait3A_93 = tpu.memref_squeeze %dma_wait3A_92 : memref<1x!tpu.dma_semaphore, #tpu.memory_space<semaphore_mem>> -> memref<!tpu.dma_semaphore, #tpu.memory_space<semaphore_mem>>
    %dma_wait3A_94 = arith.constant 0 : i32
    %dma_wait3A_95 = arith.constant 0 : i32
    %dma_wait3A_96 = tpu.memref_slice %arg16[%select_n3A_27, %dma_wait3A_91, %dma_wait3A_94, %dma_wait3A_95] : memref<3x16x64x1024xf32, #tpu.memory_space<vmem>> -> memref<1x1x64x1024xf32, #tpu.memory_space<vmem>>
    %dma_wait3A_97 = tpu.memref_squeeze %dma_wait3A_96 : memref<1x1x64x1024xf32, #tpu.memory_space<vmem>> -> memref<64x1024xf32, #tpu.memory_space<vmem>>
    %dma_wait3A_98 = arith.constant 0 : i32
    %dma_wait3A_99 = arith.constant 0 : i32
    %dma_wait3A_100 = tpu.memref_slice %arg2[%dma_wait3A_98, %add3A_34, %dma_wait3A_99] : memref<64x64x1024xf32, #tpu.memory_space<any>> -> memref<64x1x1024xf32, #tpu.memory_space<any>>
    %dma_wait3A_101 = tpu.memref_squeeze %dma_wait3A_100 : memref<64x1x1024xf32, #tpu.memory_space<any>> -> memref<64x1024xf32, #tpu.memory_space<any>>
    tpu.wait_dma2 semaphore(%dma_wait3A_93 : memref<!tpu.dma_semaphore, #tpu.memory_space<semaphore_mem>>) src(%dma_wait3A_101 : memref<64x1024xf32, #tpu.memory_space<any>>) dst(%dma_wait3A_97 : memref<64x1024xf32, #tpu.memory_space<vmem>>)
    %dma_wait3A_102 = arith.constant 2 : i32
    %dma_wait3A_103 = tpu.memref_slice %arg21[%select_n3A_27] : memref<3x!tpu.dma_semaphore, #tpu.memory_space<semaphore_mem>> -> memref<1x!tpu.dma_semaphore, #tpu.memory_space<semaphore_mem>>
    %dma_wait3A_104 = tpu.memref_squeeze %dma_wait3A_103 : memref<1x!tpu.dma_semaphore, #tpu.memory_space<semaphore_mem>> -> memref<!tpu.dma_semaphore, #tpu.memory_space<semaphore_mem>>
    %dma_wait3A_105 = arith.constant 0 : i32
    %dma_wait3A_106 = arith.constant 0 : i32
    %dma_wait3A_107 = tpu.memref_slice %arg16[%select_n3A_27, %dma_wait3A_102, %dma_wait3A_105, %dma_wait3A_106] : memref<3x16x64x1024xf32, #tpu.memory_space<vmem>> -> memref<1x1x64x1024xf32, #tpu.memory_space<vmem>>
    %dma_wait3A_108 = tpu.memref_squeeze %dma_wait3A_107 : memref<1x1x64x1024xf32, #tpu.memory_space<vmem>> -> memref<64x1024xf32, #tpu.memory_space<vmem>>
    %dma_wait3A_109 = arith.constant 0 : i32
    %dma_wait3A_110 = arith.constant 0 : i32
    %dma_wait3A_111 = tpu.memref_slice %arg1[%dma_wait3A_109, %add3A_38, %dma_wait3A_110] : memref<64x64x1024xf32, #tpu.memory_space<any>> -> memref<64x1x1024xf32, #tpu.memory_space<any>>
    %dma_wait3A_112 = tpu.memref_squeeze %dma_wait3A_111 : memref<64x1x1024xf32, #tpu.memory_space<any>> -> memref<64x1024xf32, #tpu.memory_space<any>>
    tpu.wait_dma2 semaphore(%dma_wait3A_104 : memref<!tpu.dma_semaphore, #tpu.memory_space<semaphore_mem>>) src(%dma_wait3A_112 : memref<64x1024xf32, #tpu.memory_space<any>>) dst(%dma_wait3A_108 : memref<64x1024xf32, #tpu.memory_space<vmem>>)
    %dma_wait3A_113 = arith.constant 10 : i32
    %dma_wait3A_114 = tpu.memref_slice %arg21[%select_n3A_27] : memref<3x!tpu.dma_semaphore, #tpu.memory_space<semaphore_mem>> -> memref<1x!tpu.dma_semaphore, #tpu.memory_space<semaphore_mem>>
    %dma_wait3A_115 = tpu.memref_squeeze %dma_wait3A_114 : memref<1x!tpu.dma_semaphore, #tpu.memory_space<semaphore_mem>> -> memref<!tpu.dma_semaphore, #tpu.memory_space<semaphore_mem>>
    %dma_wait3A_116 = arith.constant 0 : i32
    %dma_wait3A_117 = arith.constant 0 : i32
    %dma_wait3A_118 = tpu.memref_slice %arg16[%select_n3A_27, %dma_wait3A_113, %dma_wait3A_116, %dma_wait3A_117] : memref<3x16x64x1024xf32, #tpu.memory_space<vmem>> -> memref<1x1x64x1024xf32, #tpu.memory_space<vmem>>
    %dma_wait3A_119 = tpu.memref_squeeze %dma_wait3A_118 : memref<1x1x64x1024xf32, #tpu.memory_space<vmem>> -> memref<64x1024xf32, #tpu.memory_space<vmem>>
    %dma_wait3A_120 = arith.constant 0 : i32
    %dma_wait3A_121 = arith.constant 0 : i32
    %dma_wait3A_122 = tpu.memref_slice %arg2[%dma_wait3A_120, %add3A_38, %dma_wait3A_121] : memref<64x64x1024xf32, #tpu.memory_space<any>> -> memref<64x1x1024xf32, #tpu.memory_space<any>>
    %dma_wait3A_123 = tpu.memref_squeeze %dma_wait3A_122 : memref<64x1x1024xf32, #tpu.memory_space<any>> -> memref<64x1024xf32, #tpu.memory_space<any>>
    tpu.wait_dma2 semaphore(%dma_wait3A_115 : memref<!tpu.dma_semaphore, #tpu.memory_space<semaphore_mem>>) src(%dma_wait3A_123 : memref<64x1024xf32, #tpu.memory_space<any>>) dst(%dma_wait3A_119 : memref<64x1024xf32, #tpu.memory_space<vmem>>)
    %dma_wait3A_124 = arith.constant 3 : i32
    %dma_wait3A_125 = tpu.memref_slice %arg21[%select_n3A_27] : memref<3x!tpu.dma_semaphore, #tpu.memory_space<semaphore_mem>> -> memref<1x!tpu.dma_semaphore, #tpu.memory_space<semaphore_mem>>
    %dma_wait3A_126 = tpu.memref_squeeze %dma_wait3A_125 : memref<1x!tpu.dma_semaphore, #tpu.memory_space<semaphore_mem>> -> memref<!tpu.dma_semaphore, #tpu.memory_space<semaphore_mem>>
    %dma_wait3A_127 = arith.constant 0 : i32
    %dma_wait3A_128 = arith.constant 0 : i32
    %dma_wait3A_129 = tpu.memref_slice %arg16[%select_n3A_27, %dma_wait3A_124, %dma_wait3A_127, %dma_wait3A_128] : memref<3x16x64x1024xf32, #tpu.memory_space<vmem>> -> memref<1x1x64x1024xf32, #tpu.memory_space<vmem>>
    %dma_wait3A_130 = tpu.memref_squeeze %dma_wait3A_129 : memref<1x1x64x1024xf32, #tpu.memory_space<vmem>> -> memref<64x1024xf32, #tpu.memory_space<vmem>>
    %dma_wait3A_131 = arith.constant 0 : i32
    %dma_wait3A_132 = arith.constant 0 : i32
    %dma_wait3A_133 = tpu.memref_slice %arg1[%dma_wait3A_131, %add3A_42, %dma_wait3A_132] : memref<64x64x1024xf32, #tpu.memory_space<any>> -> memref<64x1x1024xf32, #tpu.memory_space<any>>
    %dma_wait3A_134 = tpu.memref_squeeze %dma_wait3A_133 : memref<64x1x1024xf32, #tpu.memory_space<any>> -> memref<64x1024xf32, #tpu.memory_space<any>>
    tpu.wait_dma2 semaphore(%dma_wait3A_126 : memref<!tpu.dma_semaphore, #tpu.memory_space<semaphore_mem>>) src(%dma_wait3A_134 : memref<64x1024xf32, #tpu.memory_space<any>>) dst(%dma_wait3A_130 : memref<64x1024xf32, #tpu.memory_space<vmem>>)
    %dma_wait3A_135 = arith.constant 11 : i32
    %dma_wait3A_136 = tpu.memref_slice %arg21[%select_n3A_27] : memref<3x!tpu.dma_semaphore, #tpu.memory_space<semaphore_mem>> -> memref<1x!tpu.dma_semaphore, #tpu.memory_space<semaphore_mem>>
    %dma_wait3A_137 = tpu.memref_squeeze %dma_wait3A_136 : memref<1x!tpu.dma_semaphore, #tpu.memory_space<semaphore_mem>> -> memref<!tpu.dma_semaphore, #tpu.memory_space<semaphore_mem>>
    %dma_wait3A_138 = arith.constant 0 : i32
    %dma_wait3A_139 = arith.constant 0 : i32
    %dma_wait3A_140 = tpu.memref_slice %arg16[%select_n3A_27, %dma_wait3A_135, %dma_wait3A_138, %dma_wait3A_139] : memref<3x16x64x1024xf32, #tpu.memory_space<vmem>> -> memref<1x1x64x1024xf32, #tpu.memory_space<vmem>>
    %dma_wait3A_141 = tpu.memref_squeeze %dma_wait3A_140 : memref<1x1x64x1024xf32, #tpu.memory_space<vmem>> -> memref<64x1024xf32, #tpu.memory_space<vmem>>
    %dma_wait3A_142 = arith.constant 0 : i32
    %dma_wait3A_143 = arith.constant 0 : i32
    %dma_wait3A_144 = tpu.memref_slice %arg2[%dma_wait3A_142, %add3A_42, %dma_wait3A_143] : memref<64x64x1024xf32, #tpu.memory_space<any>> -> memref<64x1x1024xf32, #tpu.memory_space<any>>
    %dma_wait3A_145 = tpu.memref_squeeze %dma_wait3A_144 : memref<64x1x1024xf32, #tpu.memory_space<any>> -> memref<64x1024xf32, #tpu.memory_space<any>>
    tpu.wait_dma2 semaphore(%dma_wait3A_137 : memref<!tpu.dma_semaphore, #tpu.memory_space<semaphore_mem>>) src(%dma_wait3A_145 : memref<64x1024xf32, #tpu.memory_space<any>>) dst(%dma_wait3A_141 : memref<64x1024xf32, #tpu.memory_space<vmem>>)
    %dma_wait3A_146 = arith.constant 4 : i32
    %dma_wait3A_147 = tpu.memref_slice %arg21[%select_n3A_27] : memref<3x!tpu.dma_semaphore, #tpu.memory_space<semaphore_mem>> -> memref<1x!tpu.dma_semaphore, #tpu.memory_space<semaphore_mem>>
    %dma_wait3A_148 = tpu.memref_squeeze %dma_wait3A_147 : memref<1x!tpu.dma_semaphore, #tpu.memory_space<semaphore_mem>> -> memref<!tpu.dma_semaphore, #tpu.memory_space<semaphore_mem>>
    %dma_wait3A_149 = arith.constant 0 : i32
    %dma_wait3A_150 = arith.constant 0 : i32
    %dma_wait3A_151 = tpu.memref_slice %arg16[%select_n3A_27, %dma_wait3A_146, %dma_wait3A_149, %dma_wait3A_150] : memref<3x16x64x1024xf32, #tpu.memory_space<vmem>> -> memref<1x1x64x1024xf32, #tpu.memory_space<vmem>>
    %dma_wait3A_152 = tpu.memref_squeeze %dma_wait3A_151 : memref<1x1x64x1024xf32, #tpu.memory_space<vmem>> -> memref<64x1024xf32, #tpu.memory_space<vmem>>
    %dma_wait3A_153 = arith.constant 0 : i32
    %dma_wait3A_154 = arith.constant 0 : i32
    %dma_wait3A_155 = tpu.memref_slice %arg1[%dma_wait3A_153, %add3A_46, %dma_wait3A_154] : memref<64x64x1024xf32, #tpu.memory_space<any>> -> memref<64x1x1024xf32, #tpu.memory_space<any>>
    %dma_wait3A_156 = tpu.memref_squeeze %dma_wait3A_155 : memref<64x1x1024xf32, #tpu.memory_space<any>> -> memref<64x1024xf32, #tpu.memory_space<any>>
    tpu.wait_dma2 semaphore(%dma_wait3A_148 : memref<!tpu.dma_semaphore, #tpu.memory_space<semaphore_mem>>) src(%dma_wait3A_156 : memref<64x1024xf32, #tpu.memory_space<any>>) dst(%dma_wait3A_152 : memref<64x1024xf32, #tpu.memory_space<vmem>>)
    %dma_wait3A_157 = arith.constant 12 : i32
    %dma_wait3A_158 = tpu.memref_slice %arg21[%select_n3A_27] : memref<3x!tpu.dma_semaphore, #tpu.memory_space<semaphore_mem>> -> memref<1x!tpu.dma_semaphore, #tpu.memory_space<semaphore_mem>>
    %dma_wait3A_159 = tpu.memref_squeeze %dma_wait3A_158 : memref<1x!tpu.dma_semaphore, #tpu.memory_space<semaphore_mem>> -> memref<!tpu.dma_semaphore, #tpu.memory_space<semaphore_mem>>
    %dma_wait3A_160 = arith.constant 0 : i32
    %dma_wait3A_161 = arith.constant 0 : i32
    %dma_wait3A_162 = tpu.memref_slice %arg16[%select_n3A_27, %dma_wait3A_157, %dma_wait3A_160, %dma_wait3A_161] : memref<3x16x64x1024xf32, #tpu.memory_space<vmem>> -> memref<1x1x64x1024xf32, #tpu.memory_space<vmem>>
    %dma_wait3A_163 = tpu.memref_squeeze %dma_wait3A_162 : memref<1x1x64x1024xf32, #tpu.memory_space<vmem>> -> memref<64x1024xf32, #tpu.memory_space<vmem>>
    %dma_wait3A_164 = arith.constant 0 : i32
    %dma_wait3A_165 = arith.constant 0 : i32
    %dma_wait3A_166 = tpu.memref_slice %arg2[%dma_wait3A_164, %add3A_46, %dma_wait3A_165] : memref<64x64x1024xf32, #tpu.memory_space<any>> -> memref<64x1x1024xf32, #tpu.memory_space<any>>
    %dma_wait3A_167 = tpu.memref_squeeze %dma_wait3A_166 : memref<64x1x1024xf32, #tpu.memory_space<any>> -> memref<64x1024xf32, #tpu.memory_space<any>>
    tpu.wait_dma2 semaphore(%dma_wait3A_159 : memref<!tpu.dma_semaphore, #tpu.memory_space<semaphore_mem>>) src(%dma_wait3A_167 : memref<64x1024xf32, #tpu.memory_space<any>>) dst(%dma_wait3A_163 : memref<64x1024xf32, #tpu.memory_space<vmem>>)
    %dma_wait3A_168 = arith.constant 5 : i32
    %dma_wait3A_169 = tpu.memref_slice %arg21[%select_n3A_27] : memref<3x!tpu.dma_semaphore, #tpu.memory_space<semaphore_mem>> -> memref<1x!tpu.dma_semaphore, #tpu.memory_space<semaphore_mem>>
    %dma_wait3A_170 = tpu.memref_squeeze %dma_wait3A_169 : memref<1x!tpu.dma_semaphore, #tpu.memory_space<semaphore_mem>> -> memref<!tpu.dma_semaphore, #tpu.memory_space<semaphore_mem>>
    %dma_wait3A_171 = arith.constant 0 : i32
    %dma_wait3A_172 = arith.constant 0 : i32
    %dma_wait3A_173 = tpu.memref_slice %arg16[%select_n3A_27, %dma_wait3A_168, %dma_wait3A_171, %dma_wait3A_172] : memref<3x16x64x1024xf32, #tpu.memory_space<vmem>> -> memref<1x1x64x1024xf32, #tpu.memory_space<vmem>>
    %dma_wait3A_174 = tpu.memref_squeeze %dma_wait3A_173 : memref<1x1x64x1024xf32, #tpu.memory_space<vmem>> -> memref<64x1024xf32, #tpu.memory_space<vmem>>
    %dma_wait3A_175 = arith.constant 0 : i32
    %dma_wait3A_176 = arith.constant 0 : i32
    %dma_wait3A_177 = tpu.memref_slice %arg1[%dma_wait3A_175, %add3A_50, %dma_wait3A_176] : memref<64x64x1024xf32, #tpu.memory_space<any>> -> memref<64x1x1024xf32, #tpu.memory_space<any>>
    %dma_wait3A_178 = tpu.memref_squeeze %dma_wait3A_177 : memref<64x1x1024xf32, #tpu.memory_space<any>> -> memref<64x1024xf32, #tpu.memory_space<any>>
    tpu.wait_dma2 semaphore(%dma_wait3A_170 : memref<!tpu.dma_semaphore, #tpu.memory_space<semaphore_mem>>) src(%dma_wait3A_178 : memref<64x1024xf32, #tpu.memory_space<any>>) dst(%dma_wait3A_174 : memref<64x1024xf32, #tpu.memory_space<vmem>>)
    %dma_wait3A_179 = arith.constant 13 : i32
    %dma_wait3A_180 = tpu.memref_slice %arg21[%select_n3A_27] : memref<3x!tpu.dma_semaphore, #tpu.memory_space<semaphore_mem>> -> memref<1x!tpu.dma_semaphore, #tpu.memory_space<semaphore_mem>>
    %dma_wait3A_181 = tpu.memref_squeeze %dma_wait3A_180 : memref<1x!tpu.dma_semaphore, #tpu.memory_space<semaphore_mem>> -> memref<!tpu.dma_semaphore, #tpu.memory_space<semaphore_mem>>
    %dma_wait3A_182 = arith.constant 0 : i32
    %dma_wait3A_183 = arith.constant 0 : i32
    %dma_wait3A_184 = tpu.memref_slice %arg16[%select_n3A_27, %dma_wait3A_179, %dma_wait3A_182, %dma_wait3A_183] : memref<3x16x64x1024xf32, #tpu.memory_space<vmem>> -> memref<1x1x64x1024xf32, #tpu.memory_space<vmem>>
    %dma_wait3A_185 = tpu.memref_squeeze %dma_wait3A_184 : memref<1x1x64x1024xf32, #tpu.memory_space<vmem>> -> memref<64x1024xf32, #tpu.memory_space<vmem>>
    %dma_wait3A_186 = arith.constant 0 : i32
    %dma_wait3A_187 = arith.constant 0 : i32
    %dma_wait3A_188 = tpu.memref_slice %arg2[%dma_wait3A_186, %add3A_50, %dma_wait3A_187] : memref<64x64x1024xf32, #tpu.memory_space<any>> -> memref<64x1x1024xf32, #tpu.memory_space<any>>
    %dma_wait3A_189 = tpu.memref_squeeze %dma_wait3A_188 : memref<64x1x1024xf32, #tpu.memory_space<any>> -> memref<64x1024xf32, #tpu.memory_space<any>>
    tpu.wait_dma2 semaphore(%dma_wait3A_181 : memref<!tpu.dma_semaphore, #tpu.memory_space<semaphore_mem>>) src(%dma_wait3A_189 : memref<64x1024xf32, #tpu.memory_space<any>>) dst(%dma_wait3A_185 : memref<64x1024xf32, #tpu.memory_space<vmem>>)
    %dma_wait3A_190 = arith.constant 6 : i32
    %dma_wait3A_191 = tpu.memref_slice %arg21[%select_n3A_27] : memref<3x!tpu.dma_semaphore, #tpu.memory_space<semaphore_mem>> -> memref<1x!tpu.dma_semaphore, #tpu.memory_space<semaphore_mem>>
    %dma_wait3A_192 = tpu.memref_squeeze %dma_wait3A_191 : memref<1x!tpu.dma_semaphore, #tpu.memory_space<semaphore_mem>> -> memref<!tpu.dma_semaphore, #tpu.memory_space<semaphore_mem>>
    %dma_wait3A_193 = arith.constant 0 : i32
    %dma_wait3A_194 = arith.constant 0 : i32
    %dma_wait3A_195 = tpu.memref_slice %arg16[%select_n3A_27, %dma_wait3A_190, %dma_wait3A_193, %dma_wait3A_194] : memref<3x16x64x1024xf32, #tpu.memory_space<vmem>> -> memref<1x1x64x1024xf32, #tpu.memory_space<vmem>>
    %dma_wait3A_196 = tpu.memref_squeeze %dma_wait3A_195 : memref<1x1x64x1024xf32, #tpu.memory_space<vmem>> -> memref<64x1024xf32, #tpu.memory_space<vmem>>
    %dma_wait3A_197 = arith.constant 0 : i32
    %dma_wait3A_198 = arith.constant 0 : i32
    %dma_wait3A_199 = tpu.memref_slice %arg1[%dma_wait3A_197, %add3A_54, %dma_wait3A_198] : memref<64x64x1024xf32, #tpu.memory_space<any>> -> memref<64x1x1024xf32, #tpu.memory_space<any>>
    %dma_wait3A_200 = tpu.memref_squeeze %dma_wait3A_199 : memref<64x1x1024xf32, #tpu.memory_space<any>> -> memref<64x1024xf32, #tpu.memory_space<any>>
    tpu.wait_dma2 semaphore(%dma_wait3A_192 : memref<!tpu.dma_semaphore, #tpu.memory_space<semaphore_mem>>) src(%dma_wait3A_200 : memref<64x1024xf32, #tpu.memory_space<any>>) dst(%dma_wait3A_196 : memref<64x1024xf32, #tpu.memory_space<vmem>>)
    %dma_wait3A_201 = arith.constant 14 : i32
    %dma_wait3A_202 = tpu.memref_slice %arg21[%select_n3A_27] : memref<3x!tpu.dma_semaphore, #tpu.memory_space<semaphore_mem>> -> memref<1x!tpu.dma_semaphore, #tpu.memory_space<semaphore_mem>>
    %dma_wait3A_203 = tpu.memref_squeeze %dma_wait3A_202 : memref<1x!tpu.dma_semaphore, #tpu.memory_space<semaphore_mem>> -> memref<!tpu.dma_semaphore, #tpu.memory_space<semaphore_mem>>
    %dma_wait3A_204 = arith.constant 0 : i32
    %dma_wait3A_205 = arith.constant 0 : i32
    %dma_wait3A_206 = tpu.memref_slice %arg16[%select_n3A_27, %dma_wait3A_201, %dma_wait3A_204, %dma_wait3A_205] : memref<3x16x64x1024xf32, #tpu.memory_space<vmem>> -> memref<1x1x64x1024xf32, #tpu.memory_space<vmem>>
    %dma_wait3A_207 = tpu.memref_squeeze %dma_wait3A_206 : memref<1x1x64x1024xf32, #tpu.memory_space<vmem>> -> memref<64x1024xf32, #tpu.memory_space<vmem>>
    %dma_wait3A_208 = arith.constant 0 : i32
    %dma_wait3A_209 = arith.constant 0 : i32
    %dma_wait3A_210 = tpu.memref_slice %arg2[%dma_wait3A_208, %add3A_54, %dma_wait3A_209] : memref<64x64x1024xf32, #tpu.memory_space<any>> -> memref<64x1x1024xf32, #tpu.memory_space<any>>
    %dma_wait3A_211 = tpu.memref_squeeze %dma_wait3A_210 : memref<64x1x1024xf32, #tpu.memory_space<any>> -> memref<64x1024xf32, #tpu.memory_space<any>>
    tpu.wait_dma2 semaphore(%dma_wait3A_203 : memref<!tpu.dma_semaphore, #tpu.memory_space<semaphore_mem>>) src(%dma_wait3A_211 : memref<64x1024xf32, #tpu.memory_space<any>>) dst(%dma_wait3A_207 : memref<64x1024xf32, #tpu.memory_space<vmem>>)
    %dma_wait3A_212 = arith.constant 7 : i32
    %dma_wait3A_213 = tpu.memref_slice %arg21[%select_n3A_27] : memref<3x!tpu.dma_semaphore, #tpu.memory_space<semaphore_mem>> -> memref<1x!tpu.dma_semaphore, #tpu.memory_space<semaphore_mem>>
    %dma_wait3A_214 = tpu.memref_squeeze %dma_wait3A_213 : memref<1x!tpu.dma_semaphore, #tpu.memory_space<semaphore_mem>> -> memref<!tpu.dma_semaphore, #tpu.memory_space<semaphore_mem>>
    %dma_wait3A_215 = arith.constant 0 : i32
    %dma_wait3A_216 = arith.constant 0 : i32
    %dma_wait3A_217 = tpu.memref_slice %arg16[%select_n3A_27, %dma_wait3A_212, %dma_wait3A_215, %dma_wait3A_216] : memref<3x16x64x1024xf32, #tpu.memory_space<vmem>> -> memref<1x1x64x1024xf32, #tpu.memory_space<vmem>>
    %dma_wait3A_218 = tpu.memref_squeeze %dma_wait3A_217 : memref<1x1x64x1024xf32, #tpu.memory_space<vmem>> -> memref<64x1024xf32, #tpu.memory_space<vmem>>
    %dma_wait3A_219 = arith.constant 0 : i32
    %dma_wait3A_220 = arith.constant 0 : i32
    %dma_wait3A_221 = tpu.memref_slice %arg1[%dma_wait3A_219, %add3A_58, %dma_wait3A_220] : memref<64x64x1024xf32, #tpu.memory_space<any>> -> memref<64x1x1024xf32, #tpu.memory_space<any>>
    %dma_wait3A_222 = tpu.memref_squeeze %dma_wait3A_221 : memref<64x1x1024xf32, #tpu.memory_space<any>> -> memref<64x1024xf32, #tpu.memory_space<any>>
    tpu.wait_dma2 semaphore(%dma_wait3A_214 : memref<!tpu.dma_semaphore, #tpu.memory_space<semaphore_mem>>) src(%dma_wait3A_222 : memref<64x1024xf32, #tpu.memory_space<any>>) dst(%dma_wait3A_218 : memref<64x1024xf32, #tpu.memory_space<vmem>>)
    %dma_wait3A_223 = arith.constant 15 : i32
    %dma_wait3A_224 = tpu.memref_slice %arg21[%select_n3A_27] : memref<3x!tpu.dma_semaphore, #tpu.memory_space<semaphore_mem>> -> memref<1x!tpu.dma_semaphore, #tpu.memory_space<semaphore_mem>>
    %dma_wait3A_225 = tpu.memref_squeeze %dma_wait3A_224 : memref<1x!tpu.dma_semaphore, #tpu.memory_space<semaphore_mem>> -> memref<!tpu.dma_semaphore, #tpu.memory_space<semaphore_mem>>
    %dma_wait3A_226 = arith.constant 0 : i32
    %dma_wait3A_227 = arith.constant 0 : i32
    %dma_wait3A_228 = tpu.memref_slice %arg16[%select_n3A_27, %dma_wait3A_223, %dma_wait3A_226, %dma_wait3A_227] : memref<3x16x64x1024xf32, #tpu.memory_space<vmem>> -> memref<1x1x64x1024xf32, #tpu.memory_space<vmem>>
    %dma_wait3A_229 = tpu.memref_squeeze %dma_wait3A_228 : memref<1x1x64x1024xf32, #tpu.memory_space<vmem>> -> memref<64x1024xf32, #tpu.memory_space<vmem>>
    %dma_wait3A_230 = arith.constant 0 : i32
    %dma_wait3A_231 = arith.constant 0 : i32
    %dma_wait3A_232 = tpu.memref_slice %arg2[%dma_wait3A_230, %add3A_58, %dma_wait3A_231] : memref<64x64x1024xf32, #tpu.memory_space<any>> -> memref<64x1x1024xf32, #tpu.memory_space<any>>
    %dma_wait3A_233 = tpu.memref_squeeze %dma_wait3A_232 : memref<64x1x1024xf32, #tpu.memory_space<any>> -> memref<64x1024xf32, #tpu.memory_space<any>>
    tpu.wait_dma2 semaphore(%dma_wait3A_225 : memref<!tpu.dma_semaphore, #tpu.memory_space<semaphore_mem>>) src(%dma_wait3A_233 : memref<64x1024xf32, #tpu.memory_space<any>>) dst(%dma_wait3A_229 : memref<64x1024xf32, #tpu.memory_space<vmem>>)
    %get3A = arith.index_cast %select_n3A_27 : i32 to index
    %get3A_234 = arith.constant 0 : index
    %get3A_235 = arith.constant 0 : index
    %get3A_236 = arith.constant 0 : index
    %get3A_237 = vector.load %arg16[%get3A, %get3A_234, %get3A_235, %get3A_236] : memref<3x16x64x1024xf32, #tpu.memory_space<vmem>>, vector<1x16x64x1024xf32>
    %get3A_238 = vector.shape_cast %get3A_237 : vector<1x16x64x1024xf32> to vector<16x64x1024xf32>
    %reshape3A = vector.shape_cast %get3A_238 : vector<16x64x1024xf32> to vector<1024x1024xf32>
    %get3A_239 = arith.constant 0 : index
    %get3A_240 = arith.constant 0 : index
    %get3A_241 = vector.load %arg3[%get3A_239, %get3A_240] : memref<1024x256xf32, #tpu.memory_space<vmem>>, vector<1024x256xf32>
    %dot_general3A = arith.constant dense<0.000000e+00> : vector<1024x256xf32>
    %dot_general3A_242 = tpu.matmul %reshape3A, %get3A_241, %dot_general3A {dimension_numbers = #tpu.dot_dimension_numbers<[1], [0], [0], [1], [0, 0, 1, 1], [], []>, transpose_lhs_hint = false} : vector<1024x1024xf32>, vector<1024x256xf32>, vector<1024x256xf32> -> vector<1024x256xf32>
    %get3A_243 = arith.constant 0 : index
    %get3A_244 = arith.constant 0 : index
    %get3A_245 = vector.load %arg4[%get3A_243, %get3A_244] : memref<1x256xf32, #tpu.memory_space<vmem>>, vector<1x256xf32>
    %add3A_246 = vector.broadcast %get3A_245 : vector<1x256xf32> to vector<1024x256xf32>
    %add3A_247 = arith.addf %dot_general3A_242, %add3A_246 : vector<1024x256xf32>
    %jit3A_248 = arith.constant 2 : i32
    %eq3A_249 = arith.constant 0 : i32
    %eq3A_250 = arith.cmpi eq, %jit3A_248, %eq3A_249 : i32
    %jit3A_251 = arith.constant 1 : i32
    %select_n3A_252 = arith.select %eq3A_250, %jit3A_251, %jit3A_248 : i32
    %rem3A_253 = arith.remsi %arg0, %select_n3A_252 : i32
    %ne3A_254 = arith.constant 0 : i32
    %ne3A_255 = arith.cmpi ne, %rem3A_253, %ne3A_254 : i32
    %lt3A_256 = arith.constant 0 : i32
    %lt3A_257 = arith.cmpi slt, %rem3A_253, %lt3A_256 : i32
    %lt3A_258 = arith.constant 0 : i32
    %lt3A_259 = arith.cmpi slt, %select_n3A_252, %lt3A_258 : i32
    %ne3A_260 = arith.xori %lt3A_257, %lt3A_259 : i1
    %and3A_261 = arith.andi %ne3A_260, %ne3A_255 : i1
    %add3A_262 = arith.addi %rem3A_253, %select_n3A_252 : i32
    %select_n3A_263 = arith.select %and3A_261, %add3A_262, %rem3A_253 : i32
    %mul3A_264 = arith.constant 2 : i32
    %mul3A_265 = arith.muli %mul3A_264, %select_n3A_263 : i32
    %add3A_266 = arith.constant 0 : i32
    %add3A_267 = arith.addi %mul3A_265, %add3A_266 : i32
    %mul3A_268 = arith.constant 16 : i32
    %mul3A_269 = arith.muli %add3A_267, %mul3A_268 : i32
    %jit3A_270 = arith.constant 2 : i32
    %div3A = arith.divsi %arg0, %jit3A_270 : i32
    %sign3A = arith.constant 0 : i32
    %sign3A_271 = arith.cmpi sgt, %arg0, %sign3A : i32
    %sign3A_272 = arith.extui %sign3A_271 : i1 to i32
    %sign3A_273 = arith.constant 0 : i32
    %sign3A_274 = arith.cmpi slt, %arg0, %sign3A_273 : i32
    %sign3A_275 = arith.extui %sign3A_274 : i1 to i32
    %sign3A_276 = arith.subi %sign3A_272, %sign3A_275 : i32
    %sign3A_277 = arith.constant 0 : i32
    %sign3A_278 = arith.cmpi sgt, %jit3A_270, %sign3A_277 : i32
    %sign3A_279 = arith.extui %sign3A_278 : i1 to i32
    %sign3A_280 = arith.constant 0 : i32
    %sign3A_281 = arith.cmpi slt, %jit3A_270, %sign3A_280 : i32
    %sign3A_282 = arith.extui %sign3A_281 : i1 to i32
    %sign3A_283 = arith.subi %sign3A_279, %sign3A_282 : i32
    %ne3A_284 = arith.cmpi ne, %sign3A_276, %sign3A_283 : i32
    %rem3A_285 = arith.remsi %arg0, %jit3A_270 : i32
    %ne3A_286 = arith.constant 0 : i32
    %ne3A_287 = arith.cmpi ne, %rem3A_285, %ne3A_286 : i32
    %and3A_288 = arith.andi %ne3A_284, %ne3A_287 : i1
    %sub3A = arith.constant 1 : i32
    %sub3A_289 = arith.subi %div3A, %sub3A : i32
    %select_n3A_290 = arith.select %and3A_288, %sub3A_289, %div3A : i32
    %mul3A_291 = arith.constant 4 : i32
    %mul3A_292 = arith.muli %select_n3A_290, %mul3A_291 : i32
    %add3A_293 = arith.addi %mul3A_269, %mul3A_292 : i32
    %add3A_294 = arith.constant 0 : i32
    %add3A_295 = arith.addi %add3A_293, %add3A_294 : i32
    %slice3A = vector.extract_strided_slice %add3A_247 {offsets = [0, 0], sizes = [64, 256], strides = [1, 1]} : vector<1024x256xf32> to vector<64x256xf32>
    %swap3A = arith.index_cast %add3A_295 : i32 to index
    %swap3A_296 = arith.constant 0 : index
    %swap3A_297 = arith.constant 0 : index
    %swap3A_298 = vector.load %arg15[%swap3A, %swap3A_296, %swap3A_297] : memref<64x128x256xf32, #tpu.memory_space<vmem>>, vector<1x64x256xf32>
    %swap3A_299 = vector.shape_cast %swap3A_298 : vector<1x64x256xf32> to vector<64x256xf32>
    %swap3A_300 = vector.shape_cast %slice3A : vector<64x256xf32> to vector<1x64x256xf32>
    tpu.vector_store %arg15[%swap3A, %swap3A_296, %swap3A_297], %swap3A_300 {strides = array<i32>} : memref<64x128x256xf32, #tpu.memory_space<vmem>>, vector<1x64x256xf32>,
    %slice3A_301 = vector.extract_strided_slice %add3A_247 {offsets = [512, 0], sizes = [64, 256], strides = [1, 1]} : vector<1024x256xf32> to vector<64x256xf32>
    %swap3A_302 = arith.index_cast %add3A_295 : i32 to index
    %swap3A_303 = arith.constant 64 : index
    %swap3A_304 = arith.constant 0 : index
    %swap3A_305 = vector.load %arg15[%swap3A_302, %swap3A_303, %swap3A_304] : memref<64x128x256xf32, #tpu.memory_space<vmem>>, vector<1x64x256xf32>
    %swap3A_306 = vector.shape_cast %swap3A_305 : vector<1x64x256xf32> to vector<64x256xf32>
    %swap3A_307 = vector.shape_cast %slice3A_301 : vector<64x256xf32> to vector<1x64x256xf32>
    tpu.vector_store %arg15[%swap3A_302, %swap3A_303, %swap3A_304], %swap3A_307 {strides = array<i32>} : memref<64x128x256xf32, #tpu.memory_space<vmem>>, vector<1x64x256xf32>,
    %jit3A_308 = arith.constant 2 : i32
    %eq3A_309 = arith.constant 0 : i32
    %eq3A_310 = arith.cmpi eq, %jit3A_308, %eq3A_309 : i32
    %jit3A_311 = arith.constant 1 : i32
    %select_n3A_312 = arith.select %eq3A_310, %jit3A_311, %jit3A_308 : i32
    %rem3A_313 = arith.remsi %arg0, %select_n3A_312 : i32
    %ne3A_314 = arith.constant 0 : i32
    %ne3A_315 = arith.cmpi ne, %rem3A_313, %ne3A_314 : i32
    %lt3A_316 = arith.constant 0 : i32
    %lt3A_317 = arith.cmpi slt, %rem3A_313, %lt3A_316 : i32
    %lt3A_318 = arith.constant 0 : i32
    %lt3A_319 = arith.cmpi slt, %select_n3A_312, %lt3A_318 : i32
    %ne3A_320 = arith.xori %lt3A_317, %lt3A_319 : i1
    %and3A_321 = arith.andi %ne3A_320, %ne3A_315 : i1
    %add3A_322 = arith.addi %rem3A_313, %select_n3A_312 : i32
    %select_n3A_323 = arith.select %and3A_321, %add3A_322, %rem3A_313 : i32
    %mul3A_324 = arith.constant 2 : i32
    %mul3A_325 = arith.muli %mul3A_324, %select_n3A_323 : i32
    %add3A_326 = arith.constant 1 : i32
    %add3A_327 = arith.addi %mul3A_325, %add3A_326 : i32
    %mul3A_328 = arith.constant 16 : i32
    %mul3A_329 = arith.muli %add3A_327, %mul3A_328 : i32
    %jit3A_330 = arith.constant 2 : i32
    %div3A_331 = arith.divsi %arg0, %jit3A_330 : i32
    %sign3A_332 = arith.constant 0 : i32
    %sign3A_333 = arith.cmpi sgt, %arg0, %sign3A_332 : i32
    %sign3A_334 = arith.extui %sign3A_333 : i1 to i32
    %sign3A_335 = arith.constant 0 : i32
    %sign3A_336 = arith.cmpi slt, %arg0, %sign3A_335 : i32
    %sign3A_337 = arith.extui %sign3A_336 : i1 to i32
    %sign3A_338 = arith.subi %sign3A_334, %sign3A_337 : i32
    %sign3A_339 = arith.constant 0 : i32
    %sign3A_340 = arith.cmpi sgt, %jit3A_330, %sign3A_339 : i32
    %sign3A_341 = arith.extui %sign3A_340 : i1 to i32
    %sign3A_342 = arith.constant 0 : i32
    %sign3A_343 = arith.cmpi slt, %jit3A_330, %sign3A_342 : i32
    %sign3A_344 = arith.extui %sign3A_343 : i1 to i32
    %sign3A_345 = arith.subi %sign3A_341, %sign3A_344 : i32
    %ne3A_346 = arith.cmpi ne, %sign3A_338, %sign3A_345 : i32
    %rem3A_347 = arith.remsi %arg0, %jit3A_330 : i32
    %ne3A_348 = arith.constant 0 : i32
    %ne3A_349 = arith.cmpi ne, %rem3A_347, %ne3A_348 : i32
    %and3A_350 = arith.andi %ne3A_346, %ne3A_349 : i1
    %sub3A_351 = arith.constant 1 : i32
    %sub3A_352 = arith.subi %div3A_331, %sub3A_351 : i32
    %select_n3A_353 = arith.select %and3A_350, %sub3A_352, %div3A_331 : i32
    %mul3A_354 = arith.constant 4 : i32
    %mul3A_355 = arith.muli %select_n3A_353, %mul3A_354 : i32
    %add3A_356 = arith.addi %mul3A_329, %mul3A_355 : i32
    %add3A_357 = arith.constant 0 : i32
    %add3A_358 = arith.addi %add3A_356, %add3A_357 : i32
    %slice3A_359 = vector.extract_strided_slice %add3A_247 {offsets = [64, 0], sizes = [64, 256], strides = [1, 1]} : vector<1024x256xf32> to vector<64x256xf32>
    %swap3A_360 = arith.index_cast %add3A_358 : i32 to index
    %swap3A_361 = arith.constant 0 : index
    %swap3A_362 = arith.constant 0 : index
    %swap3A_363 = vector.load %arg15[%swap3A_360, %swap3A_361, %swap3A_362] : memref<64x128x256xf32, #tpu.memory_space<vmem>>, vector<1x64x256xf32>
    %swap3A_364 = vector.shape_cast %swap3A_363 : vector<1x64x256xf32> to vector<64x256xf32>
    %swap3A_365 = vector.shape_cast %slice3A_359 : vector<64x256xf32> to vector<1x64x256xf32>
    tpu.vector_store %arg15[%swap3A_360, %swap3A_361, %swap3A_362], %swap3A_365 {strides = array<i32>} : memref<64x128x256xf32, #tpu.memory_space<vmem>>, vector<1x64x256xf32>,
    %slice3A_366 = vector.extract_strided_slice %add3A_247 {offsets = [576, 0], sizes = [64, 256], strides = [1, 1]} : vector<1024x256xf32> to vector<64x256xf32>
    %swap3A_367 = arith.index_cast %add3A_358 : i32 to index
    %swap3A_368 = arith.constant 64 : index
    %swap3A_369 = arith.constant 0 : index
    %swap3A_370 = vector.load %arg15[%swap3A_367, %swap3A_368, %swap3A_369] : memref<64x128x256xf32, #tpu.memory_space<vmem>>, vector<1x64x256xf32>
    %swap3A_371 = vector.shape_cast %swap3A_370 : vector<1x64x256xf32> to vector<64x256xf32>
    %swap3A_372 = vector.shape_cast %slice3A_366 : vector<64x256xf32> to vector<1x64x256xf32>
    tpu.vector_store %arg15[%swap3A_367, %swap3A_368, %swap3A_369], %swap3A_372 {strides = array<i32>} : memref<64x128x256xf32, #tpu.memory_space<vmem>>, vector<1x64x256xf32>,
    %jit3A_373 = arith.constant 2 : i32
    %eq3A_374 = arith.constant 0 : i32
    %eq3A_375 = arith.cmpi eq, %jit3A_373, %eq3A_374 : i32
    %jit3A_376 = arith.constant 1 : i32
    %select_n3A_377 = arith.select %eq3A_375, %jit3A_376, %jit3A_373 : i32
    %rem3A_378 = arith.remsi %arg0, %select_n3A_377 : i32
    %ne3A_379 = arith.constant 0 : i32
    %ne3A_380 = arith.cmpi ne, %rem3A_378, %ne3A_379 : i32
    %lt3A_381 = arith.constant 0 : i32
    %lt3A_382 = arith.cmpi slt, %rem3A_378, %lt3A_381 : i32
    %lt3A_383 = arith.constant 0 : i32
    %lt3A_384 = arith.cmpi slt, %select_n3A_377, %lt3A_383 : i32
    %ne3A_385 = arith.xori %lt3A_382, %lt3A_384 : i1
    %and3A_386 = arith.andi %ne3A_385, %ne3A_380 : i1
    %add3A_387 = arith.addi %rem3A_378, %select_n3A_377 : i32
    %select_n3A_388 = arith.select %and3A_386, %add3A_387, %rem3A_378 : i32
    %mul3A_389 = arith.constant 2 : i32
    %mul3A_390 = arith.muli %mul3A_389, %select_n3A_388 : i32
    %add3A_391 = arith.constant 0 : i32
    %add3A_392 = arith.addi %mul3A_390, %add3A_391 : i32
    %mul3A_393 = arith.constant 16 : i32
    %mul3A_394 = arith.muli %add3A_392, %mul3A_393 : i32
    %jit3A_395 = arith.constant 2 : i32
    %div3A_396 = arith.divsi %arg0, %jit3A_395 : i32
    %sign3A_397 = arith.constant 0 : i32
    %sign3A_398 = arith.cmpi sgt, %arg0, %sign3A_397 : i32
    %sign3A_399 = arith.extui %sign3A_398 : i1 to i32
    %sign3A_400 = arith.constant 0 : i32
    %sign3A_401 = arith.cmpi slt, %arg0, %sign3A_400 : i32
    %sign3A_402 = arith.extui %sign3A_401 : i1 to i32
    %sign3A_403 = arith.subi %sign3A_399, %sign3A_402 : i32
    %sign3A_404 = arith.constant 0 : i32
    %sign3A_405 = arith.cmpi sgt, %jit3A_395, %sign3A_404 : i32
    %sign3A_406 = arith.extui %sign3A_405 : i1 to i32
    %sign3A_407 = arith.constant 0 : i32
    %sign3A_408 = arith.cmpi slt, %jit3A_395, %sign3A_407 : i32
    %sign3A_409 = arith.extui %sign3A_408 : i1 to i32
    %sign3A_410 = arith.subi %sign3A_406, %sign3A_409 : i32
    %ne3A_411 = arith.cmpi ne, %sign3A_403, %sign3A_410 : i32
    %rem3A_412 = arith.remsi %arg0, %jit3A_395 : i32
    %ne3A_413 = arith.constant 0 : i32
    %ne3A_414 = arith.cmpi ne, %rem3A_412, %ne3A_413 : i32
    %and3A_415 = arith.andi %ne3A_411, %ne3A_414 : i1
    %sub3A_416 = arith.constant 1 : i32
    %sub3A_417 = arith.subi %div3A_396, %sub3A_416 : i32
    %select_n3A_418 = arith.select %and3A_415, %sub3A_417, %div3A_396 : i32
    %mul3A_419 = arith.constant 4 : i32
    %mul3A_420 = arith.muli %select_n3A_418, %mul3A_419 : i32
    %add3A_421 = arith.addi %mul3A_394, %mul3A_420 : i32
    %add3A_422 = arith.constant 1 : i32
    %add3A_423 = arith.addi %add3A_421, %add3A_422 : i32
    %slice3A_424 = vector.extract_strided_slice %add3A_247 {offsets = [128, 0], sizes = [64, 256], strides = [1, 1]} : vector<1024x256xf32> to vector<64x256xf32>
    %swap3A_425 = arith.index_cast %add3A_423 : i32 to index
    %swap3A_426 = arith.constant 0 : index
    %swap3A_427 = arith.constant 0 : index
    %swap3A_428 = vector.load %arg15[%swap3A_425, %swap3A_426, %swap3A_427] : memref<64x128x256xf32, #tpu.memory_space<vmem>>, vector<1x64x256xf32>
    %swap3A_429 = vector.shape_cast %swap3A_428 : vector<1x64x256xf32> to vector<64x256xf32>
    %swap3A_430 = vector.shape_cast %slice3A_424 : vector<64x256xf32> to vector<1x64x256xf32>
    tpu.vector_store %arg15[%swap3A_425, %swap3A_426, %swap3A_427], %swap3A_430 {strides = array<i32>} : memref<64x128x256xf32, #tpu.memory_space<vmem>>, vector<1x64x256xf32>,
    %slice3A_431 = vector.extract_strided_slice %add3A_247 {offsets = [640, 0], sizes = [64, 256], strides = [1, 1]} : vector<1024x256xf32> to vector<64x256xf32>
    %swap3A_432 = arith.index_cast %add3A_423 : i32 to index
    %swap3A_433 = arith.constant 64 : index
    %swap3A_434 = arith.constant 0 : index
    %swap3A_435 = vector.load %arg15[%swap3A_432, %swap3A_433, %swap3A_434] : memref<64x128x256xf32, #tpu.memory_space<vmem>>, vector<1x64x256xf32>
    %swap3A_436 = vector.shape_cast %swap3A_435 : vector<1x64x256xf32> to vector<64x256xf32>
    %swap3A_437 = vector.shape_cast %slice3A_431 : vector<64x256xf32> to vector<1x64x256xf32>
    tpu.vector_store %arg15[%swap3A_432, %swap3A_433, %swap3A_434], %swap3A_437 {strides = array<i32>} : memref<64x128x256xf32, #tpu.memory_space<vmem>>, vector<1x64x256xf32>,
    %jit3A_438 = arith.constant 2 : i32
    %eq3A_439 = arith.constant 0 : i32
    %eq3A_440 = arith.cmpi eq, %jit3A_438, %eq3A_439 : i32
    %jit3A_441 = arith.constant 1 : i32
    %select_n3A_442 = arith.select %eq3A_440, %jit3A_441, %jit3A_438 : i32
    %rem3A_443 = arith.remsi %arg0, %select_n3A_442 : i32
    %ne3A_444 = arith.constant 0 : i32
    %ne3A_445 = arith.cmpi ne, %rem3A_443, %ne3A_444 : i32
    %lt3A_446 = arith.constant 0 : i32
    %lt3A_447 = arith.cmpi slt, %rem3A_443, %lt3A_446 : i32
    %lt3A_448 = arith.constant 0 : i32
    %lt3A_449 = arith.cmpi slt, %select_n3A_442, %lt3A_448 : i32
    %ne3A_450 = arith.xori %lt3A_447, %lt3A_449 : i1
    %and3A_451 = arith.andi %ne3A_450, %ne3A_445 : i1
    %add3A_452 = arith.addi %rem3A_443, %select_n3A_442 : i32
    %select_n3A_453 = arith.select %and3A_451, %add3A_452, %rem3A_443 : i32
    %mul3A_454 = arith.constant 2 : i32
    %mul3A_455 = arith.muli %mul3A_454, %select_n3A_453 : i32
    %add3A_456 = arith.constant 1 : i32
    %add3A_457 = arith.addi %mul3A_455, %add3A_456 : i32
    %mul3A_458 = arith.constant 16 : i32
    %mul3A_459 = arith.muli %add3A_457, %mul3A_458 : i32
    %jit3A_460 = arith.constant 2 : i32
    %div3A_461 = arith.divsi %arg0, %jit3A_460 : i32
    %sign3A_462 = arith.constant 0 : i32
    %sign3A_463 = arith.cmpi sgt, %arg0, %sign3A_462 : i32
    %sign3A_464 = arith.extui %sign3A_463 : i1 to i32
    %sign3A_465 = arith.constant 0 : i32
    %sign3A_466 = arith.cmpi slt, %arg0, %sign3A_465 : i32
    %sign3A_467 = arith.extui %sign3A_466 : i1 to i32
    %sign3A_468 = arith.subi %sign3A_464, %sign3A_467 : i32
    %sign3A_469 = arith.constant 0 : i32
    %sign3A_470 = arith.cmpi sgt, %jit3A_460, %sign3A_469 : i32
    %sign3A_471 = arith.extui %sign3A_470 : i1 to i32
    %sign3A_472 = arith.constant 0 : i32
    %sign3A_473 = arith.cmpi slt, %jit3A_460, %sign3A_472 : i32
    %sign3A_474 = arith.extui %sign3A_473 : i1 to i32
    %sign3A_475 = arith.subi %sign3A_471, %sign3A_474 : i32
    %ne3A_476 = arith.cmpi ne, %sign3A_468, %sign3A_475 : i32
    %rem3A_477 = arith.remsi %arg0, %jit3A_460 : i32
    %ne3A_478 = arith.constant 0 : i32
    %ne3A_479 = arith.cmpi ne, %rem3A_477, %ne3A_478 : i32
    %and3A_480 = arith.andi %ne3A_476, %ne3A_479 : i1
    %sub3A_481 = arith.constant 1 : i32
    %sub3A_482 = arith.subi %div3A_461, %sub3A_481 : i32
    %select_n3A_483 = arith.select %and3A_480, %sub3A_482, %div3A_461 : i32
    %mul3A_484 = arith.constant 4 : i32
    %mul3A_485 = arith.muli %select_n3A_483, %mul3A_484 : i32
    %add3A_486 = arith.addi %mul3A_459, %mul3A_485 : i32
    %add3A_487 = arith.constant 1 : i32
    %add3A_488 = arith.addi %add3A_486, %add3A_487 : i32
    %slice3A_489 = vector.extract_strided_slice %add3A_247 {offsets = [192, 0], sizes = [64, 256], strides = [1, 1]} : vector<1024x256xf32> to vector<64x256xf32>
    %swap3A_490 = arith.index_cast %add3A_488 : i32 to index
    %swap3A_491 = arith.constant 0 : index
    %swap3A_492 = arith.constant 0 : index
    %swap3A_493 = vector.load %arg15[%swap3A_490, %swap3A_491, %swap3A_492] : memref<64x128x256xf32, #tpu.memory_space<vmem>>, vector<1x64x256xf32>
    %swap3A_494 = vector.shape_cast %swap3A_493 : vector<1x64x256xf32> to vector<64x256xf32>
    %swap3A_495 = vector.shape_cast %slice3A_489 : vector<64x256xf32> to vector<1x64x256xf32>
    tpu.vector_store %arg15[%swap3A_490, %swap3A_491, %swap3A_492], %swap3A_495 {strides = array<i32>} : memref<64x128x256xf32, #tpu.memory_space<vmem>>, vector<1x64x256xf32>,
    %slice3A_496 = vector.extract_strided_slice %add3A_247 {offsets = [704, 0], sizes = [64, 256], strides = [1, 1]} : vector<1024x256xf32> to vector<64x256xf32>
    %swap3A_497 = arith.index_cast %add3A_488 : i32 to index
    %swap3A_498 = arith.constant 64 : index
    %swap3A_499 = arith.constant 0 : index
    %swap3A_500 = vector.load %arg15[%swap3A_497, %swap3A_498, %swap3A_499] : memref<64x128x256xf32, #tpu.memory_space<vmem>>, vector<1x64x256xf32>
    %swap3A_501 = vector.shape_cast %swap3A_500 : vector<1x64x256xf32> to vector<64x256xf32>
    %swap3A_502 = vector.shape_cast %slice3A_496 : vector<64x256xf32> to vector<1x64x256xf32>
    tpu.vector_store %arg15[%swap3A_497, %swap3A_498, %swap3A_499], %swap3A_502 {strides = array<i32>} : memref<64x128x256xf32, #tpu.memory_space<vmem>>, vector<1x64x256xf32>,
    %jit3A_503 = arith.constant 2 : i32
    %eq3A_504 = arith.constant 0 : i32
    %eq3A_505 = arith.cmpi eq, %jit3A_503, %eq3A_504 : i32
    %jit3A_506 = arith.constant 1 : i32
    %select_n3A_507 = arith.select %eq3A_505, %jit3A_506, %jit3A_503 : i32
    %rem3A_508 = arith.remsi %arg0, %select_n3A_507 : i32
    %ne3A_509 = arith.constant 0 : i32
    %ne3A_510 = arith.cmpi ne, %rem3A_508, %ne3A_509 : i32
    %lt3A_511 = arith.constant 0 : i32
    %lt3A_512 = arith.cmpi slt, %rem3A_508, %lt3A_511 : i32
    %lt3A_513 = arith.constant 0 : i32
    %lt3A_514 = arith.cmpi slt, %select_n3A_507, %lt3A_513 : i32
    %ne3A_515 = arith.xori %lt3A_512, %lt3A_514 : i1
    %and3A_516 = arith.andi %ne3A_515, %ne3A_510 : i1
    %add3A_517 = arith.addi %rem3A_508, %select_n3A_507 : i32
    %select_n3A_518 = arith.select %and3A_516, %add3A_517, %rem3A_508 : i32
    %mul3A_519 = arith.constant 2 : i32
    %mul3A_520 = arith.muli %mul3A_519, %select_n3A_518 : i32
    %add3A_521 = arith.constant 0 : i32
    %add3A_522 = arith.addi %mul3A_520, %add3A_521 : i32
    %mul3A_523 = arith.constant 16 : i32
    %mul3A_524 = arith.muli %add3A_522, %mul3A_523 : i32
    %jit3A_525 = arith.constant 2 : i32
    %div3A_526 = arith.divsi %arg0, %jit3A_525 : i32
    %sign3A_527 = arith.constant 0 : i32
    %sign3A_528 = arith.cmpi sgt, %arg0, %sign3A_527 : i32
    %sign3A_529 = arith.extui %sign3A_528 : i1 to i32
    %sign3A_530 = arith.constant 0 : i32
    %sign3A_531 = arith.cmpi slt, %arg0, %sign3A_530 : i32
    %sign3A_532 = arith.extui %sign3A_531 : i1 to i32
    %sign3A_533 = arith.subi %sign3A_529, %sign3A_532 : i32
    %sign3A_534 = arith.constant 0 : i32
    %sign3A_535 = arith.cmpi sgt, %jit3A_525, %sign3A_534 : i32
    %sign3A_536 = arith.extui %sign3A_535 : i1 to i32
    %sign3A_537 = arith.constant 0 : i32
    %sign3A_538 = arith.cmpi slt, %jit3A_525, %sign3A_537 : i32
    %sign3A_539 = arith.extui %sign3A_538 : i1 to i32
    %sign3A_540 = arith.subi %sign3A_536, %sign3A_539 : i32
    %ne3A_541 = arith.cmpi ne, %sign3A_533, %sign3A_540 : i32
    %rem3A_542 = arith.remsi %arg0, %jit3A_525 : i32
    %ne3A_543 = arith.constant 0 : i32
    %ne3A_544 = arith.cmpi ne, %rem3A_542, %ne3A_543 : i32
    %and3A_545 = arith.andi %ne3A_541, %ne3A_544 : i1
    %sub3A_546 = arith.constant 1 : i32
    %sub3A_547 = arith.subi %div3A_526, %sub3A_546 : i32
    %select_n3A_548 = arith.select %and3A_545, %sub3A_547, %div3A_526 : i32
    %mul3A_549 = arith.constant 4 : i32
    %mul3A_550 = arith.muli %select_n3A_548, %mul3A_549 : i32
    %add3A_551 = arith.addi %mul3A_524, %mul3A_550 : i32
    %add3A_552 = arith.constant 2 : i32
    %add3A_553 = arith.addi %add3A_551, %add3A_552 : i32
    %slice3A_554 = vector.extract_strided_slice %add3A_247 {offsets = [256, 0], sizes = [64, 256], strides = [1, 1]} : vector<1024x256xf32> to vector<64x256xf32>
    %swap3A_555 = arith.index_cast %add3A_553 : i32 to index
    %swap3A_556 = arith.constant 0 : index
    %swap3A_557 = arith.constant 0 : index
    %swap3A_558 = vector.load %arg15[%swap3A_555, %swap3A_556, %swap3A_557] : memref<64x128x256xf32, #tpu.memory_space<vmem>>, vector<1x64x256xf32>
    %swap3A_559 = vector.shape_cast %swap3A_558 : vector<1x64x256xf32> to vector<64x256xf32>
    %swap3A_560 = vector.shape_cast %slice3A_554 : vector<64x256xf32> to vector<1x64x256xf32>
    tpu.vector_store %arg15[%swap3A_555, %swap3A_556, %swap3A_557], %swap3A_560 {strides = array<i32>} : memref<64x128x256xf32, #tpu.memory_space<vmem>>, vector<1x64x256xf32>,
    %slice3A_561 = vector.extract_strided_slice %add3A_247 {offsets = [768, 0], sizes = [64, 256], strides = [1, 1]} : vector<1024x256xf32> to vector<64x256xf32>
    %swap3A_562 = arith.index_cast %add3A_553 : i32 to index
    %swap3A_563 = arith.constant 64 : index
    %swap3A_564 = arith.constant 0 : index
    %swap3A_565 = vector.load %arg15[%swap3A_562, %swap3A_563, %swap3A_564] : memref<64x128x256xf32, #tpu.memory_space<vmem>>, vector<1x64x256xf32>
    %swap3A_566 = vector.shape_cast %swap3A_565 : vector<1x64x256xf32> to vector<64x256xf32>
    %swap3A_567 = vector.shape_cast %slice3A_561 : vector<64x256xf32> to vector<1x64x256xf32>
    tpu.vector_store %arg15[%swap3A_562, %swap3A_563, %swap3A_564], %swap3A_567 {strides = array<i32>} : memref<64x128x256xf32, #tpu.memory_space<vmem>>, vector<1x64x256xf32>,
    %jit3A_568 = arith.constant 2 : i32
    %eq3A_569 = arith.constant 0 : i32
    %eq3A_570 = arith.cmpi eq, %jit3A_568, %eq3A_569 : i32
    %jit3A_571 = arith.constant 1 : i32
    %select_n3A_572 = arith.select %eq3A_570, %jit3A_571, %jit3A_568 : i32
    %rem3A_573 = arith.remsi %arg0, %select_n3A_572 : i32
    %ne3A_574 = arith.constant 0 : i32
    %ne3A_575 = arith.cmpi ne, %rem3A_573, %ne3A_574 : i32
    %lt3A_576 = arith.constant 0 : i32
    %lt3A_577 = arith.cmpi slt, %rem3A_573, %lt3A_576 : i32
    %lt3A_578 = arith.constant 0 : i32
    %lt3A_579 = arith.cmpi slt, %select_n3A_572, %lt3A_578 : i32
    %ne3A_580 = arith.xori %lt3A_577, %lt3A_579 : i1
    %and3A_581 = arith.andi %ne3A_580, %ne3A_575 : i1
    %add3A_582 = arith.addi %rem3A_573, %select_n3A_572 : i32
    %select_n3A_583 = arith.select %and3A_581, %add3A_582, %rem3A_573 : i32
    %mul3A_584 = arith.constant 2 : i32
    %mul3A_585 = arith.muli %mul3A_584, %select_n3A_583 : i32
    %add3A_586 = arith.constant 1 : i32
    %add3A_587 = arith.addi %mul3A_585, %add3A_586 : i32
    %mul3A_588 = arith.constant 16 : i32
    %mul3A_589 = arith.muli %add3A_587, %mul3A_588 : i32
    %jit3A_590 = arith.constant 2 : i32
    %div3A_591 = arith.divsi %arg0, %jit3A_590 : i32
    %sign3A_592 = arith.constant 0 : i32
    %sign3A_593 = arith.cmpi sgt, %arg0, %sign3A_592 : i32
    %sign3A_594 = arith.extui %sign3A_593 : i1 to i32
    %sign3A_595 = arith.constant 0 : i32
    %sign3A_596 = arith.cmpi slt, %arg0, %sign3A_595 : i32
    %sign3A_597 = arith.extui %sign3A_596 : i1 to i32
    %sign3A_598 = arith.subi %sign3A_594, %sign3A_597 : i32
    %sign3A_599 = arith.constant 0 : i32
    %sign3A_600 = arith.cmpi sgt, %jit3A_590, %sign3A_599 : i32
    %sign3A_601 = arith.extui %sign3A_600 : i1 to i32
    %sign3A_602 = arith.constant 0 : i32
    %sign3A_603 = arith.cmpi slt, %jit3A_590, %sign3A_602 : i32
    %sign3A_604 = arith.extui %sign3A_603 : i1 to i32
    %sign3A_605 = arith.subi %sign3A_601, %sign3A_604 : i32
    %ne3A_606 = arith.cmpi ne, %sign3A_598, %sign3A_605 : i32
    %rem3A_607 = arith.remsi %arg0, %jit3A_590 : i32
    %ne3A_608 = arith.constant 0 : i32
    %ne3A_609 = arith.cmpi ne, %rem3A_607, %ne3A_608 : i32
    %and3A_610 = arith.andi %ne3A_606, %ne3A_609 : i1
    %sub3A_611 = arith.constant 1 : i32
    %sub3A_612 = arith.subi %div3A_591, %sub3A_611 : i32
    %select_n3A_613 = arith.select %and3A_610, %sub3A_612, %div3A_591 : i32
    %mul3A_614 = arith.constant 4 : i32
    %mul3A_615 = arith.muli %select_n3A_613, %mul3A_614 : i32
    %add3A_616 = arith.addi %mul3A_589, %mul3A_615 : i32
    %add3A_617 = arith.constant 2 : i32
    %add3A_618 = arith.addi %add3A_616, %add3A_617 : i32
    %slice3A_619 = vector.extract_strided_slice %add3A_247 {offsets = [320, 0], sizes = [64, 256], strides = [1, 1]} : vector<1024x256xf32> to vector<64x256xf32>
    %swap3A_620 = arith.index_cast %add3A_618 : i32 to index
    %swap3A_621 = arith.constant 0 : index
    %swap3A_622 = arith.constant 0 : index
    %swap3A_623 = vector.load %arg15[%swap3A_620, %swap3A_621, %swap3A_622] : memref<64x128x256xf32, #tpu.memory_space<vmem>>, vector<1x64x256xf32>
    %swap3A_624 = vector.shape_cast %swap3A_623 : vector<1x64x256xf32> to vector<64x256xf32>
    %swap3A_625 = vector.shape_cast %slice3A_619 : vector<64x256xf32> to vector<1x64x256xf32>
    tpu.vector_store %arg15[%swap3A_620, %swap3A_621, %swap3A_622], %swap3A_625 {strides = array<i32>} : memref<64x128x256xf32, #tpu.memory_space<vmem>>, vector<1x64x256xf32>,
    %slice3A_626 = vector.extract_strided_slice %add3A_247 {offsets = [832, 0], sizes = [64, 256], strides = [1, 1]} : vector<1024x256xf32> to vector<64x256xf32>
    %swap3A_627 = arith.index_cast %add3A_618 : i32 to index
    %swap3A_628 = arith.constant 64 : index
    %swap3A_629 = arith.constant 0 : index
    %swap3A_630 = vector.load %arg15[%swap3A_627, %swap3A_628, %swap3A_629] : memref<64x128x256xf32, #tpu.memory_space<vmem>>, vector<1x64x256xf32>
    %swap3A_631 = vector.shape_cast %swap3A_630 : vector<1x64x256xf32> to vector<64x256xf32>
    %swap3A_632 = vector.shape_cast %slice3A_626 : vector<64x256xf32> to vector<1x64x256xf32>
    tpu.vector_store %arg15[%swap3A_627, %swap3A_628, %swap3A_629], %swap3A_632 {strides = array<i32>} : memref<64x128x256xf32, #tpu.memory_space<vmem>>, vector<1x64x256xf32>,
    %jit3A_633 = arith.constant 2 : i32
    %eq3A_634 = arith.constant 0 : i32
    %eq3A_635 = arith.cmpi eq, %jit3A_633, %eq3A_634 : i32
    %jit3A_636 = arith.constant 1 : i32
    %select_n3A_637 = arith.select %eq3A_635, %jit3A_636, %jit3A_633 : i32
    %rem3A_638 = arith.remsi %arg0, %select_n3A_637 : i32
    %ne3A_639 = arith.constant 0 : i32
    %ne3A_640 = arith.cmpi ne, %rem3A_638, %ne3A_639 : i32
    %lt3A_641 = arith.constant 0 : i32
    %lt3A_642 = arith.cmpi slt, %rem3A_638, %lt3A_641 : i32
    %lt3A_643 = arith.constant 0 : i32
    %lt3A_644 = arith.cmpi slt, %select_n3A_637, %lt3A_643 : i32
    %ne3A_645 = arith.xori %lt3A_642, %lt3A_644 : i1
    %and3A_646 = arith.andi %ne3A_645, %ne3A_640 : i1
    %add3A_647 = arith.addi %rem3A_638, %select_n3A_637 : i32
    %select_n3A_648 = arith.select %and3A_646, %add3A_647, %rem3A_638 : i32
    %mul3A_649 = arith.constant 2 : i32
    %mul3A_650 = arith.muli %mul3A_649, %select_n3A_648 : i32
    %add3A_651 = arith.constant 0 : i32
    %add3A_652 = arith.addi %mul3A_650, %add3A_651 : i32
    %mul3A_653 = arith.constant 16 : i32
    %mul3A_654 = arith.muli %add3A_652, %mul3A_653 : i32
    %jit3A_655 = arith.constant 2 : i32
    %div3A_656 = arith.divsi %arg0, %jit3A_655 : i32
    %sign3A_657 = arith.constant 0 : i32
    %sign3A_658 = arith.cmpi sgt, %arg0, %sign3A_657 : i32
    %sign3A_659 = arith.extui %sign3A_658 : i1 to i32
    %sign3A_660 = arith.constant 0 : i32
    %sign3A_661 = arith.cmpi slt, %arg0, %sign3A_660 : i32
    %sign3A_662 = arith.extui %sign3A_661 : i1 to i32
    %sign3A_663 = arith.subi %sign3A_659, %sign3A_662 : i32
    %sign3A_664 = arith.constant 0 : i32
    %sign3A_665 = arith.cmpi sgt, %jit3A_655, %sign3A_664 : i32
    %sign3A_666 = arith.extui %sign3A_665 : i1 to i32
    %sign3A_667 = arith.constant 0 : i32
    %sign3A_668 = arith.cmpi slt, %jit3A_655, %sign3A_667 : i32
    %sign3A_669 = arith.extui %sign3A_668 : i1 to i32
    %sign3A_670 = arith.subi %sign3A_666, %sign3A_669 : i32
    %ne3A_671 = arith.cmpi ne, %sign3A_663, %sign3A_670 : i32
    %rem3A_672 = arith.remsi %arg0, %jit3A_655 : i32
    %ne3A_673 = arith.constant 0 : i32
    %ne3A_674 = arith.cmpi ne, %rem3A_672, %ne3A_673 : i32
    %and3A_675 = arith.andi %ne3A_671, %ne3A_674 : i1
    %sub3A_676 = arith.constant 1 : i32
    %sub3A_677 = arith.subi %div3A_656, %sub3A_676 : i32
    %select_n3A_678 = arith.select %and3A_675, %sub3A_677, %div3A_656 : i32
    %mul3A_679 = arith.constant 4 : i32
    %mul3A_680 = arith.muli %select_n3A_678, %mul3A_679 : i32
    %add3A_681 = arith.addi %mul3A_654, %mul3A_680 : i32
    %add3A_682 = arith.constant 3 : i32
    %add3A_683 = arith.addi %add3A_681, %add3A_682 : i32
    %slice3A_684 = vector.extract_strided_slice %add3A_247 {offsets = [384, 0], sizes = [64, 256], strides = [1, 1]} : vector<1024x256xf32> to vector<64x256xf32>
    %swap3A_685 = arith.index_cast %add3A_683 : i32 to index
    %swap3A_686 = arith.constant 0 : index
    %swap3A_687 = arith.constant 0 : index
    %swap3A_688 = vector.load %arg15[%swap3A_685, %swap3A_686, %swap3A_687] : memref<64x128x256xf32, #tpu.memory_space<vmem>>, vector<1x64x256xf32>
    %swap3A_689 = vector.shape_cast %swap3A_688 : vector<1x64x256xf32> to vector<64x256xf32>
    %swap3A_690 = vector.shape_cast %slice3A_684 : vector<64x256xf32> to vector<1x64x256xf32>
    tpu.vector_store %arg15[%swap3A_685, %swap3A_686, %swap3A_687], %swap3A_690 {strides = array<i32>} : memref<64x128x256xf32, #tpu.memory_space<vmem>>, vector<1x64x256xf32>,
    %slice3A_691 = vector.extract_strided_slice %add3A_247 {offsets = [896, 0], sizes = [64, 256], strides = [1, 1]} : vector<1024x256xf32> to vector<64x256xf32>
    %swap3A_692 = arith.index_cast %add3A_683 : i32 to index
    %swap3A_693 = arith.constant 64 : index
    %swap3A_694 = arith.constant 0 : index
    %swap3A_695 = vector.load %arg15[%swap3A_692, %swap3A_693, %swap3A_694] : memref<64x128x256xf32, #tpu.memory_space<vmem>>, vector<1x64x256xf32>
    %swap3A_696 = vector.shape_cast %swap3A_695 : vector<1x64x256xf32> to vector<64x256xf32>
    %swap3A_697 = vector.shape_cast %slice3A_691 : vector<64x256xf32> to vector<1x64x256xf32>
    tpu.vector_store %arg15[%swap3A_692, %swap3A_693, %swap3A_694], %swap3A_697 {strides = array<i32>} : memref<64x128x256xf32, #tpu.memory_space<vmem>>, vector<1x64x256xf32>,
    %jit3A_698 = arith.constant 2 : i32
    %eq3A_699 = arith.constant 0 : i32
    %eq3A_700 = arith.cmpi eq, %jit3A_698, %eq3A_699 : i32
    %jit3A_701 = arith.constant 1 : i32
    %select_n3A_702 = arith.select %eq3A_700, %jit3A_701, %jit3A_698 : i32
    %rem3A_703 = arith.remsi %arg0, %select_n3A_702 : i32
    %ne3A_704 = arith.constant 0 : i32
    %ne3A_705 = arith.cmpi ne, %rem3A_703, %ne3A_704 : i32
    %lt3A_706 = arith.constant 0 : i32
    %lt3A_707 = arith.cmpi slt, %rem3A_703, %lt3A_706 : i32
    %lt3A_708 = arith.constant 0 : i32
    %lt3A_709 = arith.cmpi slt, %select_n3A_702, %lt3A_708 : i32
    %ne3A_710 = arith.xori %lt3A_707, %lt3A_709 : i1
    %and3A_711 = arith.andi %ne3A_710, %ne3A_705 : i1
    %add3A_712 = arith.addi %rem3A_703, %select_n3A_702 : i32
    %select_n3A_713 = arith.select %and3A_711, %add3A_712, %rem3A_703 : i32
    %mul3A_714 = arith.constant 2 : i32
    %mul3A_715 = arith.muli %mul3A_714, %select_n3A_713 : i32
    %add3A_716 = arith.constant 1 : i32
    %add3A_717 = arith.addi %mul3A_715, %add3A_716 : i32
    %mul3A_718 = arith.constant 16 : i32
    %mul3A_719 = arith.muli %add3A_717, %mul3A_718 : i32
    %jit3A_720 = arith.constant 2 : i32
    %div3A_721 = arith.divsi %arg0, %jit3A_720 : i32
    %sign3A_722 = arith.constant 0 : i32
    %sign3A_723 = arith.cmpi sgt, %arg0, %sign3A_722 : i32
    %sign3A_724 = arith.extui %sign3A_723 : i1 to i32
    %sign3A_725 = arith.constant 0 : i32
    %sign3A_726 = arith.cmpi slt, %arg0, %sign3A_725 : i32
    %sign3A_727 = arith.extui %sign3A_726 : i1 to i32
    %sign3A_728 = arith.subi %sign3A_724, %sign3A_727 : i32
    %sign3A_729 = arith.constant 0 : i32
    %sign3A_730 = arith.cmpi sgt, %jit3A_720, %sign3A_729 : i32
    %sign3A_731 = arith.extui %sign3A_730 : i1 to i32
    %sign3A_732 = arith.constant 0 : i32
    %sign3A_733 = arith.cmpi slt, %jit3A_720, %sign3A_732 : i32
    %sign3A_734 = arith.extui %sign3A_733 : i1 to i32
    %sign3A_735 = arith.subi %sign3A_731, %sign3A_734 : i32
    %ne3A_736 = arith.cmpi ne, %sign3A_728, %sign3A_735 : i32
    %rem3A_737 = arith.remsi %arg0, %jit3A_720 : i32
    %ne3A_738 = arith.constant 0 : i32
    %ne3A_739 = arith.cmpi ne, %rem3A_737, %ne3A_738 : i32
    %and3A_740 = arith.andi %ne3A_736, %ne3A_739 : i1
    %sub3A_741 = arith.constant 1 : i32
    %sub3A_742 = arith.subi %div3A_721, %sub3A_741 : i32
    %select_n3A_743 = arith.select %and3A_740, %sub3A_742, %div3A_721 : i32
    %mul3A_744 = arith.constant 4 : i32
    %mul3A_745 = arith.muli %select_n3A_743, %mul3A_744 : i32
    %add3A_746 = arith.addi %mul3A_719, %mul3A_745 : i32
    %add3A_747 = arith.constant 3 : i32
    %add3A_748 = arith.addi %add3A_746, %add3A_747 : i32
    %slice3A_749 = vector.extract_strided_slice %add3A_247 {offsets = [448, 0], sizes = [64, 256], strides = [1, 1]} : vector<1024x256xf32> to vector<64x256xf32>
    %swap3A_750 = arith.index_cast %add3A_748 : i32 to index
    %swap3A_751 = arith.constant 0 : index
    %swap3A_752 = arith.constant 0 : index
    %swap3A_753 = vector.load %arg15[%swap3A_750, %swap3A_751, %swap3A_752] : memref<64x128x256xf32, #tpu.memory_space<vmem>>, vector<1x64x256xf32>
    %swap3A_754 = vector.shape_cast %swap3A_753 : vector<1x64x256xf32> to vector<64x256xf32>
    %swap3A_755 = vector.shape_cast %slice3A_749 : vector<64x256xf32> to vector<1x64x256xf32>
    tpu.vector_store %arg15[%swap3A_750, %swap3A_751, %swap3A_752], %swap3A_755 {strides = array<i32>} : memref<64x128x256xf32, #tpu.memory_space<vmem>>, vector<1x64x256xf32>,
    %slice3A_756 = vector.extract_strided_slice %add3A_247 {offsets = [960, 0], sizes = [64, 256], strides = [1, 1]} : vector<1024x256xf32> to vector<64x256xf32>
    %swap3A_757 = arith.index_cast %add3A_748 : i32 to index
    %swap3A_758 = arith.constant 64 : index
    %swap3A_759 = arith.constant 0 : index
    %swap3A_760 = vector.load %arg15[%swap3A_757, %swap3A_758, %swap3A_759] : memref<64x128x256xf32, #tpu.memory_space<vmem>>, vector<1x64x256xf32>
    %swap3A_761 = vector.shape_cast %swap3A_760 : vector<1x64x256xf32> to vector<64x256xf32>
    %swap3A_762 = vector.shape_cast %slice3A_756 : vector<64x256xf32> to vector<1x64x256xf32>
    tpu.vector_store %arg15[%swap3A_757, %swap3A_758, %swap3A_759], %swap3A_762 {strides = array<i32>} : memref<64x128x256xf32, #tpu.memory_space<vmem>>, vector<1x64x256xf32>,
    %jit3A_763 = arith.constant 2 : i32
    %eq3A_764 = arith.constant 0 : i32
    %eq3A_765 = arith.cmpi eq, %jit3A_763, %eq3A_764 : i32
    %jit3A_766 = arith.constant 1 : i32
    %select_n3A_767 = arith.select %eq3A_765, %jit3A_766, %jit3A_763 : i32
    %rem3A_768 = arith.remsi %arg0, %select_n3A_767 : i32
    %ne3A_769 = arith.constant 0 : i32
    %ne3A_770 = arith.cmpi ne, %rem3A_768, %ne3A_769 : i32
    %lt3A_771 = arith.constant 0 : i32
    %lt3A_772 = arith.cmpi slt, %rem3A_768, %lt3A_771 : i32
    %lt3A_773 = arith.constant 0 : i32
    %lt3A_774 = arith.cmpi slt, %select_n3A_767, %lt3A_773 : i32
    %ne3A_775 = arith.xori %lt3A_772, %lt3A_774 : i1
    %and3A_776 = arith.andi %ne3A_775, %ne3A_770 : i1
    %add3A_777 = arith.addi %rem3A_768, %select_n3A_767 : i32
    %select_n3A_778 = arith.select %and3A_776, %add3A_777, %rem3A_768 : i32
    %eq3A_779 = arith.constant 1 : i32
    %eq3A_780 = arith.cmpi eq, %select_n3A_778, %eq3A_779 : i32
    %convert_element_type3A_781 = arith.extui %eq3A_780 : i1 to i32
    %cond3A_782 = arith.constant 0 : i32
    %cond3A_783 = arith.cmpi ne, %convert_element_type3A_781, %cond3A_782 : i32
    scf.if %cond3A_783 {
      %sub3A_796 = arith.constant 1 : i32
      %sub3A_797 = arith.subi %arg0, %sub3A_796 : i32
      %jit3A_798 = arith.constant 2 : i32
      %div3A_799 = arith.divsi %sub3A_797, %jit3A_798 : i32
      %sign3A_800 = arith.constant 0 : i32
      %sign3A_801 = arith.cmpi sgt, %sub3A_797, %sign3A_800 : i32
      %sign3A_802 = arith.extui %sign3A_801 : i1 to i32
      %sign3A_803 = arith.constant 0 : i32
      %sign3A_804 = arith.cmpi slt, %sub3A_797, %sign3A_803 : i32
      %sign3A_805 = arith.extui %sign3A_804 : i1 to i32
      %sign3A_806 = arith.subi %sign3A_802, %sign3A_805 : i32
      %sign3A_807 = arith.constant 0 : i32
      %sign3A_808 = arith.cmpi sgt, %jit3A_798, %sign3A_807 : i32
      %sign3A_809 = arith.extui %sign3A_808 : i1 to i32
      %sign3A_810 = arith.constant 0 : i32
      %sign3A_811 = arith.cmpi slt, %jit3A_798, %sign3A_810 : i32
      %sign3A_812 = arith.extui %sign3A_811 : i1 to i32
      %sign3A_813 = arith.subi %sign3A_809, %sign3A_812 : i32
      %ne3A_814 = arith.cmpi ne, %sign3A_806, %sign3A_813 : i32
      %rem3A_815 = arith.remsi %sub3A_797, %jit3A_798 : i32
      %ne3A_816 = arith.constant 0 : i32
      %ne3A_817 = arith.cmpi ne, %rem3A_815, %ne3A_816 : i32
      %and3A_818 = arith.andi %ne3A_814, %ne3A_817 : i1
      %sub3A_819 = arith.constant 1 : i32
      %sub3A_820 = arith.subi %div3A_799, %sub3A_819 : i32
      %select_n3A_821 = arith.select %and3A_818, %sub3A_820, %div3A_799 : i32
      %broadcast_in_dim3A = arith.constant 0.000000e+00 : f32
      %broadcast_in_dim3A_822 = vector.broadcast %broadcast_in_dim3A : f32 to vector<1x128x256xf32>
      %get3A_823 = arith.constant 0 : index
      %get3A_824 = arith.constant 0 : index
      %get3A_825 = vector.load %arg6[%get3A_823, %get3A_824] : memref<1x256xf32, #tpu.memory_space<vmem>>, vector<1x256xf32>
      %sub3A_826 = arith.constant 1 : i32
      %sub3A_827 = arith.subi %select_n3A_821, %sub3A_826 : i32
      %mul3A_828 = arith.constant 4 : i32
      %mul3A_829 = arith.muli %sub3A_827, %mul3A_828 : i32
      %add3A_830 = arith.constant 48 : i32
      %add3A_831 = arith.addi %add3A_830, %mul3A_829 : i32
      %gt3A = arith.constant 0 : i32
      %gt3A_832 = arith.cmpi sgt, %select_n3A_821, %gt3A : i32
      %max3A = arith.constant 0 : i32
      %max3A_833 = arith.maxsi %add3A_831, %max3A : i32
      %get3A_834 = arith.index_cast %max3A_833 : i32 to index
      %get3A_835 = arith.constant 0 : index
      %get3A_836 = arith.constant 0 : index
      %get3A_837 = vector.load %arg15[%get3A_834, %get3A_835, %get3A_836] : memref<64x128x256xf32, #tpu.memory_space<vmem>>, vector<4x128x256xf32>
      %jit3A_838 = arith.constant 0.000000e+00 : f32
      %broadcast_in_dim3A_839 = vector.broadcast %jit3A_838 : f32 to vector<4x128x256xf32>
      %select_n3A_840 = arith.select %gt3A_832, %get3A_837, %broadcast_in_dim3A_839 : vector<4x128x256xf32>
      %slice3A_841 = vector.extract_strided_slice %select_n3A_840 {offsets = [0, 0, 0], sizes = [3, 128, 256], strides = [1, 1, 1]} : vector<4x128x256xf32> to vector<3x128x256xf32>
      %concatenate3A = tpu.concatenate %broadcast_in_dim3A_822, %slice3A_841 in 0 : vector<1x128x256xf32>, vector<3x128x256xf32> -> vector<4x128x256xf32>
      %reshape3A_842 = vector.shape_cast %concatenate3A : vector<4x128x256xf32> to vector<512x256xf32>
      %get3A_843 = arith.constant 0 : index
      %get3A_844 = arith.constant 0 : index
      %get3A_845 = arith.constant 0 : index
      %get3A_846 = vector.load %arg5[%get3A_843, %get3A_844, %get3A_845] : memref<9x256x256xf32, #tpu.memory_space<vmem>>, vector<1x256x256xf32>
      %get3A_847 = vector.shape_cast %get3A_846 : vector<1x256x256xf32> to vector<256x256xf32>
      %dot_general3A_848 = arith.constant dense<0.000000e+00> : vector<512x256xf32>
      %dot_general3A_849 = tpu.matmul %reshape3A_842, %get3A_847, %dot_general3A_848 {dimension_numbers = #tpu.dot_dimension_numbers<[1], [1], [0], [0], [0, 0, 1, 0], [], []>, transpose_lhs_hint = false} : vector<512x256xf32>, vector<256x256xf32>, vector<512x256xf32> -> vector<512x256xf32>
      %add3A_850 = vector.broadcast %get3A_825 : vector<1x256xf32> to vector<512x256xf32>
      %add3A_851 = arith.addf %add3A_850, %dot_general3A_849 : vector<512x256xf32>
      %sub3A_852 = arith.constant 1 : i32
      %sub3A_853 = arith.subi %select_n3A_821, %sub3A_852 : i32
      %mul3A_854 = arith.constant 4 : i32
      %mul3A_855 = arith.muli %sub3A_853, %mul3A_854 : i32
      %add3A_856 = arith.constant 32 : i32
      %add3A_857 = arith.addi %add3A_856, %mul3A_855 : i32
      %gt3A_858 = arith.constant 0 : i32
      %gt3A_859 = arith.cmpi sgt, %select_n3A_821, %gt3A_858 : i32
      %max3A_860 = arith.constant 0 : i32
      %max3A_861 = arith.maxsi %add3A_857, %max3A_860 : i32
      %get3A_862 = arith.index_cast %max3A_861 : i32 to index
      %get3A_863 = arith.constant 0 : index
      %get3A_864 = arith.constant 0 : index
      %get3A_865 = vector.load %arg15[%get3A_862, %get3A_863, %get3A_864] : memref<64x128x256xf32, #tpu.memory_space<vmem>>, vector<4x128x256xf32>
      %jit3A_866 = arith.constant 0.000000e+00 : f32
      %broadcast_in_dim3A_867 = vector.broadcast %jit3A_866 : f32 to vector<4x128x256xf32>
      %select_n3A_868 = arith.select %gt3A_859, %get3A_865, %broadcast_in_dim3A_867 : vector<4x128x256xf32>
      %reshape3A_869 = vector.shape_cast %select_n3A_868 : vector<4x128x256xf32> to vector<512x256xf32>
      %get3A_870 = arith.constant 1 : index
      %get3A_871 = arith.constant 0 : index
      %get3A_872 = arith.constant 0 : index
      %get3A_873 = vector.load %arg5[%get3A_870, %get3A_871, %get3A_872] : memref<9x256x256xf32, #tpu.memory_space<vmem>>, vector<1x256x256xf32>
      %get3A_874 = vector.shape_cast %get3A_873 : vector<1x256x256xf32> to vector<256x256xf32>
      %dot_general3A_875 = arith.constant dense<0.000000e+00> : vector<512x256xf32>
      %dot_general3A_876 = tpu.matmul %reshape3A_869, %get3A_874, %dot_general3A_875 {dimension_numbers = #tpu.dot_dimension_numbers<[1], [1], [0], [0], [0, 0, 1, 0], [], []>, transpose_lhs_hint = false} : vector<512x256xf32>, vector<256x256xf32>, vector<512x256xf32> -> vector<512x256xf32>
      %add3A_877 = arith.addf %add3A_851, %dot_general3A_876 : vector<512x256xf32>
      %sub3A_878 = arith.constant 1 : i32
      %sub3A_879 = arith.subi %select_n3A_821, %sub3A_878 : i32
      %mul3A_880 = arith.constant 4 : i32
      %mul3A_881 = arith.muli %sub3A_879, %mul3A_880 : i32
      %add3A_882 = arith.constant 48 : i32
      %add3A_883 = arith.addi %add3A_882, %mul3A_881 : i32
      %gt3A_884 = arith.constant 0 : i32
      %gt3A_885 = arith.cmpi sgt, %select_n3A_821, %gt3A_884 : i32
      %max3A_886 = arith.constant 0 : i32
      %max3A_887 = arith.maxsi %add3A_883, %max3A_886 : i32
      %get3A_888 = arith.index_cast %max3A_887 : i32 to index
      %get3A_889 = arith.constant 0 : index
      %get3A_890 = arith.constant 0 : index
      %get3A_891 = vector.load %arg15[%get3A_888, %get3A_889, %get3A_890] : memref<64x128x256xf32, #tpu.memory_space<vmem>>, vector<4x128x256xf32>
      %jit3A_892 = arith.constant 0.000000e+00 : f32
      %broadcast_in_dim3A_893 = vector.broadcast %jit3A_892 : f32 to vector<4x128x256xf32>
      %select_n3A_894 = arith.select %gt3A_885, %get3A_891, %broadcast_in_dim3A_893 : vector<4x128x256xf32>
      %reshape3A_895 = vector.shape_cast %select_n3A_894 : vector<4x128x256xf32> to vector<512x256xf32>
      %get3A_896 = arith.constant 2 : index
      %get3A_897 = arith.constant 0 : index
      %get3A_898 = arith.constant 0 : index
      %get3A_899 = vector.load %arg5[%get3A_896, %get3A_897, %get3A_898] : memref<9x256x256xf32, #tpu.memory_space<vmem>>, vector<1x256x256xf32>
      %get3A_900 = vector.shape_cast %get3A_899 : vector<1x256x256xf32> to vector<256x256xf32>
      %dot_general3A_901 = arith.constant dense<0.000000e+00> : vector<512x256xf32>
      %dot_general3A_902 = tpu.matmul %reshape3A_895, %get3A_900, %dot_general3A_901 {dimension_numbers = #tpu.dot_dimension_numbers<[1], [1], [0], [0], [0, 0, 1, 0], [], []>, transpose_lhs_hint = false} : vector<512x256xf32>, vector<256x256xf32>, vector<512x256xf32> -> vector<512x256xf32>
      %add3A_903 = arith.addf %add3A_877, %dot_general3A_902 : vector<512x256xf32>
      %mul3A_904 = arith.constant 4 : i32
      %mul3A_905 = arith.muli %select_n3A_821, %mul3A_904 : i32
      %add3A_906 = arith.constant 16 : i32
      %add3A_907 = arith.addi %add3A_906, %mul3A_905 : i32
      %get3A_908 = arith.index_cast %add3A_907 : i32 to index
      %get3A_909 = arith.constant 0 : index
      %get3A_910 = arith.constant 0 : index
      %get3A_911 = vector.load %arg15[%get3A_908, %get3A_909, %get3A_910] : memref<64x128x256xf32, #tpu.memory_space<vmem>>, vector<4x128x256xf32>
      %slice3A_912 = vector.extract_strided_slice %get3A_911 {offsets = [0, 0, 0], sizes = [3, 128, 256], strides = [1, 1, 1]} : vector<4x128x256xf32> to vector<3x128x256xf32>
      %concatenate3A_913 = tpu.concatenate %broadcast_in_dim3A_822, %slice3A_912 in 0 : vector<1x128x256xf32>, vector<3x128x256xf32> -> vector<4x128x256xf32>
      %reshape3A_914 = vector.shape_cast %concatenate3A_913 : vector<4x128x256xf32> to vector<512x256xf32>
      %get3A_915 = arith.constant 3 : index
      %get3A_916 = arith.constant 0 : index
      %get3A_917 = arith.constant 0 : index
      %get3A_918 = vector.load %arg5[%get3A_915, %get3A_916, %get3A_917] : memref<9x256x256xf32, #tpu.memory_space<vmem>>, vector<1x256x256xf32>
      %get3A_919 = vector.shape_cast %get3A_918 : vector<1x256x256xf32> to vector<256x256xf32>
      %dot_general3A_920 = arith.constant dense<0.000000e+00> : vector<512x256xf32>
      %dot_general3A_921 = tpu.matmul %reshape3A_914, %get3A_919, %dot_general3A_920 {dimension_numbers = #tpu.dot_dimension_numbers<[1], [1], [0], [0], [0, 0, 1, 0], [], []>, transpose_lhs_hint = false} : vector<512x256xf32>, vector<256x256xf32>, vector<512x256xf32> -> vector<512x256xf32>
      %add3A_922 = arith.addf %add3A_903, %dot_general3A_921 : vector<512x256xf32>
      %mul3A_923 = arith.constant 4 : i32
      %mul3A_924 = arith.muli %select_n3A_821, %mul3A_923 : i32
      %add3A_925 = arith.constant 0 : i32
      %add3A_926 = arith.addi %add3A_925, %mul3A_924 : i32
      %get3A_927 = arith.index_cast %add3A_926 : i32 to index
      %get3A_928 = arith.constant 0 : index
      %get3A_929 = arith.constant 0 : index
      %get3A_930 = vector.load %arg15[%get3A_927, %get3A_928, %get3A_929] : memref<64x128x256xf32, #tpu.memory_space<vmem>>, vector<4x128x256xf32>
      %reshape3A_931 = vector.shape_cast %get3A_930 : vector<4x128x256xf32> to vector<512x256xf32>
      %get3A_932 = arith.constant 4 : index
      %get3A_933 = arith.constant 0 : index
      %get3A_934 = arith.constant 0 : index
      %get3A_935 = vector.load %arg5[%get3A_932, %get3A_933, %get3A_934] : memref<9x256x256xf32, #tpu.memory_space<vmem>>, vector<1x256x256xf32>
      %get3A_936 = vector.shape_cast %get3A_935 : vector<1x256x256xf32> to vector<256x256xf32>
      %dot_general3A_937 = arith.constant dense<0.000000e+00> : vector<512x256xf32>
      %dot_general3A_938 = tpu.matmul %reshape3A_931, %get3A_936, %dot_general3A_937 {dimension_numbers = #tpu.dot_dimension_numbers<[1], [1], [0], [0], [0, 0, 1, 0], [], []>, transpose_lhs_hint = false} : vector<512x256xf32>, vector<256x256xf32>, vector<512x256xf32> -> vector<512x256xf32>
      %add3A_939 = arith.addf %add3A_922, %dot_general3A_938 : vector<512x256xf32>
      %mul3A_940 = arith.constant 4 : i32
      %mul3A_941 = arith.muli %select_n3A_821, %mul3A_940 : i32
      %add3A_942 = arith.constant 16 : i32
      %add3A_943 = arith.addi %add3A_942, %mul3A_941 : i32
      %get3A_944 = arith.index_cast %add3A_943 : i32 to index
      %get3A_945 = arith.constant 0 : index
      %get3A_946 = arith.constant 0 : index
      %get3A_947 = vector.load %arg15[%get3A_944, %get3A_945, %get3A_946] : memref<64x128x256xf32, #tpu.memory_space<vmem>>, vector<4x128x256xf32>
      %reshape3A_948 = vector.shape_cast %get3A_947 : vector<4x128x256xf32> to vector<512x256xf32>
      %get3A_949 = arith.constant 5 : index
      %get3A_950 = arith.constant 0 : index
      %get3A_951 = arith.constant 0 : index
      %get3A_952 = vector.load %arg5[%get3A_949, %get3A_950, %get3A_951] : memref<9x256x256xf32, #tpu.memory_space<vmem>>, vector<1x256x256xf32>
      %get3A_953 = vector.shape_cast %get3A_952 : vector<1x256x256xf32> to vector<256x256xf32>
      %dot_general3A_954 = arith.constant dense<0.000000e+00> : vector<512x256xf32>
      %dot_general3A_955 = tpu.matmul %reshape3A_948, %get3A_953, %dot_general3A_954 {dimension_numbers = #tpu.dot_dimension_numbers<[1], [1], [0], [0], [0, 0, 1, 0], [], []>, transpose_lhs_hint = false} : vector<512x256xf32>, vector<256x256xf32>, vector<512x256xf32> -> vector<512x256xf32>
      %add3A_956 = arith.addf %add3A_939, %dot_general3A_955 : vector<512x256xf32>
      %mul3A_957 = arith.constant 4 : i32
      %mul3A_958 = arith.muli %select_n3A_821, %mul3A_957 : i32
      %add3A_959 = arith.constant 48 : i32
      %add3A_960 = arith.addi %add3A_959, %mul3A_958 : i32
      %get3A_961 = arith.index_cast %add3A_960 : i32 to index
      %get3A_962 = arith.constant 0 : index
      %get3A_963 = arith.constant 0 : index
      %get3A_964 = vector.load %arg15[%get3A_961, %get3A_962, %get3A_963] : memref<64x128x256xf32, #tpu.memory_space<vmem>>, vector<4x128x256xf32>
      %slice3A_965 = vector.extract_strided_slice %get3A_964 {offsets = [0, 0, 0], sizes = [3, 128, 256], strides = [1, 1, 1]} : vector<4x128x256xf32> to vector<3x128x256xf32>
      %concatenate3A_966 = tpu.concatenate %broadcast_in_dim3A_822, %slice3A_965 in 0 : vector<1x128x256xf32>, vector<3x128x256xf32> -> vector<4x128x256xf32>
      %reshape3A_967 = vector.shape_cast %concatenate3A_966 : vector<4x128x256xf32> to vector<512x256xf32>
      %get3A_968 = arith.constant 6 : index
      %get3A_969 = arith.constant 0 : index
      %get3A_970 = arith.constant 0 : index
      %get3A_971 = vector.load %arg5[%get3A_968, %get3A_969, %get3A_970] : memref<9x256x256xf32, #tpu.memory_space<vmem>>, vector<1x256x256xf32>
      %get3A_972 = vector.shape_cast %get3A_971 : vector<1x256x256xf32> to vector<256x256xf32>
      %dot_general3A_973 = arith.constant dense<0.000000e+00> : vector<512x256xf32>
      %dot_general3A_974 = tpu.matmul %reshape3A_967, %get3A_972, %dot_general3A_973 {dimension_numbers = #tpu.dot_dimension_numbers<[1], [1], [0], [0], [0, 0, 1, 0], [], []>, transpose_lhs_hint = false} : vector<512x256xf32>, vector<256x256xf32>, vector<512x256xf32> -> vector<512x256xf32>
      %add3A_975 = arith.addf %add3A_956, %dot_general3A_974 : vector<512x256xf32>
      %mul3A_976 = arith.constant 4 : i32
      %mul3A_977 = arith.muli %select_n3A_821, %mul3A_976 : i32
      %add3A_978 = arith.constant 32 : i32
      %add3A_979 = arith.addi %add3A_978, %mul3A_977 : i32
      %get3A_980 = arith.index_cast %add3A_979 : i32 to index
      %get3A_981 = arith.constant 0 : index
      %get3A_982 = arith.constant 0 : index
      %get3A_983 = vector.load %arg15[%get3A_980, %get3A_981, %get3A_982] : memref<64x128x256xf32, #tpu.memory_space<vmem>>, vector<4x128x256xf32>
      %reshape3A_984 = vector.shape_cast %get3A_983 : vector<4x128x256xf32> to vector<512x256xf32>
      %get3A_985 = arith.constant 7 : index
      %get3A_986 = arith.constant 0 : index
      %get3A_987 = arith.constant 0 : index
      %get3A_988 = vector.load %arg5[%get3A_985, %get3A_986, %get3A_987] : memref<9x256x256xf32, #tpu.memory_space<vmem>>, vector<1x256x256xf32>
      %get3A_989 = vector.shape_cast %get3A_988 : vector<1x256x256xf32> to vector<256x256xf32>
      %dot_general3A_990 = arith.constant dense<0.000000e+00> : vector<512x256xf32>
      %dot_general3A_991 = tpu.matmul %reshape3A_984, %get3A_989, %dot_general3A_990 {dimension_numbers = #tpu.dot_dimension_numbers<[1], [1], [0], [0], [0, 0, 1, 0], [], []>, transpose_lhs_hint = false} : vector<512x256xf32>, vector<256x256xf32>, vector<512x256xf32> -> vector<512x256xf32>
      %add3A_992 = arith.addf %add3A_975, %dot_general3A_991 : vector<512x256xf32>
      %mul3A_993 = arith.constant 4 : i32
      %mul3A_994 = arith.muli %select_n3A_821, %mul3A_993 : i32
      %add3A_995 = arith.constant 48 : i32
      %add3A_996 = arith.addi %add3A_995, %mul3A_994 : i32
      %get3A_997 = arith.index_cast %add3A_996 : i32 to index
      %get3A_998 = arith.constant 0 : index
      %get3A_999 = arith.constant 0 : index
      %get3A_1000 = vector.load %arg15[%get3A_997, %get3A_998, %get3A_999] : memref<64x128x256xf32, #tpu.memory_space<vmem>>, vector<4x128x256xf32>
      %reshape3A_1001 = vector.shape_cast %get3A_1000 : vector<4x128x256xf32> to vector<512x256xf32>
      %get3A_1002 = arith.constant 8 : index
      %get3A_1003 = arith.constant 0 : index
      %get3A_1004 = arith.constant 0 : index
      %get3A_1005 = vector.load %arg5[%get3A_1002, %get3A_1003, %get3A_1004] : memref<9x256x256xf32, #tpu.memory_space<vmem>>, vector<1x256x256xf32>
      %get3A_1006 = vector.shape_cast %get3A_1005 : vector<1x256x256xf32> to vector<256x256xf32>
      %dot_general3A_1007 = arith.constant dense<0.000000e+00> : vector<512x256xf32>
      %dot_general3A_1008 = tpu.matmul %reshape3A_1001, %get3A_1006, %dot_general3A_1007 {dimension_numbers = #tpu.dot_dimension_numbers<[1], [1], [0], [0], [0, 0, 1, 0], [], []>, transpose_lhs_hint = false} : vector<512x256xf32>, vector<256x256xf32>, vector<512x256xf32> -> vector<512x256xf32>
      %add3A_1009 = arith.addf %add3A_992, %dot_general3A_1008 : vector<512x256xf32>
      %max3A_1010 = arith.constant 0.000000e+00 : f32
      %max3A_1011 = vector.broadcast %max3A_1010 : f32 to vector<512x256xf32>
      %max3A_1012 = arith.maximumf %add3A_1009, %max3A_1011 : vector<512x256xf32>
      %reshape3A_1013 = vector.shape_cast %max3A_1012 : vector<512x256xf32> to vector<4x128x256xf32>
      %get3A_1014 = arith.constant 0 : index
      %get3A_1015 = arith.constant 0 : index
      %get3A_1016 = vector.load %arg8[%get3A_1014, %get3A_1015] : memref<1x256xf32, #tpu.memory_space<vmem>>, vector<1x256xf32>
      %mul3A_1017 = arith.constant 2.500000e-01 : f32
      %mul3A_1018 = vector.broadcast %mul3A_1017 : f32 to vector<1x256xf32>
      %mul3A_1019 = arith.mulf %get3A_1016, %mul3A_1018 : vector<1x256xf32>
      %slice3A_1020 = vector.extract_strided_slice %reshape3A_1013 {offsets = [0, 0, 0], sizes = [1, 128, 256], strides = [1, 1, 1]} : vector<4x128x256xf32> to vector<1x128x256xf32>
      %squeeze3A = vector.shape_cast %slice3A_1020 : vector<1x128x256xf32> to vector<128x256xf32>
      %get3A_1021 = arith.index_cast %select_n3A_821 : i32 to index
      %get3A_1022 = arith.constant 0 : index
      %get3A_1023 = arith.constant 0 : index
      %get3A_1024 = arith.constant 0 : index
      %get3A_1025 = vector.load %arg7[%get3A_1021, %get3A_1022, %get3A_1023, %get3A_1024] : memref<4x4x256x256xf32, #tpu.memory_space<vmem>>, vector<1x1x256x256xf32>
      %get3A_1026 = vector.shape_cast %get3A_1025 : vector<1x1x256x256xf32> to vector<256x256xf32>
      %dot_general3A_1027 = arith.constant dense<0.000000e+00> : vector<128x256xf32>
      %dot_general3A_1028 = tpu.matmul %squeeze3A, %get3A_1026, %dot_general3A_1027 {dimension_numbers = #tpu.dot_dimension_numbers<[1], [1], [0], [0], [0, 0, 1, 0], [], []>, transpose_lhs_hint = false} : vector<128x256xf32>, vector<256x256xf32>, vector<128x256xf32> -> vector<128x256xf32>
      %add3A_1029 = vector.broadcast %mul3A_1019 : vector<1x256xf32> to vector<128x256xf32>
      %add3A_1030 = arith.addf %add3A_1029, %dot_general3A_1028 : vector<128x256xf32>
      %slice3A_1031 = vector.extract_strided_slice %reshape3A_1013 {offsets = [1, 0, 0], sizes = [1, 128, 256], strides = [1, 1, 1]} : vector<4x128x256xf32> to vector<1x128x256xf32>
      %squeeze3A_1032 = vector.shape_cast %slice3A_1031 : vector<1x128x256xf32> to vector<128x256xf32>
      %get3A_1033 = arith.index_cast %select_n3A_821 : i32 to index
      %get3A_1034 = arith.constant 1 : index
      %get3A_1035 = arith.constant 0 : index
      %get3A_1036 = arith.constant 0 : index
      %get3A_1037 = vector.load %arg7[%get3A_1033, %get3A_1034, %get3A_1035, %get3A_1036] : memref<4x4x256x256xf32, #tpu.memory_space<vmem>>, vector<1x1x256x256xf32>
      %get3A_1038 = vector.shape_cast %get3A_1037 : vector<1x1x256x256xf32> to vector<256x256xf32>
      %dot_general3A_1039 = arith.constant dense<0.000000e+00> : vector<128x256xf32>
      %dot_general3A_1040 = tpu.matmul %squeeze3A_1032, %get3A_1038, %dot_general3A_1039 {dimension_numbers = #tpu.dot_dimension_numbers<[1], [1], [0], [0], [0, 0, 1, 0], [], []>, transpose_lhs_hint = false} : vector<128x256xf32>, vector<256x256xf32>, vector<128x256xf32> -> vector<128x256xf32>
      %add3A_1041 = arith.addf %add3A_1030, %dot_general3A_1040 : vector<128x256xf32>
      %slice3A_1042 = vector.extract_strided_slice %reshape3A_1013 {offsets = [2, 0, 0], sizes = [1, 128, 256], strides = [1, 1, 1]} : vector<4x128x256xf32> to vector<1x128x256xf32>
      %squeeze3A_1043 = vector.shape_cast %slice3A_1042 : vector<1x128x256xf32> to vector<128x256xf32>
      %get3A_1044 = arith.index_cast %select_n3A_821 : i32 to index
      %get3A_1045 = arith.constant 2 : index
      %get3A_1046 = arith.constant 0 : index
      %get3A_1047 = arith.constant 0 : index
      %get3A_1048 = vector.load %arg7[%get3A_1044, %get3A_1045, %get3A_1046, %get3A_1047] : memref<4x4x256x256xf32, #tpu.memory_space<vmem>>, vector<1x1x256x256xf32>
      %get3A_1049 = vector.shape_cast %get3A_1048 : vector<1x1x256x256xf32> to vector<256x256xf32>
      %dot_general3A_1050 = arith.constant dense<0.000000e+00> : vector<128x256xf32>
      %dot_general3A_1051 = tpu.matmul %squeeze3A_1043, %get3A_1049, %dot_general3A_1050 {dimension_numbers = #tpu.dot_dimension_numbers<[1], [1], [0], [0], [0, 0, 1, 0], [], []>, transpose_lhs_hint = false} : vector<128x256xf32>, vector<256x256xf32>, vector<128x256xf32> -> vector<128x256xf32>
      %add3A_1052 = arith.addf %add3A_1041, %dot_general3A_1051 : vector<128x256xf32>
      %slice3A_1053 = vector.extract_strided_slice %reshape3A_1013 {offsets = [3, 0, 0], sizes = [1, 128, 256], strides = [1, 1, 1]} : vector<4x128x256xf32> to vector<1x128x256xf32>
      %squeeze3A_1054 = vector.shape_cast %slice3A_1053 : vector<1x128x256xf32> to vector<128x256xf32>
      %get3A_1055 = arith.index_cast %select_n3A_821 : i32 to index
      %get3A_1056 = arith.constant 3 : index
      %get3A_1057 = arith.constant 0 : index
      %get3A_1058 = arith.constant 0 : index
      %get3A_1059 = vector.load %arg7[%get3A_1055, %get3A_1056, %get3A_1057, %get3A_1058] : memref<4x4x256x256xf32, #tpu.memory_space<vmem>>, vector<1x1x256x256xf32>
      %get3A_1060 = vector.shape_cast %get3A_1059 : vector<1x1x256x256xf32> to vector<256x256xf32>
      %dot_general3A_1061 = arith.constant dense<0.000000e+00> : vector<128x256xf32>
      %dot_general3A_1062 = tpu.matmul %squeeze3A_1054, %get3A_1060, %dot_general3A_1061 {dimension_numbers = #tpu.dot_dimension_numbers<[1], [1], [0], [0], [0, 0, 1, 0], [], []>, transpose_lhs_hint = false} : vector<128x256xf32>, vector<256x256xf32>, vector<128x256xf32> -> vector<128x256xf32>
      %add3A_1063 = arith.addf %add3A_1052, %dot_general3A_1062 : vector<128x256xf32>
      %eq3A_1064 = arith.constant 1 : i32
      %eq3A_1065 = arith.cmpi eq, %arg0, %eq3A_1064 : i32
      %convert_element_type3A_1066 = arith.extui %eq3A_1065 : i1 to i32
      %cond3A_1067 = arith.constant 0 : i32
      %cond3A_1068 = arith.cmpi ne, %convert_element_type3A_1066, %cond3A_1067 : i32
      scf.if %cond3A_1068 {
        %swap3A_1074 = arith.constant 0 : index
        %swap3A_1075 = arith.constant 0 : index
        %swap3A_1076 = vector.load %arg17[%swap3A_1074, %swap3A_1075] : memref<128x256xf32, #tpu.memory_space<vmem>>, vector<128x256xf32>
        tpu.vector_store %arg17[%swap3A_1074, %swap3A_1075], %add3A_1063 {strides = array<i32>} : memref<128x256xf32, #tpu.memory_space<vmem>>, vector<128x256xf32>,
      } else {
      }
      %gt3A_1069 = arith.constant 1 : i32
      %gt3A_1070 = arith.cmpi sgt, %arg0, %gt3A_1069 : i32
      %convert_element_type3A_1071 = arith.extui %gt3A_1070 : i1 to i32
      %cond3A_1072 = arith.constant 0 : i32
      %cond3A_1073 = arith.cmpi ne, %convert_element_type3A_1071, %cond3A_1072 : i32
      scf.if %cond3A_1073 {
        %get3A_1074 = arith.constant 0 : index
        %get3A_1075 = arith.constant 0 : index
        %get3A_1076 = vector.load %arg17[%get3A_1074, %get3A_1075] : memref<128x256xf32, #tpu.memory_space<vmem>>, vector<128x256xf32>
        %add3A_1077 = arith.addf %get3A_1076, %add3A_1063 : vector<128x256xf32>
        %swap3A_1078 = arith.constant 0 : index
        %swap3A_1079 = arith.constant 0 : index
        %swap3A_1080 = vector.load %arg17[%swap3A_1078, %swap3A_1079] : memref<128x256xf32, #tpu.memory_space<vmem>>, vector<128x256xf32>
        tpu.vector_store %arg17[%swap3A_1078, %swap3A_1079], %add3A_1077 {strides = array<i32>} : memref<128x256xf32, #tpu.memory_space<vmem>>, vector<128x256xf32>,
      } else {
      }
    } else {
    }
    %eq3A_784 = arith.constant 6 : i32
    %eq3A_785 = arith.cmpi eq, %arg0, %eq3A_784 : i32
    %convert_element_type3A_786 = arith.extui %eq3A_785 : i1 to i32
    %cond3A_787 = arith.constant 0 : i32
    %cond3A_788 = arith.constant 0 : i32
    %cond3A_789 = arith.cmpi ne, %convert_element_type3A_786, %cond3A_788 : i32
    scf.if %cond3A_789 {
      %dma_wait3A_796 = tpu.memref_slice %arg22[%cond3A_787] : memref<2x!tpu.dma_semaphore, #tpu.memory_space<semaphore_mem>> -> memref<1x!tpu.dma_semaphore, #tpu.memory_space<semaphore_mem>>
      %dma_wait3A_797 = tpu.memref_squeeze %dma_wait3A_796 : memref<1x!tpu.dma_semaphore, #tpu.memory_space<semaphore_mem>> -> memref<!tpu.dma_semaphore, #tpu.memory_space<semaphore_mem>>
      tpu.wait_dma2 semaphore(%dma_wait3A_797 : memref<!tpu.dma_semaphore, #tpu.memory_space<semaphore_mem>>) src(%arg9 : memref<8192x256xf32, #tpu.memory_space<any>>) dst(%arg18 : memref<8192x256xf32, #tpu.memory_space<vmem>>)
      %get3A_798 = arith.constant 0 : index
      %get3A_799 = arith.constant 0 : index
      %get3A_800 = vector.load %arg18[%get3A_798, %get3A_799] : memref<8192x256xf32, #tpu.memory_space<vmem>>, vector<8192x256xf32>
      %broadcast_in_dim3A = arith.constant 1.000000e+00 : f32
      %broadcast_in_dim3A_801 = vector.broadcast %broadcast_in_dim3A : f32 to vector<1x256xf32>
      %mul3A_802 = arith.mulf %get3A_800, %get3A_800 : vector<8192x256xf32>
      %dot_general3A_803 = arith.constant dense<0.000000e+00> : vector<1x8192xf32>
      %dot_general3A_804 = tpu.matmul %broadcast_in_dim3A_801, %mul3A_802, %dot_general3A_803 {dimension_numbers = #tpu.dot_dimension_numbers<[1], [1], [0], [0], [0, 0, 1, 0], [], []>, transpose_lhs_hint = false} : vector<1x256xf32>, vector<8192x256xf32>, vector<1x8192xf32> -> vector<1x8192xf32>
      %swap3A_805 = arith.constant 0 : index
      %swap3A_806 = arith.constant 0 : index
      %swap3A_807 = vector.load %arg20[%swap3A_805, %swap3A_806] : memref<1x8192xf32, #tpu.memory_space<vmem>>, vector<1x8192xf32>
      tpu.vector_store %arg20[%swap3A_805, %swap3A_806], %dot_general3A_804 {strides = array<i32>} : memref<1x8192xf32, #tpu.memory_space<vmem>>, vector<1x8192xf32>,
    } else {
    }
    %eq3A_790 = arith.constant 7 : i32
    %eq3A_791 = arith.cmpi eq, %arg0, %eq3A_790 : i32
    %convert_element_type3A_792 = arith.extui %eq3A_791 : i1 to i32
    %cond3A_793 = arith.constant 1 : i32
    %cond3A_794 = arith.constant 0 : i32
    %cond3A_795 = arith.cmpi ne, %convert_element_type3A_792, %cond3A_794 : i32
    scf.if %cond3A_795 {
      %get3A_796 = arith.constant 0 : index
      %get3A_797 = arith.constant 0 : index
      %get3A_798 = vector.load %arg17[%get3A_796, %get3A_797] : memref<128x256xf32, #tpu.memory_space<vmem>>, vector<128x256xf32>
      %slice3A_799 = vector.extract_strided_slice %get3A_798 {offsets = [64, 0], sizes = [64, 256], strides = [1, 1]} : vector<128x256xf32> to vector<64x256xf32>
      %slice3A_800 = vector.extract_strided_slice %get3A_798 {offsets = [0, 0], sizes = [64, 256], strides = [1, 1]} : vector<128x256xf32> to vector<64x256xf32>
      %sub3A_801 = arith.subf %slice3A_799, %slice3A_800 : vector<64x256xf32>
      %get3A_802 = arith.constant 0 : index
      %get3A_803 = arith.constant 0 : index
      %get3A_804 = vector.load %arg18[%get3A_802, %get3A_803] : memref<8192x256xf32, #tpu.memory_space<vmem>>, vector<8192x256xf32>
      %dot_general3A_805 = arith.constant dense<0.000000e+00> : vector<64x8192xf32>
      %dot_general3A_806 = tpu.matmul %sub3A_801, %get3A_804, %dot_general3A_805 {dimension_numbers = #tpu.dot_dimension_numbers<[1], [1], [0], [0], [0, 0, 1, 0], [], []>, transpose_lhs_hint = false} : vector<64x256xf32>, vector<8192x256xf32>, vector<64x8192xf32> -> vector<64x8192xf32>
      %get3A_807 = arith.constant 0 : index
      %get3A_808 = arith.constant 0 : index
      %get3A_809 = vector.load %arg20[%get3A_807, %get3A_808] : memref<1x8192xf32, #tpu.memory_space<vmem>>, vector<1x8192xf32>
      %mul3A_810 = arith.constant 2.000000e+00 : f32
      %mul3A_811 = vector.broadcast %mul3A_810 : f32 to vector<64x8192xf32>
      %mul3A_812 = arith.mulf %mul3A_811, %dot_general3A_806 : vector<64x8192xf32>
      %sub3A_813 = vector.broadcast %get3A_809 : vector<1x8192xf32> to vector<64x8192xf32>
      %sub3A_814 = arith.subf %sub3A_813, %mul3A_812 : vector<64x8192xf32>
      %reduce_min3A = arith.constant dense<0x7F800000> : vector<64xf32>
      %reduce_min3A_815 = vector.multi_reduction <minimumf>, %sub3A_814, %reduce_min3A [1] : vector<64x8192xf32> to vector<64xf32>
      %broadcast_in_dim3A = vector.shape_cast %reduce_min3A_815 : vector<64xf32> to vector<64x1xf32>
      %mul3A_816 = arith.mulf %sub3A_801, %sub3A_801 : vector<64x256xf32>
      %reduce_sum3A = arith.constant dense<0.000000e+00> : vector<64xf32>
      %reduce_sum3A_817 = vector.multi_reduction <add>, %mul3A_816, %reduce_sum3A [1] : vector<64x256xf32> to vector<64xf32>
      %broadcast_in_dim3A_818 = vector.shape_cast %reduce_sum3A_817 : vector<64xf32> to vector<64x1xf32>
      %add3A_819 = arith.addf %broadcast_in_dim3A, %broadcast_in_dim3A_818 : vector<64x1xf32>
      %max3A = arith.constant 0.000000e+00 : f32
      %max3A_820 = vector.broadcast %max3A : f32 to vector<64x1xf32>
      %max3A_821 = arith.maximumf %add3A_819, %max3A_820 : vector<64x1xf32>
      %sqrt3A = math.sqrt %max3A_821 : vector<64x1xf32>
      %get3A_822 = arith.constant 0 : index
      %get3A_823 = arith.constant 0 : index
      %get3A_824 = vector.load %arg10[%get3A_822, %get3A_823] : memref<64x256xf32, #tpu.memory_space<vmem>>, vector<64x256xf32>
      %mul3A_825 = arith.mulf %get3A_824, %get3A_824 : vector<64x256xf32>
      %reduce_sum3A_826 = arith.constant dense<0.000000e+00> : vector<64xf32>
      %reduce_sum3A_827 = vector.multi_reduction <add>, %mul3A_825, %reduce_sum3A_826 [1] : vector<64x256xf32> to vector<64xf32>
      %broadcast_in_dim3A_828 = vector.shape_cast %reduce_sum3A_827 : vector<64xf32> to vector<64x1xf32>
      %sqrt3A_829 = math.sqrt %broadcast_in_dim3A_828 : vector<64x1xf32>
      %add3A_830 = arith.constant 9.99999996E-13 : f32
      %add3A_831 = vector.broadcast %add3A_830 : f32 to vector<64x1xf32>
      %add3A_832 = arith.addf %sqrt3A_829, %add3A_831 : vector<64x1xf32>
      %div3A_833 = arith.divf %sqrt3A, %add3A_832 : vector<64x1xf32>
      %mul3A_834 = vector.broadcast %div3A_833 : vector<64x1xf32> to vector<64x256xf32>
      %mul3A_835 = arith.mulf %mul3A_834, %get3A_824 : vector<64x256xf32>
      %add3A_836 = arith.addf %sub3A_801, %mul3A_835 : vector<64x256xf32>
      %dma_wait3A_837 = tpu.memref_slice %arg22[%cond3A_793] : memref<2x!tpu.dma_semaphore, #tpu.memory_space<semaphore_mem>> -> memref<1x!tpu.dma_semaphore, #tpu.memory_space<semaphore_mem>>
      %dma_wait3A_838 = tpu.memref_squeeze %dma_wait3A_837 : memref<1x!tpu.dma_semaphore, #tpu.memory_space<semaphore_mem>> -> memref<!tpu.dma_semaphore, #tpu.memory_space<semaphore_mem>>
      tpu.wait_dma2 semaphore(%dma_wait3A_838 : memref<!tpu.dma_semaphore, #tpu.memory_space<semaphore_mem>>) src(%arg11 : memref<256x1024xf32, #tpu.memory_space<any>>) dst(%arg19 : memref<256x1024xf32, #tpu.memory_space<vmem>>)
      %get3A_839 = arith.constant 0 : index
      %get3A_840 = arith.constant 0 : index
      %get3A_841 = vector.load %arg19[%get3A_839, %get3A_840] : memref<256x1024xf32, #tpu.memory_space<vmem>>, vector<256x1024xf32>
      %dot_general3A_842 = arith.constant dense<0.000000e+00> : vector<64x1024xf32>
      %dot_general3A_843 = tpu.matmul %add3A_836, %get3A_841, %dot_general3A_842 {dimension_numbers = #tpu.dot_dimension_numbers<[1], [0], [0], [1], [0, 0, 1, 1], [], []>, transpose_lhs_hint = false} : vector<64x256xf32>, vector<256x1024xf32>, vector<64x1024xf32> -> vector<64x1024xf32>
      %get3A_844 = arith.constant 0 : index
      %get3A_845 = arith.constant 0 : index
      %get3A_846 = vector.load %arg12[%get3A_844, %get3A_845] : memref<1x1024xf32, #tpu.memory_space<vmem>>, vector<1x1024xf32>
      %add3A_847 = vector.broadcast %get3A_846 : vector<1x1024xf32> to vector<64x1024xf32>
      %add3A_848 = arith.addf %dot_general3A_843, %add3A_847 : vector<64x1024xf32>
      %reshape3A_849 = vector.shape_cast %add3A_848 : vector<64x1024xf32> to vector<64x1x1024xf32>
      %swap3A_850 = arith.constant 0 : index
      %swap3A_851 = arith.constant 0 : index
      %swap3A_852 = arith.constant 0 : index
      %swap3A_853 = vector.load %arg13[%swap3A_850, %swap3A_851, %swap3A_852] : memref<64x1x1024xf32, #tpu.memory_space<vmem>>, vector<64x1x1024xf32>
      tpu.vector_store %arg13[%swap3A_850, %swap3A_851, %swap3A_852], %reshape3A_849 {strides = array<i32>} : memref<64x1x1024xf32, #tpu.memory_space<vmem>>, vector<64x1x1024xf32>,
      %le3A = vector.broadcast %broadcast_in_dim3A : vector<64x1xf32> to vector<64x8192xf32>
      %le3A_854 = arith.cmpf ole, %sub3A_814, %le3A : vector<64x8192xf32>
      %convert_element_type3A_855 = arith.extui %le3A_854 : vector<64x8192xi1> to vector<64x8192xi32>
      %convert_element_type3A_856 = arith.sitofp %convert_element_type3A_855 : vector<64x8192xi32> to vector<64x8192xf32>
      %broadcast_in_dim3A_857 = arith.constant 1.000000e+00 : f32
      %broadcast_in_dim3A_858 = vector.broadcast %broadcast_in_dim3A_857 : f32 to vector<1x64xf32>
      %dot_general3A_859 = arith.constant dense<0.000000e+00> : vector<1x8192xf32>
      %dot_general3A_860 = tpu.matmul %broadcast_in_dim3A_858, %convert_element_type3A_856, %dot_general3A_859 {dimension_numbers = #tpu.dot_dimension_numbers<[1], [0], [0], [1], [0, 0, 1, 1], [], []>, transpose_lhs_hint = false} : vector<1x64xf32>, vector<64x8192xf32>, vector<1x8192xf32> -> vector<1x8192xf32>
      %dot_general3A_861 = arith.constant dense<0.000000e+00> : vector<64x1xf32>
      %dot_general3A_862 = tpu.matmul %convert_element_type3A_856, %dot_general3A_860, %dot_general3A_861 {dimension_numbers = #tpu.dot_dimension_numbers<[1], [1], [0], [0], [0, 0, 1, 0], [], []>, transpose_lhs_hint = false} : vector<64x8192xf32>, vector<1x8192xf32>, vector<64x1xf32> -> vector<64x1xf32>
      %mul3A_863 = arith.constant 1.562500e-02 : f32
      %mul3A_864 = vector.broadcast %mul3A_863 : f32 to vector<64x1xf32>
      %mul3A_865 = arith.mulf %dot_general3A_862, %mul3A_864 : vector<64x1xf32>
      %add3A_866 = arith.constant 1.000000e-10 : f32
      %add3A_867 = vector.broadcast %add3A_866 : f32 to vector<64x1xf32>
      %add3A_868 = arith.addf %mul3A_865, %add3A_867 : vector<64x1xf32>
      %log3A = math.log %add3A_868 : vector<64x1xf32>
      %reduce_sum3A_869 = vector.shape_cast %log3A : vector<64x1xf32> to vector<1x64x1xf32>
      %reduce_sum3A_870 = arith.constant dense<0.000000e+00> : vector<1xf32>
      %reduce_sum3A_871 = vector.multi_reduction <add>, %reduce_sum3A_869, %reduce_sum3A_870 [1, 2] : vector<1x64x1xf32> to vector<1xf32>
      %reduce_sum3A_872 = vector.shape_cast %reduce_sum3A_871 : vector<1xf32> to vector<1x1x1xf32>
      %reduce_sum3A_873 = vector.extract %reduce_sum3A_872[0, 0, 0] : f32 from vector<1x1x1xf32>
      %neg3A = arith.constant 0.000000e+00 : f32
      %neg3A_874 = arith.subf %neg3A, %reduce_sum3A_873 : f32
      %mul3A_875 = arith.constant 1.562500e-02 : f32
      %mul3A_876 = arith.mulf %neg3A_874, %mul3A_875 : f32
      %exp3A = math.exp %mul3A_876 : f32
      %reshape3A_877 = vector.broadcast %exp3A : f32 to vector<1x1xf32>
      %swap3A_878 = arith.constant 0 : index
      %swap3A_879 = arith.constant 0 : index
      %swap3A_880 = vector.load %arg14[%swap3A_878, %swap3A_879] : memref<1x1xf32, #tpu.memory_space<vmem>>, vector<1x1xf32>
      tpu.vector_store %arg14[%swap3A_878, %swap3A_879], %reshape3A_877 {strides = array<i32>} : memref<1x1xf32, #tpu.memory_space<vmem>>, vector<1x1xf32>,
    } else {
    }
    return
  }
  func.func @transform_2(%arg0: i32) -> (i32, i32) {
    %c0_i32 = arith.constant 0 : i32
    %c0_i32_0 = arith.constant 0 : i32
    %c0_i32_1 = arith.constant 0 : i32
    return %c0_i32, %c0_i32_0 : i32, i32
  }
  func.func @transform_3(%arg0: i32) -> (i32, i32) {
    %c0_i32 = arith.constant 0 : i32
    %c0_i32_0 = arith.constant 0 : i32
    %c0_i32_1 = arith.constant 0 : i32
    return %c0_i32, %c0_i32_0 : i32, i32
  }
  func.func @transform_4(%arg0: i32) -> (i32, i32, i32) {
    %c0_i32 = arith.constant 0 : i32
    %c0_i32_0 = arith.constant 0 : i32
    %c0_i32_1 = arith.constant 0 : i32
    %c0_i32_2 = arith.constant 0 : i32
    return %c0_i32, %c0_i32_0, %c0_i32_1 : i32, i32, i32
  }
  func.func @transform_5(%arg0: i32) -> (i32, i32) {
    %c0_i32 = arith.constant 0 : i32
    %c0_i32_0 = arith.constant 0 : i32
    %c0_i32_1 = arith.constant 0 : i32
    return %c0_i32, %c0_i32_0 : i32, i32
  }
  func.func @transform_6(%arg0: i32) -> (i32, i32, i32, i32) {
    %c0_i32 = arith.constant 0 : i32
    %c0_i32_0 = arith.constant 0 : i32
    %c0_i32_1 = arith.constant 0 : i32
    %c0_i32_2 = arith.constant 0 : i32
    %c0_i32_3 = arith.constant 0 : i32
    return %c0_i32, %c0_i32_0, %c0_i32_1, %c0_i32_2 : i32, i32, i32, i32
  }
  func.func @transform_7(%arg0: i32) -> (i32, i32) {
    %c0_i32 = arith.constant 0 : i32
    %c0_i32_0 = arith.constant 0 : i32
    %c0_i32_1 = arith.constant 0 : i32
    return %c0_i32, %c0_i32_0 : i32, i32
  }
  func.func @transform_9(%arg0: i32) -> (i32, i32) {
    %c0_i32 = arith.constant 0 : i32
    %c0_i32_0 = arith.constant 0 : i32
    %c0_i32_1 = arith.constant 0 : i32
    return %c0_i32, %c0_i32_0 : i32, i32
  }
  func.func @transform_11(%arg0: i32) -> (i32, i32) {
    %c0_i32 = arith.constant 0 : i32
    %c0_i32_0 = arith.constant 0 : i32
    %c0_i32_1 = arith.constant 0 : i32
    return %c0_i32, %c0_i32_0 : i32, i32
  }
  func.func @transform_12(%arg0: i32) -> (i32, i32, i32) {
    %c0_i32 = arith.constant 0 : i32
    %c0_i32_0 = arith.constant 0 : i32
    %c0_i32_1 = arith.constant 0 : i32
    %c0_i32_2 = arith.constant 0 : i32
    return %c0_i32, %c0_i32_0, %c0_i32_1 : i32, i32, i32
  }
  func.func @transform_13(%arg0: i32) -> (i32, i32) {
    %c0_i32 = arith.constant 0 : i32
    %c0_i32_0 = arith.constant 0 : i32
    %c0_i32_1 = arith.constant 0 : i32
    return %c0_i32, %c0_i32_0 : i32, i32
  }
}

</mosaic_0001>

<sc_bundles>
// kernel: gather_offload_async_start.1
scs
__scs_entry_jumppad:
0x0: {  	(pc) =	sbr.rel $0x88, $3  }
0x1: {  	(tag) =	ssettag $0x0;
	lr =	simm.s32 $0x1  }
0x2: {  	[smem:$0x3F96] =	sst lr;
	_ =	strace $0xD0000000  }
0x3: {  	_ = 	snop  }
0x4: {  	_ = 	snop  }
0x5: {  	_ = 	snop  }
0x6: {  	_ = 	snop  }
0x7: {  	_ = 	snop  }
__scs_overlays_trampoline_lowered:
0x8: {  	[smem:$0x3FA5] =	sst s0  }
0x9: {  	[smem:$0x3FA6] =	sst s1  }
0xa: {  	[smem:$0x3FA7] =	sst s2  }
0xb: {  	[smem:$0x3FA8] =	sst s3  }
0xc: {  	[smem:$0x3FA9] =	sst s4  }
0xd: {  	[smem:$0x3FAA] =	sst s5  }
0xe: {  	[smem:$0x3FAB] =	sst s6  }
0xf: {  	[smem:$0x3FAC] =	sst s7  }
0x10: {  	[smem:$0x3FAD] =	sst s8  }
0x11: {  	[smem:$0x3FAE] =	sst s9;
	s0 =	simm.s32 @!p0 $0x0  }
0x12: {  	s1 =	sld [smem:$0x3F94];
	s0 =	simm.s32 @p0 $0x1  }
0x13: {  	[smem:$0x3FAF] =	sst s0;
	s0 =	simm.s32 @!p1 $0x0  }
0x14: {  	s2 =	sld [smem:$0x3F93];
	s0 =	simm.s32 @p1 $0x1  }
0x15: {  	[smem:$0x3FB0] =	sst s0;
	s0 =	simm.s32 @!p2 $0x0  }
0x16: {  	s3 =	sld [smem:$0x3FDB];
	s0 =	simm.s32 @p2 $0x1  }
0x17: {  	s4 =	simm.s32 $0x1BF5;
	[smem:$0x3FB2] =	sst s0  }
0x18: {  	s0 =	sld [smem:$0x3F95];
	_ =	swait.ge [sflag:s4], $0x0  }
0x19: {  	s7 =	sld [smem:$0x3F96]  }
0x1a: {  	s8 =	sadd.s32 $0xFFFFE003, lr  }
0x1b: {  	s9 =	sadd.s32 $0xFFFFFEF7, lr;
	s5 =	simm.s32 $0xFFFFFFFF;
	p2 =	slt.u32 s8, $0xFFFFF086  }
0x1c: {  	p1 =	slt.u32 s9, $0xF7A;
	s5 =	simm.s32 @!p2 $0x0  }
0x1d: {  	s5 =	simm.s32 @p1 $0x1;
	p0 =	seq.s32 s7, s2  }
0x1e: {  	s7 =	smul.u32 @!p0 $0xF7A, s2;
	p2 =	seq.s32 @!p0 s5, $0x0  }
0x1f: {  	s9 =	smul.u32 $0xF7A, s1;
	s8 =	simm.s32 @!p0 $0x1BF5;
	p2 =	por !p2, p0  }
0x20: {  	[sflag:s8] =	ssyncset.s32 @!p0 $0xFFFFF086;
	s6 =	sadd.s32 @!p0 s3, s7;
	s7 =	simm.s32 @!p0 $0x108  }
0x21: {  	s3 =	sadd.s32 s3, s9;
	s6 =	sadd.s32 @!p0 $0x88, s6;
	s7 =	simm.s32 @p2 $0x1082  }
0x22: {  	[simem:s7], [sflag:s8] =	dma.local @!p0 [hbm:s6], $0xF7A  }
0x23: {  	s9 =	sor.u32 $0xD0000000, s2;
	s6 =	simm.s32 $0x108;
	_ =	swait.ge @!p0 [sflag:s8], $0x0  }
0x24: {  	s3 =	sadd.s32 $0x88, s3;
	s6 =	simm.s32 @!p1 $0x1082;
	[sflag:s4] =	ssyncset.s32 $0xFFFFF086  }
0x25: {  	[simem:s6], [sflag:s4] =	dma.local [hbm:s3], $0xF7A  }
0x26: {  	[smem:$0x3F96] =	sst s1;
	(tag) =	ssettag s2;
	_ =	strace s9  }
0x27: {  	s1 =	sld [smem:$0x3FA6]  }
0x28: {  	s2 =	sld [smem:$0x3FA7]  }
0x29: {  	s4 =	sld [smem:$0x3FA9]  }
0x2a: {  	p0 =	seq.s32 s5, $0x0;
	s5 =	sld [smem:$0x3FAA]  }
0x2b: {  	s6 =	sld [smem:$0x3FAB]  }
0x2c: {  	s7 =	sld [smem:$0x3FAC]  }
0x2d: {  	s3 =	simm.s32 $0x108;
	s8 =	sld [smem:$0x3FAD]  }
0x2e: {  	s3 =	simm.s32 @!p0 $0x1082;
	s9 =	sld [smem:$0x3FAE]  }
0x2f: {  	lr =	sadd.s32 s0, s3;
	s0 =	sld [smem:$0x3FA5]  }
0x30: {  	s3 =	sld [smem:$0x3FA8]  }
0x31: {  	[smem:$0x3FB1] =	sst s10  }
0x32: {  	s10 =	sld [smem:$0x3FAF];
	_ =	sdelay $0x3  }
0x33: {  	p0 =	seq.s32 s10, $0x1;
	s10 =	sld [smem:$0x3FB1];
	_ =	sdelay $0x3  }
0x34: {  	[smem:$0x3FB1] =	sst s10  }
0x35: {  	s10 =	sld [smem:$0x3FB0];
	_ =	sdelay $0x3  }
0x36: {  	p1 =	seq.s32 s10, $0x1;
	s10 =	sld [smem:$0x3FB1];
	_ =	sdelay $0x3  }
0x37: {  	[smem:$0x3FB1] =	sst s10  }
0x38: {  	s10 =	sld [smem:$0x3FB2]  }
0x39: {  	_ = 	snop;
	(pc) =	sbr.ind lr, $3  }
0x3a: {  	_ = 	snop  }
0x3b: {  	_ = 	snop  }
0x3c: {  	p2 =	seq.s32 s10, $0x1;
	s10 =	sld [smem:$0x3FB1]  }
0x3d: {  	_ =	shalt  }
0x3e: {  	_ =	shalt  }
0x3f: {  	_ =	shalt  }
0x40: {  	_ =	shalt  }
0x41: {  	_ =	shalt  }
0x42: {  	_ =	shalt  }
0x43: {  	_ =	shalt  }
0x44: {  	_ =	shalt  }
0x45: {  	_ =	shalt  }
0x46: {  	_ =	shalt  }
0x47: {  	_ =	shalt  }
0x48: {  	_ =	shalt  }
0x49: {  	_ =	shalt  }
0x4a: {  	_ =	shalt  }
0x4b: {  	_ =	shalt  }
0x4c: {  	_ =	shalt  }
0x4d: {  	_ =	shalt  }
0x4e: {  	_ =	shalt  }
0x4f: {  	_ =	shalt  }
0x50: {  	_ =	shalt  }
0x51: {  	_ =	shalt  }
0x52: {  	_ =	shalt  }
0x53: {  	_ =	shalt  }
0x54: {  	_ =	shalt  }
0x55: {  	_ =	shalt  }
0x56: {  	_ =	shalt  }
0x57: {  	_ =	shalt  }
0x58: {  	_ =	shalt  }
0x59: {  	_ =	shalt  }
0x5a: {  	_ =	shalt  }
0x5b: {  	_ =	shalt  }
0x5c: {  	_ =	shalt  }
0x5d: {  	_ =	shalt  }
0x5e: {  	_ =	shalt  }
0x5f: {  	_ =	shalt  }
0x60: {  	_ =	shalt  }
0x61: {  	_ =	shalt  }
0x62: {  	_ =	shalt  }
0x63: {  	_ =	shalt  }
0x64: {  	_ =	shalt  }
0x65: {  	_ =	shalt  }
0x66: {  	_ =	shalt  }
0x67: {  	_ =	shalt  }
0x68: {  	_ =	shalt  }
0x69: {  	_ =	shalt  }
0x6a: {  	_ =	shalt  }
0x6b: {  	_ =	shalt  }
0x6c: {  	_ =	shalt  }
0x6d: {  	_ =	shalt  }
0x6e: {  	_ =	shalt  }
0x6f: {  	_ =	shalt  }
0x70: {  	_ =	shalt  }
0x71: {  	_ =	shalt  }
0x72: {  	_ =	shalt  }
0x73: {  	_ =	shalt  }
0x74: {  	_ =	shalt  }
0x75: {  	_ =	shalt  }
0x76: {  	_ =	shalt  }
0x77: {  	_ =	shalt  }
0x78: {  	_ =	shalt  }
0x79: {  	_ =	shalt  }
0x7a: {  	_ =	shalt  }
0x7b: {  	_ =	shalt  }
0x7c: {  	_ =	shalt  }
0x7d: {  	_ =	shalt  }
0x7e: {  	_ =	shalt  }
0x7f: {  	_ =	shalt  }
0x80: {  	_ =	shalt  }
0x81: {  	_ =	shalt  }
0x82: {  	_ =	shalt  }
0x83: {  	_ =	shalt  }
0x84: {  	_ =	shalt  }
0x85: {  	_ =	shalt  }
0x86: {  	_ =	shalt  }
0x87: {  	_ =	shalt  }
.Lfunc_end0:
.L_simem_size_0:
called_computation.1_lowered:
.L_overlay_start_0:
0x88: {  	s2 =	sld [smem:$0x3FD9]  }
0x89: {  	s3 =	sld [smem:$0x3FFE];
	_ =	sdelay $0x1  }
0x8a: {  	s1 =	srdreg.scid  }
0x8b: {  	s0 =	sand.u32 $0x1, s1  }
0x8c: {  	s16 =	sshll.u32 s0, $0xA;
	s2 =	sadd.s32 s3, s2  }
0x8d: {  	s2 =	sadd.s32 s2, s16  }
0x8e: {  	[smem:$0x3FBD] =	sst s2  }
0x8f: {  	_ = 	snop  }
0x90: {  	(tm) =	ssettm $0x1  }
0x91: {  	s17 =	sld [smem:$0x3FFB];
	_ =	sdelay $0x3  }
0x92: {  	_ =	strace s17  }
0x93: {  	s2 =	sld [smem:$0x3FFC];
	_ =	sdelay $0x3  }
0x94: {  	_ =	strace s2  }
0x95: {  	s2 =	sld [smem:$0x3FFD];
	_ =	sdelay $0x3  }
0x96: {  	_ =	strace s2  }
0x97: {  	_ =	strace $0x8FFFFFFF  }
0x98: {  	s18 =	sld [smem:$0x3FDB];
	_ =	sdelay $0x1  }
0x99: {  	s19 =	simm.s32 $_scs_section_size  }
0x9a: {  	s4 =	simm.s32 $_size__tile_overlayer_lowered;
	s5 =	simm.s32 $_tile_overlayer_lowered  }
0x9b: {  	s22 =	simm.s32 $0x1BFF;
	s21 =	sshll.u32 s5, $0x1;
	s2 =	sadd.s32 s19, s18  }
0x9c: {  	s6 =	simm.s32 $0x0;
	s20 =	sshll.u32 s4, $0x1;
	s4 =	sadd.s32 s21, s2  }
0x9d: {  	[timem:s6], [sflag:s22] =	dma.local [hbm:s4], s20  }
0x9e: {  	_ =	swait.ge [sflag:s22], s20  }
0x9f: {  	s3 =	ssub.s32 $0x0, s20;
	[sflag:s22] =	ssyncset.done $0x0  }
0xa0: {  	[sflag:s22] =	ssyncadd.s32 s3;
	_ =	sdelay $0x1  }
0xa1: {  	s23 =	simm.s32 $0x1B8B  }
0xa2: {  	_ =	swait.ge [sflag:s23], $0x1  }
0xa3: {  	[sflag:s23] =	ssyncset.done $0x0  }
0xa4: {  	s25 =	simm.s32 $0x1B8E;
	s24 =	sld [smem:$0x3FFE];
	[sflag:s23] =	ssyncadd.s32 $0xFFFFFFFF  }
0xa5: {  	s26 =	simm.s32 $execute0_lowered;
	[smem:$0x3FD2] =	sst s25  }
0xa6: {  	s4 =	sshll.u32 s26, $0x1;
	_ =	strace $0x80000049;
	[dreg:$0x1] =	wrdreg $0xFFFFFFFF  }
0xa7: {  	s28 =	simm.s32 $_size_execute0_lowered;
	s2 =	sadd.s32 s2, s4;
	[dreg:$0x0] =	wrdreg $0x0  }
0xa8: {  	s4 =	sshll.u32 s28, $0x1;
	[dreg:$0x2] =	wrdreg s2  }
0xa9: {  	[dreg:$0x3] =	wrdreg s4  }
0xaa: {  	[dreg:$0x4] =	wrdreg $0xC0  }
0xab: {  	_ =	task [dreg:s6], $0x5FFFF  }
0xac: {  	[dreg:$0x1] =	wrdreg $0xFFFFFFFF  }
0xad: {  	[dreg:$0x0] =	wrdreg $0x60  }
0xae: {  	[dreg:$0x2] =	wrdreg s24  }
0xaf: {  	[dreg:$0x3] =	wrdreg $0x9  }
0xb0: {  	_ =	task.clear_ibuf [dreg:s6], $0x4FFFF;
	_ =	strace $0x90000049  }
0xb1: {  	s29 =	simm.s32 $0x9;
	_ =	strace $0x8000004B  }
0xb2: {  	_ =	swait.ge [sflag:s29], $0x1  }
0xb3: {  	[sflag:s29] =	ssyncadd.s32 $0xFFFFFFFF  }
0xb4: {  	_ =	strace $0x9000004B  }
0xb5: {  	_ =	sfence  }
0xb6: {  	s30 =	sld [smem:$0x0];
	_ =	sdelay $0x2  }
0xb7: {  	s31 =	sshll.u32 s1, $0xD;
	s1 =	sshrl.u32 s1, $0x2  }
0xb8: {  	s3 =	sand.u32 $0x4000, s31;
	s1 =	sadd.s32 s1, s30  }
0xb9: {  	s0 =	sor.u32 s3, s0;
	s1 =	sshll.u32 s1, $0x11  }
0xba: {  	s0 =	sor.u32 s1, s0  }
0xbb: {  	s0 =	sadd.s32 $0x8F2B, s0  }
0xbc: {  	[sflag:s0] =	ssyncadd.remote.s32 $0x1  }
0xbd: {  	_ =	sfence.sel $0xFFFF  }
0xbe: {  	[dreg:$0x0] =	wrdreg $0xFFFFFFFF;
	(pc) =	sbr.abs _section_cstart, $3  }
0xbf: {  	[dreg:$0x1] =	wrdreg $0xFFFFFFFF  }
0xc0: {  	_ =	task.clear_ibuf [dreg:s6], $0x2FFFF;
	_ =	strace $0x9FFFFFFF  }
0xc1: {  	(tm) =	ssettm $0x7FFFFFFF  }
tec
execute0_lowered:
.L_overlay_start_1:
0x0: {  	(tag) =	ssettag $0x1  }
0x1: {  	s0 =	srdreg.scid;
	s5 =	rddreg [dreg:$0x0]  }
0x2: {  	s1 =	stileid.u32;
	s6 =	simm.s32 $0x1;
	s9 =	simm.s32 $0x1  }
0x3: {  	s10 =	simm.s32 $0x3;
	s13 =	simm.s32 $0x0;
	s2 =	sshll.u32 s0, $0xE  }
0x4: {  	s12 =	simm.s32 $0x0;
	s3 =	sshll.u32 s1, $0xF;
	s2 =	sand.u32 $0x4000, s2  }
0x5: {  	s0 =	rddreg [dreg:$0x1];
	_ =	strace $0x8000004A;
	s2 =	sor.u32 s3, s2  }
0x6: {  	s4 =	sadd.s32 $0x39A00, s5;
	[sflag:s6] =	ssyncpa.u1 $0x0;
	s8 =	ssub.s32 $0x100000, s2  }
.Ltmp0:
0x7: {  	s3 =	sadd.s32 $0x19A00, s5;
	s7 =	sand.u32 $0x7C000, s8;
	(pc) =	sbr.rel .LBB2_1-.Ltmp0, $4  }
0x8: {  	s5 =	sadd.s32 $0x59A00, s5;
	s11 =	smov.u32 s2;
	p0 =	sne.s32 s7, $0x0  }
0x9: {  	s8 =	sshrl.u32 s8, $0x13;
	s7 =	simm.s32 $0x2;
	s9 =	simm.s32 @!p0 $0x0  }
0xa: {  	[sflag:s7] =	ssyncpa.u1 $0x0;
	p0 =	por $0x0, $0x0;
	s8 =	sadd.s32 s9, s8  }
0xb: {  	vm0 =	vmmov $0xffff;
	[sflag:s10] =	ssyncpa.u1 $0x0;
	s10 =	simm.s32 $0x0;
	s9 =	sadd.s32 $0x1, s8  }
.LBB2_4:
0xc: {  	v2 =	vnsel vm1, $0x0, v2  }
0xd: {  	vm1 =	vgt.s32 v0, $0x0;
	v2 =	vmin.u32 v2, $0xFFFFF  }
0xe: {  	v0 =	vnsel vm1, $0x0, v0  }
0xf: {  	v0 =	vmin.u32 v0, $0xFFFFF  }
0x10: {  	[tilespmem:s15], [sflag:$0x1] =	stream.indirect_vreg.gather [hbm4b:s3+s10], $0x1, v1, vm0, $0x4038;
	[tilespmem:$0x10000] =	vst v63  }
0x11: {  	(ifvalue) =	ssetifvalue $0x7FFFFFFF  }
0x12: {  	[tilespmem:s16], [sflag:$0x1] =	stream.indirect_vreg.gather [hbm4b:s3+s10], $0x1, v2, vm0, $0x4038;
	[tilespmem:$0x10000] =	vst v63  }
0x13: {  	s29 =	sadd.s32 $0x10, s16;
	(ifvalue) =	ssetifvalue $0x7FFFFFFF  }
0x14: {  	[tilespmem:s29], [sflag:$0x1] =	stream.indirect_vreg.gather [hbm4b:s3+s10], $0x1, v0, vm0, $0x4038;
	[tilespmem:$0x10000] =	vst v63  }
0x15: {  	_ =	swait.ge [sflag:s6], $0x4000  }
0x16: {  	s30 =	sshrl.u32 s13, $0x3;
	[sflag:s6] =	ssyncset.done $0x0  }
0x17: {  	s31 =	sand.u32 $0x7, s13;
	s15 =	sadd.s32 s5, s30;
	[sflag:s6] =	ssyncadd.s32 $0xFFFFC000  }
0x18: {  	[hbm4b:s15+s31] =	stream.linear.scatter [tilespmem:s14], [sflag:$0x3], $0x4000, $0x38;
	[tilespmem:$0x10000] =	vst v63  }
.LBB2_5:
0x19: {  	s15 =	sadd.s32 $0x80000, s11  }
0x1a: {  	p2 =	sgt.s32 s15, $0xFFFFF  }
0x1b: {  	s15 =	smov.u32 @p2 s2;
	p2 =	sne.s32 s12, s9  }
.Ltmp1:
0x1c: {  	p1 =	slt.u32 s12, $0x2;
	(pc) =	sbr.rel @!p2 .LBB2_6-.Ltmp1, $4  }
0x1d: {  	s14 =	simm.s32 @!p1 $0x3  }
0x1e: {  	s16 =	sadd.s32 $0x1, s12;
	_ =	swait.ge @!p1 [sflag:s14], $0x4000  }
0x1f: {  	s13 =	smov.u32 s11;
	p0 =	por !p0, !p0;
	[sflag:s14] =	ssyncset.done @!p1 $0x0  }
0x20: {  	s12 =	smov.u32 s16;
	s11 =	smov.u32 s15;
	[sflag:s14] =	ssyncadd.s32 @!p1 $0xFFFFC000  }
.LBB2_1:
0x21: {  	p1 =	sge.u32 s12, s8  }
0x22: {  	s14 =	sxor.u32 @!p1 $0xFFFFFFFF, s12  }
0x23: {  	s31 =	sadd.s32 $0xFFFFFFFF, s12;
	s15 =	sshrl.u32 @!p1 s11, $0x3;
	s14 =	sshll.u32 @!p1 s14, $0xE  }
0x24: {  	s16 =	sand.u32 @!p1 $0x7, s11;
	s15 =	sadd.s32 @!p1 s4, s15;
	s14 =	sand.u32 @!p1 $0x4000, s14  }
0x25: {  	[tilespmem:s14], [sflag:$0x2] =	stream.linear.gather @!p1 [hbm4b:s15+s16], $0x4000, $0x38;
	[tilespmem:$0x10000] =	vst v63  }
0x26: {  	p1 =	sge.u32 s31, s8  }
.Ltmp2:
0x27: {  	_ = 	snop;
	(pc) =	sbr.rel @p1 .LBB2_5-.Ltmp2, $1  }
0x28: {  	_ =	sdelay $0x3  }
0x29: {  	s14 =	simm.s32 $0x1  }
0x2a: {  	_ =	swait.ge [sflag:s7], $0x4000;
	s14 =	simm.s32 @!p0 $0x0  }
0x2b: {  	[sflag:s7] =	ssyncset.done $0x0;
	s14 =	sshll.u32 s14, $0xE  }
0x2c: {  	[sflag:s7] =	ssyncadd.s32 $0xFFFFC000;
	(ifvalue) =	ssetifvalue $0x7FFFFFFF;
	v0 =	vld.msk [tilespmem:s14+$0x0 ss:$0x1], $0xffff;
	_ =	sdelay $0x4  }
0x2d: {  	s15 =	sadd.s32 $0x10, s14;
	vm1 =	vgt.s32 v0, $0x0  }
0x2e: {  	v2 =	vld.msk [tilespmem:s15+$0x0 ss:$0x1], $0xffff;
	v1 =	vnsel vm1, $0x0, v0  }
0x2f: {  	v1 =	vmin.u32 v1, $0xFFFFF;
	_ =	sdelay $0x1  }
0x30: {  	s16 =	sshll.u32 s12, $0xE;
	s18 =	simm.s32 $0x20  }
0x31: {  	s16 =	sand.u32 $0x4000, s16;
	s17 =	sadd.s32 $0x10, s15;
	s15 =	sor.u32 $0x8000, s14  }
0x32: {  	s14 =	sor.u32 $0x8000, s16;
	s16 =	sadd.s32 $0x10, s15;
	v0 =	vld.msk [tilespmem:s17+$0x0 ss:$0x1], $0xffff;
	vm1 =	vgt.s32 v2, $0x0;
	(ifvalue) =	ssetifvalue $0x7FFFFFFF  }
.LBB2_3:
0x33: {  	[tilespmem:s15], [sflag:$0x1] =	stream.indirect_vreg.gather [hbm4b:s3+s10], $0x1, v1, vm0, $0x4038;
	[tilespmem:$0x10000] =	vst v63  }
0x34: {  	s18 =	sadd.s32 $0x10, s18  }
0x35: {  	v2 =	vnsel vm1, $0x0, v2;
	p1 =	slt.u32 s18, $0x3FF0  }
.Ltmp3:
0x36: {  	s15 =	smov.u32 s16;
	v1 =	vmin.u32 v2, $0xFFFFF;
	(pc) =	sbr.rel @p1 .LBB2_3-.Ltmp3, $3  }
0x37: {  	_ =	sdelay $0x1  }
0x38: {  	s17 =	sadd.s32 $0x10, s17  }
0x39: {  	vm1 =	vgt.s32 v0, $0x0;
	s16 =	sadd.s32 $0x10, s16;
	v2 =	vmov v0;
	(ifvalue) =	ssetifvalue $0x7FFFFFFF;
	v0 =	vld.msk [tilespmem:s17+$0x0 ss:$0x1], $0xffff  }
.Ltmp4:
0x3a: {  	_ = 	snop;
	(pc) =	sbr.rel .LBB2_4-.Ltmp4, $1  }
0x3b: {  	_ =	sdelay $0x3  }
.LBB2_6:
0x3c: {  	_ =	sfence.sel $0x180000  }
0x3d: {  	s2 =	simm.s32 $0x2;
	[bflag:$0x0] =	sbarrier.arrive $0xFFFF  }
0x3e: {  	s30 =	simm.s32 $0x3;
	[sflag:s2] =	ssyncpa.u1 $0x1  }
0x3f: {  	s31 =	simm.s32 $0x1;
	[sflag:s30] =	ssyncpa.u1 $0x1  }
0x40: {  	[sflag:s31] =	ssyncpa.u1 $0x1  }
0x41: {  	p0 =	sne.s32 s1, $0x0;
	_ =	strace $0x9000004A  }
0x42: {  	s0 =	sadd.s32 @!p0 $0x100000, s0;
	[bflag:$0x2] =	sbarrier.arrive $0xFFFF  }
0x43: {  	[sflag:s0] =	ssyncadd.tile.s32 @!p0 $0x1;
	_ =	shalt  }
.Lfunc_end2:
_tile_overlayer_lowered:
.L_overlay_start_2:
0x44: {  	(tag) =	ssettag $0x2  }
0x45: {  	s0 =	rddreg [dreg:$0x0];
	s2 =	stileid.u32  }
0x46: {  	s1 =	rddreg [dreg:$0x1];
	p0 =	sne.s32 s2, $0x0  }
0x47: {  	s3 =	rddreg [dreg:$0x2];
	[bflag:$0x3] =	sbarrier.arrive $0xFFFF;
	s2 =	simm.s32 @!p0 $0x1C01  }
0x48: {  	[timem:s3], [sflag:s2] =	dma.local @!p0 [hbm:s0], s1  }
0x49: {  	s0 =	simm.s32 @!p0 $0x1  }
0x4a: {  	_ =	swait.ge @!p0 [sflag:s0], s1  }
0x4b: {  	s1 =	ssub.s32 @!p0 $0x0, s1;
	[sflag:s0] =	ssyncset.done @!p0 $0x0  }
0x4c: {  	[sflag:s0] =	ssyncadd.s32 @!p0 s1  }
0x4d: {  	[bflag:$0x3] =	sbarrier.arrive $0xFFFF  }
0x4e: {  	_ =	shalt  }

// kernel: gather_offload_async_start
scs
__scs_entry_jumppad:
0x0: {  	(pc) =	sbr.rel $0x88, $3  }
0x1: {  	(tag) =	ssettag $0x0;
	lr =	simm.s32 $0x1  }
0x2: {  	[smem:$0x3F96] =	sst lr;
	_ =	strace $0xD0000000  }
0x3: {  	_ = 	snop  }
0x4: {  	_ = 	snop  }
0x5: {  	_ = 	snop  }
0x6: {  	_ = 	snop  }
0x7: {  	_ = 	snop  }
__scs_overlays_trampoline_lowered:
0x8: {  	[smem:$0x3FA5] =	sst s0  }
0x9: {  	[smem:$0x3FA6] =	sst s1  }
0xa: {  	[smem:$0x3FA7] =	sst s2  }
0xb: {  	[smem:$0x3FA8] =	sst s3  }
0xc: {  	[smem:$0x3FA9] =	sst s4  }
0xd: {  	[smem:$0x3FAA] =	sst s5  }
0xe: {  	[smem:$0x3FAB] =	sst s6  }
0xf: {  	[smem:$0x3FAC] =	sst s7  }
0x10: {  	[smem:$0x3FAD] =	sst s8  }
0x11: {  	[smem:$0x3FAE] =	sst s9;
	s0 =	simm.s32 @!p0 $0x0  }
0x12: {  	s1 =	sld [smem:$0x3F94];
	s0 =	simm.s32 @p0 $0x1  }
0x13: {  	[smem:$0x3FAF] =	sst s0;
	s0 =	simm.s32 @!p1 $0x0  }
0x14: {  	s2 =	sld [smem:$0x3F93];
	s0 =	simm.s32 @p1 $0x1  }
0x15: {  	[smem:$0x3FB0] =	sst s0;
	s0 =	simm.s32 @!p2 $0x0  }
0x16: {  	s3 =	sld [smem:$0x3FDB];
	s0 =	simm.s32 @p2 $0x1  }
0x17: {  	s4 =	simm.s32 $0x1BF5;
	[smem:$0x3FB2] =	sst s0  }
0x18: {  	s0 =	sld [smem:$0x3F95];
	_ =	swait.ge [sflag:s4], $0x0  }
0x19: {  	s7 =	sld [smem:$0x3F96]  }
0x1a: {  	s8 =	sadd.s32 $0xFFFFE003, lr  }
0x1b: {  	s9 =	sadd.s32 $0xFFFFFEF7, lr;
	s5 =	simm.s32 $0xFFFFFFFF;
	p2 =	slt.u32 s8, $0xFFFFF086  }
0x1c: {  	p1 =	slt.u32 s9, $0xF7A;
	s5 =	simm.s32 @!p2 $0x0  }
0x1d: {  	s5 =	simm.s32 @p1 $0x1;
	p0 =	seq.s32 s7, s2  }
0x1e: {  	s7 =	smul.u32 @!p0 $0xF7A, s2;
	p2 =	seq.s32 @!p0 s5, $0x0  }
0x1f: {  	s9 =	smul.u32 $0xF7A, s1;
	s8 =	simm.s32 @!p0 $0x1BF5;
	p2 =	por !p2, p0  }
0x20: {  	[sflag:s8] =	ssyncset.s32 @!p0 $0xFFFFF086;
	s6 =	sadd.s32 @!p0 s3, s7;
	s7 =	simm.s32 @!p0 $0x108  }
0x21: {  	s3 =	sadd.s32 s3, s9;
	s6 =	sadd.s32 @!p0 $0x88, s6;
	s7 =	simm.s32 @p2 $0x1082  }
0x22: {  	[simem:s7], [sflag:s8] =	dma.local @!p0 [hbm:s6], $0xF7A  }
0x23: {  	s9 =	sor.u32 $0xD0000000, s2;
	s6 =	simm.s32 $0x108;
	_ =	swait.ge @!p0 [sflag:s8], $0x0  }
0x24: {  	s3 =	sadd.s32 $0x88, s3;
	s6 =	simm.s32 @!p1 $0x1082;
	[sflag:s4] =	ssyncset.s32 $0xFFFFF086  }
0x25: {  	[simem:s6], [sflag:s4] =	dma.local [hbm:s3], $0xF7A  }
0x26: {  	[smem:$0x3F96] =	sst s1;
	(tag) =	ssettag s2;
	_ =	strace s9  }
0x27: {  	s1 =	sld [smem:$0x3FA6]  }
0x28: {  	s2 =	sld [smem:$0x3FA7]  }
0x29: {  	s4 =	sld [smem:$0x3FA9]  }
0x2a: {  	p0 =	seq.s32 s5, $0x0;
	s5 =	sld [smem:$0x3FAA]  }
0x2b: {  	s6 =	sld [smem:$0x3FAB]  }
0x2c: {  	s7 =	sld [smem:$0x3FAC]  }
0x2d: {  	s3 =	simm.s32 $0x108;
	s8 =	sld [smem:$0x3FAD]  }
0x2e: {  	s3 =	simm.s32 @!p0 $0x1082;
	s9 =	sld [smem:$0x3FAE]  }
0x2f: {  	lr =	sadd.s32 s0, s3;
	s0 =	sld [smem:$0x3FA5]  }
0x30: {  	s3 =	sld [smem:$0x3FA8]  }
0x31: {  	[smem:$0x3FB1] =	sst s10  }
0x32: {  	s10 =	sld [smem:$0x3FAF];
	_ =	sdelay $0x3  }
0x33: {  	p0 =	seq.s32 s10, $0x1;
	s10 =	sld [smem:$0x3FB1];
	_ =	sdelay $0x3  }
0x34: {  	[smem:$0x3FB1] =	sst s10  }
0x35: {  	s10 =	sld [smem:$0x3FB0];
	_ =	sdelay $0x3  }
0x36: {  	p1 =	seq.s32 s10, $0x1;
	s10 =	sld [smem:$0x3FB1];
	_ =	sdelay $0x3  }
0x37: {  	[smem:$0x3FB1] =	sst s10  }
0x38: {  	s10 =	sld [smem:$0x3FB2]  }
0x39: {  	_ = 	snop;
	(pc) =	sbr.ind lr, $3  }
0x3a: {  	_ = 	snop  }
0x3b: {  	_ = 	snop  }
0x3c: {  	p2 =	seq.s32 s10, $0x1;
	s10 =	sld [smem:$0x3FB1]  }
0x3d: {  	_ =	shalt  }
0x3e: {  	_ =	shalt  }
0x3f: {  	_ =	shalt  }
0x40: {  	_ =	shalt  }
0x41: {  	_ =	shalt  }
0x42: {  	_ =	shalt  }
0x43: {  	_ =	shalt  }
0x44: {  	_ =	shalt  }
0x45: {  	_ =	shalt  }
0x46: {  	_ =	shalt  }
0x47: {  	_ =	shalt  }
0x48: {  	_ =	shalt  }
0x49: {  	_ =	shalt  }
0x4a: {  	_ =	shalt  }
0x4b: {  	_ =	shalt  }
0x4c: {  	_ =	shalt  }
0x4d: {  	_ =	shalt  }
0x4e: {  	_ =	shalt  }
0x4f: {  	_ =	shalt  }
0x50: {  	_ =	shalt  }
0x51: {  	_ =	shalt  }
0x52: {  	_ =	shalt  }
0x53: {  	_ =	shalt  }
0x54: {  	_ =	shalt  }
0x55: {  	_ =	shalt  }
0x56: {  	_ =	shalt  }
0x57: {  	_ =	shalt  }
0x58: {  	_ =	shalt  }
0x59: {  	_ =	shalt  }
0x5a: {  	_ =	shalt  }
0x5b: {  	_ =	shalt  }
0x5c: {  	_ =	shalt  }
0x5d: {  	_ =	shalt  }
0x5e: {  	_ =	shalt  }
0x5f: {  	_ =	shalt  }
0x60: {  	_ =	shalt  }
0x61: {  	_ =	shalt  }
0x62: {  	_ =	shalt  }
0x63: {  	_ =	shalt  }
0x64: {  	_ =	shalt  }
0x65: {  	_ =	shalt  }
0x66: {  	_ =	shalt  }
0x67: {  	_ =	shalt  }
0x68: {  	_ =	shalt  }
0x69: {  	_ =	shalt  }
0x6a: {  	_ =	shalt  }
0x6b: {  	_ =	shalt  }
0x6c: {  	_ =	shalt  }
0x6d: {  	_ =	shalt  }
0x6e: {  	_ =	shalt  }
0x6f: {  	_ =	shalt  }
0x70: {  	_ =	shalt  }
0x71: {  	_ =	shalt  }
0x72: {  	_ =	shalt  }
0x73: {  	_ =	shalt  }
0x74: {  	_ =	shalt  }
0x75: {  	_ =	shalt  }
0x76: {  	_ =	shalt  }
0x77: {  	_ =	shalt  }
0x78: {  	_ =	shalt  }
0x79: {  	_ =	shalt  }
0x7a: {  	_ =	shalt  }
0x7b: {  	_ =	shalt  }
0x7c: {  	_ =	shalt  }
0x7d: {  	_ =	shalt  }
0x7e: {  	_ =	shalt  }
0x7f: {  	_ =	shalt  }
0x80: {  	_ =	shalt  }
0x81: {  	_ =	shalt  }
0x82: {  	_ =	shalt  }
0x83: {  	_ =	shalt  }
0x84: {  	_ =	shalt  }
0x85: {  	_ =	shalt  }
0x86: {  	_ =	shalt  }
0x87: {  	_ =	shalt  }
.Lfunc_end0:
.L_simem_size_0:
called_computation_lowered:
.L_overlay_start_0:
0x88: {  	s2 =	sld [smem:$0x3FD9]  }
0x89: {  	s3 =	sld [smem:$0x3FFE];
	_ =	sdelay $0x1  }
0x8a: {  	s1 =	srdreg.scid  }
0x8b: {  	s0 =	sand.u32 $0x1, s1  }
0x8c: {  	s16 =	sshll.u32 s0, $0xA;
	s2 =	sadd.s32 s3, s2  }
0x8d: {  	s2 =	sadd.s32 s2, s16  }
0x8e: {  	[smem:$0x3FBD] =	sst s2  }
0x8f: {  	_ = 	snop  }
0x90: {  	(tm) =	ssettm $0x1  }
0x91: {  	s17 =	sld [smem:$0x3FFB];
	_ =	sdelay $0x3  }
0x92: {  	_ =	strace s17  }
0x93: {  	s2 =	sld [smem:$0x3FFC];
	_ =	sdelay $0x3  }
0x94: {  	_ =	strace s2  }
0x95: {  	s2 =	sld [smem:$0x3FFD];
	_ =	sdelay $0x3  }
0x96: {  	_ =	strace s2  }
0x97: {  	_ =	strace $0x8FFFFFFF  }
0x98: {  	s18 =	sld [smem:$0x3FDB];
	_ =	sdelay $0x1  }
0x99: {  	s19 =	simm.s32 $_scs_section_size  }
0x9a: {  	s4 =	simm.s32 $_size__tile_overlayer_lowered;
	s5 =	simm.s32 $_tile_overlayer_lowered  }
0x9b: {  	s22 =	simm.s32 $0x1BFF;
	s21 =	sshll.u32 s5, $0x1;
	s2 =	sadd.s32 s19, s18  }
0x9c: {  	s6 =	simm.s32 $0x0;
	s20 =	sshll.u32 s4, $0x1;
	s4 =	sadd.s32 s21, s2  }
0x9d: {  	[timem:s6], [sflag:s22] =	dma.local [hbm:s4], s20  }
0x9e: {  	_ =	swait.ge [sflag:s22], s20  }
0x9f: {  	s3 =	ssub.s32 $0x0, s20;
	[sflag:s22] =	ssyncset.done $0x0  }
0xa0: {  	[sflag:s22] =	ssyncadd.s32 s3;
	_ =	sdelay $0x1  }
0xa1: {  	s23 =	simm.s32 $0x1B8B  }
0xa2: {  	_ =	swait.ge [sflag:s23], $0x1  }
0xa3: {  	[sflag:s23] =	ssyncset.done $0x0  }
0xa4: {  	s25 =	simm.s32 $0x1B8E;
	s24 =	sld [smem:$0x3FFE];
	[sflag:s23] =	ssyncadd.s32 $0xFFFFFFFF  }
0xa5: {  	s26 =	simm.s32 $execute0_lowered;
	[smem:$0x3FD2] =	sst s25  }
0xa6: {  	s4 =	sshll.u32 s26, $0x1;
	_ =	strace $0x80000046;
	[dreg:$0x1] =	wrdreg $0xFFFFFFFF  }
0xa7: {  	s28 =	simm.s32 $_size_execute0_lowered;
	s2 =	sadd.s32 s2, s4;
	[dreg:$0x0] =	wrdreg $0x0  }
0xa8: {  	s4 =	sshll.u32 s28, $0x1;
	[dreg:$0x2] =	wrdreg s2  }
0xa9: {  	[dreg:$0x3] =	wrdreg s4  }
0xaa: {  	[dreg:$0x4] =	wrdreg $0xC0  }
0xab: {  	_ =	task [dreg:s6], $0x5FFFF  }
0xac: {  	[dreg:$0x1] =	wrdreg $0xFFFFFFFF  }
0xad: {  	[dreg:$0x0] =	wrdreg $0x60  }
0xae: {  	[dreg:$0x2] =	wrdreg s24  }
0xaf: {  	[dreg:$0x3] =	wrdreg $0x9  }
0xb0: {  	_ =	task.clear_ibuf [dreg:s6], $0x4FFFF;
	_ =	strace $0x90000046  }
0xb1: {  	s29 =	simm.s32 $0x9;
	_ =	strace $0x80000048  }
0xb2: {  	_ =	swait.ge [sflag:s29], $0x1  }
0xb3: {  	[sflag:s29] =	ssyncadd.s32 $0xFFFFFFFF  }
0xb4: {  	_ =	strace $0x90000048  }
0xb5: {  	_ =	sfence  }
0xb6: {  	s30 =	sld [smem:$0x0];
	_ =	sdelay $0x2  }
0xb7: {  	s31 =	sshll.u32 s1, $0xD;
	s1 =	sshrl.u32 s1, $0x2  }
0xb8: {  	s3 =	sand.u32 $0x4000, s31;
	s1 =	sadd.s32 s1, s30  }
0xb9: {  	s0 =	sor.u32 s3, s0;
	s1 =	sshll.u32 s1, $0x11  }
0xba: {  	s0 =	sor.u32 s1, s0  }
0xbb: {  	s0 =	sadd.s32 $0x8F2B, s0  }
0xbc: {  	[sflag:s0] =	ssyncadd.remote.s32 $0x1  }
0xbd: {  	_ =	sfence.sel $0xFFFF  }
0xbe: {  	[dreg:$0x0] =	wrdreg $0xFFFFFFFF;
	(pc) =	sbr.abs _section_cstart, $3  }
0xbf: {  	[dreg:$0x1] =	wrdreg $0xFFFFFFFF  }
0xc0: {  	_ =	task.clear_ibuf [dreg:s6], $0x2FFFF;
	_ =	strace $0x9FFFFFFF  }
0xc1: {  	(tm) =	ssettm $0x7FFFFFFF  }
tec
execute0_lowered:
.L_overlay_start_1:
0x0: {  	(tag) =	ssettag $0x1  }
0x1: {  	s0 =	srdreg.scid;
	s5 =	rddreg [dreg:$0x0]  }
0x2: {  	s1 =	stileid.u32;
	s6 =	simm.s32 $0x1;
	s9 =	simm.s32 $0x1  }
0x3: {  	s10 =	simm.s32 $0x3;
	s13 =	simm.s32 $0x0;
	s2 =	sshll.u32 s0, $0xE  }
0x4: {  	s12 =	simm.s32 $0x0;
	s3 =	sshll.u32 s1, $0xF;
	s2 =	sand.u32 $0x4000, s2  }
0x5: {  	s0 =	rddreg [dreg:$0x1];
	_ =	strace $0x80000047;
	s2 =	sor.u32 s3, s2  }
0x6: {  	s4 =	sadd.s32 $0x7A00, s5;
	[sflag:s6] =	ssyncpa.u1 $0x0;
	s8 =	ssub.s32 $0x90000, s2  }
.Ltmp0:
0x7: {  	s3 =	sadd.s32 $0x407A00, s5;
	s7 =	sand.u32 $0x7C000, s8;
	(pc) =	sbr.rel .LBB2_1-.Ltmp0, $4  }
0x8: {  	s5 =	sadd.s32 $0x59A00, s5;
	s11 =	smov.u32 s2;
	p0 =	sne.s32 s7, $0x0  }
0x9: {  	s8 =	sshrl.u32 s8, $0x13;
	s7 =	simm.s32 $0x2;
	s9 =	simm.s32 @!p0 $0x0  }
0xa: {  	[sflag:s7] =	ssyncpa.u1 $0x0;
	p0 =	por $0x0, $0x0;
	s8 =	sadd.s32 s9, s8  }
0xb: {  	vm0 =	vmmov $0xffff;
	[sflag:s10] =	ssyncpa.u1 $0x0;
	s10 =	simm.s32 $0x0;
	s9 =	sadd.s32 $0x1, s8  }
.LBB2_4:
0xc: {  	v2 =	vnsel vm1, $0x0, v2  }
0xd: {  	vm1 =	vgt.s32 v0, $0x0;
	v2 =	vmin.u32 v2, $0x8FFFF  }
0xe: {  	v0 =	vnsel vm1, $0x0, v0  }
0xf: {  	v0 =	vmin.u32 v0, $0x8FFFF  }
0x10: {  	[tilespmem:s15], [sflag:$0x1] =	stream.indirect_vreg.gather [hbm4b:s3+s10], $0x1, v1, vm0, $0x4038;
	[tilespmem:$0x10000] =	vst v63  }
0x11: {  	(ifvalue) =	ssetifvalue $0x7FFFFFFF  }
0x12: {  	[tilespmem:s16], [sflag:$0x1] =	stream.indirect_vreg.gather [hbm4b:s3+s10], $0x1, v2, vm0, $0x4038;
	[tilespmem:$0x10000] =	vst v63  }
0x13: {  	s29 =	sadd.s32 $0x10, s16;
	(ifvalue) =	ssetifvalue $0x7FFFFFFF  }
0x14: {  	[tilespmem:s29], [sflag:$0x1] =	stream.indirect_vreg.gather [hbm4b:s3+s10], $0x1, v0, vm0, $0x4038;
	[tilespmem:$0x10000] =	vst v63  }
0x15: {  	_ =	swait.ge [sflag:s6], $0x4000  }
0x16: {  	s30 =	sshrl.u32 s13, $0x3;
	[sflag:s6] =	ssyncset.done $0x0  }
0x17: {  	s31 =	sand.u32 $0x7, s13;
	s15 =	sadd.s32 s5, s30;
	[sflag:s6] =	ssyncadd.s32 $0xFFFFC000  }
0x18: {  	[hbm4b:s15+s31] =	stream.linear.scatter [tilespmem:s14], [sflag:$0x3], $0x4000, $0x38;
	[tilespmem:$0x10000] =	vst v63  }
.LBB2_5:
0x19: {  	s15 =	sadd.s32 $0x80000, s11  }
0x1a: {  	p2 =	sgt.s32 s15, $0x8FFFF  }
0x1b: {  	s15 =	smov.u32 @p2 s2;
	p2 =	sne.s32 s12, s9  }
.Ltmp1:
0x1c: {  	p1 =	slt.u32 s12, $0x2;
	(pc) =	sbr.rel @!p2 .LBB2_6-.Ltmp1, $4  }
0x1d: {  	s14 =	simm.s32 @!p1 $0x3  }
0x1e: {  	s16 =	sadd.s32 $0x1, s12;
	_ =	swait.ge @!p1 [sflag:s14], $0x4000  }
0x1f: {  	s13 =	smov.u32 s11;
	p0 =	por !p0, !p0;
	[sflag:s14] =	ssyncset.done @!p1 $0x0  }
0x20: {  	s12 =	smov.u32 s16;
	s11 =	smov.u32 s15;
	[sflag:s14] =	ssyncadd.s32 @!p1 $0xFFFFC000  }
.LBB2_1:
0x21: {  	p1 =	sge.u32 s12, s8  }
0x22: {  	s14 =	sxor.u32 @!p1 $0xFFFFFFFF, s12  }
0x23: {  	s31 =	sadd.s32 $0xFFFFFFFF, s12;
	s15 =	sshrl.u32 @!p1 s11, $0x3;
	s14 =	sshll.u32 @!p1 s14, $0xE  }
0x24: {  	s16 =	sand.u32 @!p1 $0x7, s11;
	s15 =	sadd.s32 @!p1 s4, s15;
	s14 =	sand.u32 @!p1 $0x4000, s14  }
0x25: {  	[tilespmem:s14], [sflag:$0x2] =	stream.linear.gather @!p1 [hbm4b:s15+s16], $0x4000, $0x38;
	[tilespmem:$0x10000] =	vst v63  }
0x26: {  	p1 =	sge.u32 s31, s8  }
.Ltmp2:
0x27: {  	_ = 	snop;
	(pc) =	sbr.rel @p1 .LBB2_5-.Ltmp2, $1  }
0x28: {  	_ =	sdelay $0x3  }
0x29: {  	s14 =	simm.s32 $0x1  }
0x2a: {  	_ =	swait.ge [sflag:s7], $0x4000;
	s14 =	simm.s32 @!p0 $0x0  }
0x2b: {  	[sflag:s7] =	ssyncset.done $0x0;
	s14 =	sshll.u32 s14, $0xE  }
0x2c: {  	[sflag:s7] =	ssyncadd.s32 $0xFFFFC000;
	(ifvalue) =	ssetifvalue $0x7FFFFFFF;
	v0 =	vld.msk [tilespmem:s14+$0x0 ss:$0x1], $0xffff;
	_ =	sdelay $0x4  }
0x2d: {  	s15 =	sadd.s32 $0x10, s14;
	vm1 =	vgt.s32 v0, $0x0  }
0x2e: {  	v2 =	vld.msk [tilespmem:s15+$0x0 ss:$0x1], $0xffff;
	v1 =	vnsel vm1, $0x0, v0  }
0x2f: {  	v1 =	vmin.u32 v1, $0x8FFFF;
	_ =	sdelay $0x1  }
0x30: {  	s16 =	sshll.u32 s12, $0xE;
	s18 =	simm.s32 $0x20  }
0x31: {  	s16 =	sand.u32 $0x4000, s16;
	s17 =	sadd.s32 $0x10, s15;
	s15 =	sor.u32 $0x8000, s14  }
0x32: {  	s14 =	sor.u32 $0x8000, s16;
	s16 =	sadd.s32 $0x10, s15;
	v0 =	vld.msk [tilespmem:s17+$0x0 ss:$0x1], $0xffff;
	vm1 =	vgt.s32 v2, $0x0;
	(ifvalue) =	ssetifvalue $0x7FFFFFFF  }
.LBB2_3:
0x33: {  	[tilespmem:s15], [sflag:$0x1] =	stream.indirect_vreg.gather [hbm4b:s3+s10], $0x1, v1, vm0, $0x4038;
	[tilespmem:$0x10000] =	vst v63  }
0x34: {  	s18 =	sadd.s32 $0x10, s18  }
0x35: {  	v2 =	vnsel vm1, $0x0, v2;
	p1 =	slt.u32 s18, $0x3FF0  }
.Ltmp3:
0x36: {  	s15 =	smov.u32 s16;
	v1 =	vmin.u32 v2, $0x8FFFF;
	(pc) =	sbr.rel @p1 .LBB2_3-.Ltmp3, $3  }
0x37: {  	_ =	sdelay $0x1  }
0x38: {  	s17 =	sadd.s32 $0x10, s17  }
0x39: {  	vm1 =	vgt.s32 v0, $0x0;
	s16 =	sadd.s32 $0x10, s16;
	v2 =	vmov v0;
	(ifvalue) =	ssetifvalue $0x7FFFFFFF;
	v0 =	vld.msk [tilespmem:s17+$0x0 ss:$0x1], $0xffff  }
.Ltmp4:
0x3a: {  	_ = 	snop;
	(pc) =	sbr.rel .LBB2_4-.Ltmp4, $1  }
0x3b: {  	_ =	sdelay $0x3  }
.LBB2_6:
0x3c: {  	_ =	sfence.sel $0x180000  }
0x3d: {  	s2 =	simm.s32 $0x2;
	[bflag:$0x0] =	sbarrier.arrive $0xFFFF  }
0x3e: {  	s30 =	simm.s32 $0x3;
	[sflag:s2] =	ssyncpa.u1 $0x1  }
0x3f: {  	s31 =	simm.s32 $0x1;
	[sflag:s30] =	ssyncpa.u1 $0x1  }
0x40: {  	[sflag:s31] =	ssyncpa.u1 $0x1  }
0x41: {  	p0 =	sne.s32 s1, $0x0;
	_ =	strace $0x90000047  }
0x42: {  	s0 =	sadd.s32 @!p0 $0x100000, s0;
	[bflag:$0x2] =	sbarrier.arrive $0xFFFF  }
0x43: {  	[sflag:s0] =	ssyncadd.tile.s32 @!p0 $0x1;
	_ =	shalt  }
.Lfunc_end2:
_tile_overlayer_lowered:
.L_overlay_start_2:
0x44: {  	(tag) =	ssettag $0x2  }
0x45: {  	s0 =	rddreg [dreg:$0x0];
	s2 =	stileid.u32  }
0x46: {  	s1 =	rddreg [dreg:$0x1];
	p0 =	sne.s32 s2, $0x0  }
0x47: {  	s3 =	rddreg [dreg:$0x2];
	[bflag:$0x3] =	sbarrier.arrive $0xFFFF;
	s2 =	simm.s32 @!p0 $0x1C01  }
0x48: {  	[timem:s3], [sflag:s2] =	dma.local @!p0 [hbm:s0], s1  }
0x49: {  	s0 =	simm.s32 @!p0 $0x1  }
0x4a: {  	_ =	swait.ge @!p0 [sflag:s0], s1  }
0x4b: {  	s1 =	ssub.s32 @!p0 $0x0, s1;
	[sflag:s0] =	ssyncset.done @!p0 $0x0  }
0x4c: {  	[sflag:s0] =	ssyncadd.s32 @!p0 s1  }
0x4d: {  	[bflag:$0x3] =	sbarrier.arrive $0xFFFF  }
0x4e: {  	_ =	shalt  }

</sc_bundles>
